<compile_context>
chip_gen: v7x
topology: tpu7x:2x2x1
jax: 0.10.2.dev20260603
libtpu: 0.0.44.dev20260713+nightly
codegen_flags: <defaults>
</compile_context>

<pallas_src>
import functools

import jax
import jax.numpy as jnp
from jax import lax
from jax.experimental import pallas as pl
from jax.experimental.pallas import tpu as pltpu
from jax.experimental.pallas import tpu_sc as plsc

N_NODES = 10000
N_CLASS = 128
N_EDGES = 320000
N_LABEL = 5000

NP = 10240
CHUNK = 128
NTILES = 16
_CPT = -(-N_EDGES // (NTILES * CHUNK))
CPT = -(-_CPT // 8) * 8
EPT = CPT * CHUNK
EP = NTILES * EPT
NCHK = NTILES * CPT
NLP = 5120
NLB = NLP // CHUNK
PADN = 10080
LPAD = 10112
RPT = NP // NTILES
ZCH = 128


def _z():
    return jnp.int32(0)


def _dense_body(y1_ref, y2_ref, s_ref, l1_ref, l2_ref, ne_ref):
    def sl(y):
        m = jnp.max(y, axis=1, keepdims=True)
        e = jnp.exp(y - m)
        z = jnp.sum(e, axis=1, keepdims=True)
        return e / z, (y - m) - jnp.log(z)

    s1, l1 = sl(y1_ref[...])
    s2, l2 = sl(y2_ref[...])
    l1_ref[...] = l1
    l2_ref[...] = l2
    s_ref[0] = s1
    s_ref[1] = s2
    ne_ref[...] = (jnp.sum(s1 * l1, axis=1, keepdims=True)
                   + jnp.sum(s2 * l2, axis=1, keepdims=True))


def _dense(y1p, y2p):
    br = 1280
    grid = NP // br
    return pl.pallas_call(
        _dense_body,
        grid=(grid,),
        in_specs=[pl.BlockSpec((br, N_CLASS), lambda i: (i, _z())),
                  pl.BlockSpec((br, N_CLASS), lambda i: (i, _z()))],
        out_specs=[pl.BlockSpec((2, br, N_CLASS), lambda i: (_z(), i, _z())),
                   pl.BlockSpec((br, N_CLASS), lambda i: (i, _z())),
                   pl.BlockSpec((br, N_CLASS), lambda i: (i, _z())),
                   pl.BlockSpec((br, 1), lambda i: (i, _z()))],
        out_shape=[jax.ShapeDtypeStruct((2, NP, N_CLASS), jnp.float32),
                   jax.ShapeDtypeStruct((NP, N_CLASS), jnp.float32),
                   jax.ShapeDtypeStruct((NP, N_CLASS), jnp.float32),
                   jax.ShapeDtypeStruct((NP, 1), jnp.float32)],
    )(y1p, y2p)


def _make_edge_kernel():
    mesh = plsc.VectorSubcoreMesh(core_axis_name="c", subcore_axis_name="s")

    @functools.partial(
        pl.kernel,
        out_type=[
            jax.ShapeDtypeStruct((2, NP, N_CLASS), jnp.float32),
            jax.ShapeDtypeStruct((NP,), jnp.float32),
            jax.ShapeDtypeStruct((NP,), jnp.float32),
            jax.ShapeDtypeStruct((NP,), jnp.float32),
            jax.ShapeDtypeStruct((NP,), jnp.float32),
        ],
        mesh=mesh,
        scratch_types=[
            pltpu.VMEM((4, 1, CHUNK), jnp.int32),
            pltpu.VMEM((4, 1, CHUNK), jnp.int32),
            pltpu.VMEM((4, 1, CHUNK), jnp.float32),
            pltpu.VMEM((2, 1, CHUNK), jnp.float32),
            pltpu.VMEM((CHUNK, N_CLASS), jnp.float32),
            pltpu.VMEM((CHUNK, N_CLASS), jnp.float32),
            pltpu.VMEM((NLB, 1, CHUNK), jnp.int32),
            pltpu.VMEM((1, CHUNK), jnp.float32),
            pltpu.VMEM((RPT,), jnp.float32),
            pltpu.VMEM_SHARED((NP, N_CLASS), jnp.float32),
            pltpu.VMEM_SHARED((NP,), jnp.float32),
            pltpu.VMEM_SHARED((NP,), jnp.float32),
            pltpu.VMEM_SHARED((NP,), jnp.float32),
            pltpu.VMEM_SHARED((NP,), jnp.float32),
            pltpu.SemaphoreType.DMA,
            pltpu.SemaphoreType.DMA,
            pltpu.SemaphoreType.DMA,
            pltpu.SemaphoreType.DMA,
            pltpu.SemaphoreType.DMA,
            pltpu.SemaphoreType.DMA,
            pltpu.SemaphoreType.DMA,
        ],
        compiler_params=pltpu.CompilerParams(needs_layout_passes=False),
    )
    def edge_kernel(pay_hbm, ne12_hbm, row_hbm, col_hbm, ew_hbm, lab_hbm,
                    zg_hbm, zc_hbm, ones_hbm,
                    g_hbm, cs_hbm, deg_hbm, ne_hbm, mask_hbm,
                    rib, cib, ewb, neb, buf0, buf1, lab_v, ones_v, st_v,
                    g_acc, cs_acc, deg_acc, ne_acc, mask_acc,
                    isem0, isem1, gsem0, gsem1, ssem0, ssem1, msem):
        cid = lax.axis_index("c")
        sid = lax.axis_index("s")
        bufs = (buf0, buf1)
        isem = (isem0, isem1)
        gsem = (gsem0, gsem1)
        ssem = (ssem0, ssem1)
        tb = sid * CPT
        rbase = cid * NCHK + tb

        pltpu.sync_copy(ones_hbm, ones_v.at[_z()])

        @pl.when((cid == 0) & (sid == 0))
        def _():
            pltpu.sync_copy(lab_hbm, lab_v)

        r0 = sid * RPT
        pltpu.sync_copy(zg_hbm, g_acc.at[pl.ds(r0, RPT)])
        pltpu.sync_copy(zc_hbm.at[pl.ds(0, RPT)], cs_acc.at[pl.ds(r0, RPT)])
        pltpu.sync_copy(zc_hbm.at[pl.ds(0, RPT)], deg_acc.at[pl.ds(r0, RPT)])
        pltpu.sync_copy(zc_hbm.at[pl.ds(0, RPT)], ne_acc.at[pl.ds(r0, RPT)])
        pltpu.sync_copy(zc_hbm.at[pl.ds(0, RPT)], mask_acc.at[pl.ds(r0, RPT)])
        plsc.subcore_barrier()

        @pl.when((cid == 0) & (sid == 0))
        def _():
            def lfire(j, c):
                pltpu.async_copy(ones_v.at[_z()],
                                 mask_acc.at[lab_v.at[j, _z()]], msem,
                                 add=True)
                return c

            lax.fori_loop(_z(), jnp.int32(NLB), lfire, _z())

        def load_idx(i, b):
            q = lax.rem(i, jnp.int32(4))
            pltpu.async_copy(row_hbm.at[rbase + i], rib.at[q], isem[b])
            pltpu.async_copy(col_hbm.at[tb + i], cib.at[q], isem[b])

            @pl.when(cid == 0)
            def _():
                pltpu.async_copy(ew_hbm.at[tb + i], ewb.at[q], isem[b])

        for b in range(2):
            load_idx(jnp.int32(b), b)

        def step(k, c):
            for b in range(2):
                i = k * jnp.int32(2) + jnp.int32(b)
                q = lax.rem(i, jnp.int32(4))
                ob = 1 - b

                @pl.when(i < jnp.int32(CPT))
                def _():
                    pltpu.make_async_copy(row_hbm.at[_z()], rib.at[_z()],
                                          isem[b]).wait()
                    pltpu.make_async_copy(row_hbm.at[_z()], cib.at[_z()],
                                          isem[b]).wait()

                    @pl.when(cid == 0)
                    def _():
                        pltpu.make_async_copy(ew_hbm.at[_z()], ewb.at[_z()],
                                              isem[b]).wait()

                    @pl.when(i >= jnp.int32(2))
                    def _():
                        pltpu.make_async_copy(pay_hbm.at[pl.ds(0, CHUNK)],
                                              bufs[b], ssem[b]).wait()

                        @pl.when(cid == 0)
                        def _():
                            pltpu.make_async_copy(ew_hbm.at[_z()],
                                                  ewb.at[_z()],
                                                  ssem[b]).wait()
                            pltpu.make_async_copy(ew_hbm.at[_z()],
                                                  ewb.at[_z()],
                                                  ssem[b]).wait()

                        @pl.when(cid == 1)
                        def _():
                            pltpu.make_async_copy(ew_hbm.at[_z()],
                                                  neb.at[_z()],
                                                  ssem[b]).wait()

                    pltpu.async_copy(pay_hbm.at[rib.at[q, _z()]], bufs[b],
                                     gsem[b])

                    @pl.when(cid == 1)
                    def _():
                        pltpu.async_copy(ne12_hbm.at[rib.at[q, _z()]],
                                         neb.at[jnp.int32(b), _z()], gsem[b])

                    @pl.when(i + jnp.int32(2) < jnp.int32(CPT))
                    def _():
                        load_idx(i + jnp.int32(2), b)

                @pl.when((i >= jnp.int32(1)) & (i <= jnp.int32(CPT)))
                def _():
                    j = i - jnp.int32(1)
                    jq = lax.rem(j, jnp.int32(4))
                    pltpu.make_async_copy(pay_hbm.at[pl.ds(0, CHUNK)],
                                          bufs[ob], gsem[ob]).wait()

                    @pl.when(cid == 1)
                    def _():
                        pltpu.make_async_copy(ew_hbm.at[_z()], neb.at[_z()],
                                              gsem[ob]).wait()

                    pltpu.async_copy(bufs[ob], g_acc.at[cib.at[jq, _z()]],
                                     ssem[ob], add=True)

                    @pl.when(cid == 0)
                    def _():
                        pltpu.async_copy(ewb.at[jq, _z()],
                                         cs_acc.at[cib.at[jq, _z()]],
                                         ssem[ob], add=True)
                        pltpu.async_copy(ones_v.at[_z()],
                                         deg_acc.at[cib.at[jq, _z()]],
                                         ssem[ob], add=True)

                    @pl.when(cid == 1)
                    def _():
                        pltpu.async_copy(neb.at[jnp.int32(ob), _z()],
                                         ne_acc.at[cib.at[jq, _z()]],
                                         ssem[ob], add=True)

            return c

        lax.fori_loop(_z(), jnp.int32(CPT // 2 + 1), step, _z())

        for b in range(2):
            pltpu.make_async_copy(pay_hbm.at[pl.ds(0, CHUNK)], bufs[b],
                                  ssem[b]).wait()

            @pl.when(cid == 0)
            def _():
                pltpu.make_async_copy(ew_hbm.at[_z()], ewb.at[_z()],
                                      ssem[b]).wait()
                pltpu.make_async_copy(ew_hbm.at[_z()], ewb.at[_z()],
                                      ssem[b]).wait()

            @pl.when(cid == 1)
            def _():
                pltpu.make_async_copy(ew_hbm.at[_z()], neb.at[_z()],
                                      ssem[b]).wait()

        @pl.when((cid == 0) & (sid == 0))
        def _():
            pltpu.make_async_copy(lab_hbm, lab_v, msem).wait()

        plsc.subcore_barrier()

        def wb_body(j, c):
            rr = pl.multiple_of(sid * RPT + j * jnp.int32(ZCH), ZCH)
            pltpu.sync_copy(g_acc.at[pl.ds(rr, ZCH)], buf0)
            pltpu.sync_copy(buf0, g_hbm.at[cid, pl.ds(rr, ZCH)])
            return c

        lax.fori_loop(_z(), jnp.int32(RPT // ZCH), wb_body, _z())

        @pl.when(cid == 0)
        def _():
            pltpu.sync_copy(cs_acc.at[pl.ds(r0, RPT)], st_v)
            pltpu.sync_copy(st_v, cs_hbm.at[pl.ds(r0, RPT)])
            pltpu.sync_copy(deg_acc.at[pl.ds(r0, RPT)], st_v)
            pltpu.sync_copy(st_v, deg_hbm.at[pl.ds(r0, RPT)])
            pltpu.sync_copy(mask_acc.at[pl.ds(r0, RPT)], st_v)
            pltpu.sync_copy(st_v, mask_hbm.at[pl.ds(r0, RPT)])

        @pl.when(cid == 1)
        def _():
            pltpu.sync_copy(ne_acc.at[pl.ds(r0, RPT)], st_v)
            pltpu.sync_copy(st_v, ne_hbm.at[pl.ds(r0, RPT)])

    return edge_kernel


_edge_kernel = _make_edge_kernel()


def _combine_body(g_ref, l1_ref, l2_ref, ne_ref, deg_ref, cs_ref, mask_ref,
                  out_ref):
    t = (ne_ref[...]
         - jnp.sum(g_ref[0] * l1_ref[...], axis=1, keepdims=True)
         - jnp.sum(g_ref[1] * l2_ref[...], axis=1, keepdims=True))
    mask = (mask_ref[...] > 0.0).astype(jnp.float32)
    kl = jnp.sum(mask * t)
    cnt = jnp.sum(mask * deg_ref[...])
    wsum = jnp.sum(mask * (cs_ref[...] > 0.0).astype(jnp.float32))
    denom = jnp.maximum(cnt, 1.0)
    loss = jnp.where(cnt > 0.0, (kl / denom) * wsum / N_LABEL, 0.0)
    out_ref[...] = jnp.reshape(loss, (1, 1))


def _combine(g, l1, l2, ne, deg, cs, mask):
    return pl.pallas_call(
        _combine_body,
        out_shape=jax.ShapeDtypeStruct((1, 1), jnp.float32),
    )(g, l1, l2, ne, deg, cs, mask)


def kernel(y1, y2, edge_index, edge_weight, idx_label):
    y1p = jnp.pad(y1.astype(jnp.float32), ((0, NP - N_NODES), (0, 0)))
    y2p = jnp.pad(y2.astype(jnp.float32), ((0, NP - N_NODES), (0, 0)))
    row = edge_index[0].astype(jnp.int32)
    col = edge_index[1].astype(jnp.int32)
    ew = edge_weight.astype(jnp.float32)
    pad_e = EP - N_EDGES
    rowp = jnp.concatenate([row, jnp.zeros((pad_e,), jnp.int32)])
    row2 = jnp.stack([rowp, rowp + NP]).reshape(2 * NCHK, 1, CHUNK)
    colp = jnp.concatenate([col, jnp.full((pad_e,), PADN, jnp.int32)])
    col2 = colp.reshape(NCHK, 1, CHUNK)
    ewp = jnp.concatenate([ew, jnp.zeros((pad_e,), jnp.float32)])
    ew2 = ewp.reshape(NCHK, 1, CHUNK)
    labp = jnp.concatenate([idx_label.astype(jnp.int32),
                            jnp.full((NLP - N_LABEL,), LPAD, jnp.int32)])
    lab2 = labp.reshape(NLB, 1, CHUNK)

    s12, l1, l2, ne12 = _dense(y1p, y2p)
    zg = jnp.zeros((RPT, N_CLASS), jnp.float32)
    zc = jnp.zeros((NP,), jnp.float32)
    ones = jnp.ones((CHUNK,), jnp.float32)
    g, cs, deg, ne, mask = _edge_kernel(
        s12.reshape(2 * NP, N_CLASS),
        jnp.concatenate([ne12.reshape(NP), ne12.reshape(NP)]),
        row2, col2, ew2, lab2, zg, zc, ones)
    loss = _combine(g, l1, l2, ne.reshape(NP, 1), deg.reshape(NP, 1),
                    cs.reshape(NP, 1), mask.reshape(NP, 1))
    return loss[0, 0]

# --- scband reference (transcript-rebuilt; emitter-appended) ---
"""Pipeline reference for scband-intraview-reg-39101382263466 (READ-ONLY COPY).

The authoritative reference and input builder live on the scoring server;
editing this copy changes nothing except your own understanding.
"""

import jax
jax.config.update('jax_enable_x64', True)
import jax.numpy as jnp
import numpy as np

N_NODES = 10000
N_EDGES = 320000
N_CLASS = 128
N_LABEL = 5000


def _kl_batchmean(p, q):
    # F.kl_div(log_softmax(p), softmax(q), reduction='batchmean')
    logp = jax.nn.log_softmax(p, axis=1)
    tq = jax.nn.softmax(q, axis=1)
    logtq = jax.nn.log_softmax(q, axis=1)
    return jnp.sum(tq * (logtq - logp)) / p.shape[0]


def _kl_rows(p, q):
    logp = jax.nn.log_softmax(p, axis=1)
    tq = jax.nn.softmax(q, axis=1)
    logtq = jax.nn.log_softmax(q, axis=1)
    return jnp.sum(tq * (logtq - logp), axis=1)


def setup_inputs(seed: int = 0) -> dict:
    key = jax.random.key(seed)
    k1, k2, k3, k4, k5 = jax.random.split(key, 5)
    y1 = jax.random.normal(k1, (N_NODES, N_CLASS), dtype=jnp.float32)
    y2 = jax.random.normal(k2, (N_NODES, N_CLASS), dtype=jnp.float32)
    edge_index = jax.random.randint(k3, (2, N_EDGES), 0, N_NODES, dtype=jnp.int64)
    edge_weight = jax.random.uniform(k4, (N_EDGES,), dtype=jnp.float32)
    idx_label = jax.random.randint(k5, (N_LABEL,), 0, N_NODES, dtype=jnp.int64)
    return {"y1": y1, "y2": y2, "edge_index": edge_index, "edge_weight": edge_weight, "idx_label": idx_label}


def reference(y1, y2, edge_index, edge_weight, idx_label):
    if idx_label.size == 0:
        return jnp.asarray(0.0, dtype=jnp.float32)
    n = y1.shape[0]
    row = edge_index[0]
    col = edge_index[1]
    # column-normalize the weighted adjacency: norm_adj = adj @ diag(1/colsum)
    # (edge_weight is detached in the torch code)
    ew = jax.lax.stop_gradient(edge_weight)
    colsum = jax.ops.segment_sum(ew, col, num_segments=n)
    r_inv = jnp.where(colsum > 0, 1.0 / colsum, 0.0)  # inf -> 0
    norm_w = ew * r_inv[col]
    # keep only edges whose destination is a labeled node
    mask = jnp.isin(col, idx_label)
    count = jnp.sum(mask)
    w_f = jnp.where(mask, norm_w, 0.0)
    p1 = y1[col]
    q1 = jax.lax.stop_gradient(y1[row])
    p2 = y2[col]
    q2 = jax.lax.stop_gradient(y2[row])
    kl1_rows = _kl_rows(p1, q1)
    kl2_rows = _kl_rows(p2, q2)
    maskf = mask.astype(kl1_rows.dtype)
    denom = jnp.where(count > 0, count, 1).astype(kl1_rows.dtype)
    kl1 = jnp.sum(maskf * kl1_rows) / denom
    kl2 = jnp.sum(maskf * kl2_rows) / denom
    # (edge_weight_f * kl_scalar).sum() for each view
    loss = (kl1 + kl2) * jnp.sum(w_f)
    loss = loss / idx_label.shape[0]
    loss = jnp.where(count > 0, loss, jnp.asarray(0.0, dtype=loss.dtype))
    return loss

if __name__ == "__main__":
    import jax
    _d = setup_inputs()
    print(jax.jit(kernel)(*tuple(_d.values())))

</pallas_src>

<mosaic_0001>
#map = affine_map<(d0, d1) -> (0, 0)>
#map1 = affine_map<(d0, d1) -> (0)>
#map2 = affine_map<(d0, d1) -> (0, 0, 0)>
module attributes {stable_mosaic.version = 14 : i64} {
  func.func @edge_kernel(%arg0: i32, %arg1: i32, %arg2: memref<20480x128xf32, #tpu.memory_space<hbm>>, %arg3: memref<20480xf32, #tpu.memory_space<hbm>>, %arg4: memref<5120x1x128xi32, #tpu.memory_space<hbm>>, %arg5: memref<2560x1x128xi32, #tpu.memory_space<hbm>>, %arg6: memref<2560x1x128xf32, #tpu.memory_space<hbm>>, %arg7: memref<40x1x128xi32, #tpu.memory_space<hbm>>, %arg8: memref<640x128xf32, #tpu.memory_space<hbm>>, %arg9: memref<10240xf32, #tpu.memory_space<hbm>>, %arg10: memref<128xf32, #tpu.memory_space<hbm>>, %arg11: memref<2x10240x128xf32, #tpu.memory_space<hbm>>, %arg12: memref<10240xf32, #tpu.memory_space<hbm>>, %arg13: memref<10240xf32, #tpu.memory_space<hbm>>, %arg14: memref<10240xf32, #tpu.memory_space<hbm>>, %arg15: memref<10240xf32, #tpu.memory_space<hbm>>, %arg16: memref<4x1x128xi32, #tpu.memory_space<vmem>>, %arg17: memref<4x1x128xi32, #tpu.memory_space<vmem>>, %arg18: memref<4x1x128xf32, #tpu.memory_space<vmem>>, %arg19: memref<2x1x128xf32, #tpu.memory_space<vmem>>, %arg20: memref<128x128xf32, #tpu.memory_space<vmem>>, %arg21: memref<128x128xf32, #tpu.memory_space<vmem>>, %arg22: memref<40x1x128xi32, #tpu.memory_space<vmem>>, %arg23: memref<1x128xf32, #tpu.memory_space<vmem>>, %arg24: memref<640xf32, #tpu.memory_space<vmem>>, %arg25: memref<10240x128xf32, #tpu.memory_space<vmem_shared>>, %arg26: memref<10240xf32, #tpu.memory_space<vmem_shared>>, %arg27: memref<10240xf32, #tpu.memory_space<vmem_shared>>, %arg28: memref<10240xf32, #tpu.memory_space<vmem_shared>>, %arg29: memref<10240xf32, #tpu.memory_space<vmem_shared>>, %arg30: memref<!tpu.dma_semaphore, #tpu.memory_space<semaphore_mem>>, %arg31: memref<!tpu.dma_semaphore, #tpu.memory_space<semaphore_mem>>, %arg32: memref<!tpu.dma_semaphore, #tpu.memory_space<semaphore_mem>>, %arg33: memref<!tpu.dma_semaphore, #tpu.memory_space<semaphore_mem>>, %arg34: memref<!tpu.dma_semaphore, #tpu.memory_space<semaphore_mem>>, %arg35: memref<!tpu.dma_semaphore, #tpu.memory_space<semaphore_mem>>, %arg36: memref<!tpu.dma_semaphore, #tpu.memory_space<semaphore_mem>>) attributes {dimension_semantics = [#tpu.dimension_semantics<core_parallel>, #tpu.dimension_semantics<subcore_parallel>], iteration_bounds = array<i64: 2, 16>, scalar_prefetch = 0 : i64, scratch_operands = 21 : i64, tpu.core_type = #tpu.core_type<sc_vector_subcore>, window_params = [{transform_indices = #map}, {transform_indices = #map1}, {transform_indices = #map2}, {transform_indices = #map2}, {transform_indices = #map2}, {transform_indices = #map2}, {transform_indices = #map}, {transform_indices = #map1}, {transform_indices = #map1}, {transform_indices = #map2}, {transform_indices = #map1}, {transform_indices = #map1}, {transform_indices = #map1}, {transform_indices = #map1}]} {
    %mul3A = arith.constant 160 : i32
    %mul3A_0 = arith.muli %arg1, %mul3A : i32
    %mul3A_1 = arith.constant 2560 : i32
    %mul3A_2 = arith.muli %arg0, %mul3A_1 : i32
    %add3A = arith.addi %mul3A_2, %mul3A_0 : i32
    %run_scoped3A = arith.constant 0 : i32
    "tpu.region"() ({
      %run_scoped3A_176 = tpu.sem_alloc : memref<!tpu.dma_semaphore, #tpu.memory_space<semaphore_mem>>
      %dma_start3A_177 = arith.constant 0 : i32
      %dma_start3A_178 = tpu.memref_slice %arg23[%run_scoped3A, %dma_start3A_177] : memref<1x128xf32, #tpu.memory_space<vmem>> -> memref<1x128xf32, #tpu.memory_space<vmem>>
      %dma_start3A_179 = tpu.memref_squeeze %dma_start3A_178 : memref<1x128xf32, #tpu.memory_space<vmem>> -> memref<128xf32, #tpu.memory_space<vmem>>
      %dma_start3A_180 = arith.constant 0 : i32
      %dma_start3A_181 = tpu.memref_slice %arg23[%run_scoped3A, %dma_start3A_180] : memref<1x128xf32, #tpu.memory_space<vmem>> -> memref<1x128xf32, #tpu.memory_space<vmem>>
      %dma_start3A_182 = tpu.memref_squeeze %dma_start3A_181 : memref<1x128xf32, #tpu.memory_space<vmem>> -> memref<128xf32, #tpu.memory_space<vmem>>
      tpu.enqueue_dma source(%arg10 : memref<128xf32, #tpu.memory_space<hbm>>) target(%dma_start3A_182 : memref<128xf32, #tpu.memory_space<vmem>>) target_semaphore(%run_scoped3A_176 : memref<!tpu.dma_semaphore, #tpu.memory_space<semaphore_mem>>)
      %dma_wait3A_183 = arith.constant 0 : i32
      %dma_wait3A_184 = tpu.memref_slice %arg23[%run_scoped3A, %dma_wait3A_183] : memref<1x128xf32, #tpu.memory_space<vmem>> -> memref<1x128xf32, #tpu.memory_space<vmem>>
      %dma_wait3A_185 = tpu.memref_squeeze %dma_wait3A_184 : memref<1x128xf32, #tpu.memory_space<vmem>> -> memref<128xf32, #tpu.memory_space<vmem>>
      %dma_wait3A_186 = arith.constant 0 : i32
      %dma_wait3A_187 = tpu.memref_slice %arg23[%run_scoped3A, %dma_wait3A_186] : memref<1x128xf32, #tpu.memory_space<vmem>> -> memref<1x128xf32, #tpu.memory_space<vmem>>
      %dma_wait3A_188 = tpu.memref_squeeze %dma_wait3A_187 : memref<1x128xf32, #tpu.memory_space<vmem>> -> memref<128xf32, #tpu.memory_space<vmem>>
      tpu.wait_dma2 semaphore(%run_scoped3A_176 : memref<!tpu.dma_semaphore, #tpu.memory_space<semaphore_mem>>) src(%arg10 : memref<128xf32, #tpu.memory_space<hbm>>) dst(%dma_wait3A_188 : memref<128xf32, #tpu.memory_space<vmem>>)
      tpu.yield
    }) : () -> ()
    %eq3A = arith.constant 0 : i32
    %eq3A_3 = arith.cmpi eq, %arg0, %eq3A : i32
    %eq3A_4 = arith.constant 0 : i32
    %eq3A_5 = arith.cmpi eq, %arg1, %eq3A_4 : i32
    %and3A = arith.andi %eq3A_3, %eq3A_5 : i1
    %convert_element_type3A = arith.extui %and3A : i1 to i32
    %cond3A = arith.constant 0 : i32
    %cond3A_6 = arith.cmpi ne, %convert_element_type3A, %cond3A : i32
    scf.if %cond3A_6 {
      "tpu.region"() ({
        %run_scoped3A_176 = tpu.sem_alloc : memref<!tpu.dma_semaphore, #tpu.memory_space<semaphore_mem>>
        tpu.enqueue_dma source(%arg7 : memref<40x1x128xi32, #tpu.memory_space<hbm>>) target(%arg22 : memref<40x1x128xi32, #tpu.memory_space<vmem>>) target_semaphore(%run_scoped3A_176 : memref<!tpu.dma_semaphore, #tpu.memory_space<semaphore_mem>>)
        tpu.wait_dma2 semaphore(%run_scoped3A_176 : memref<!tpu.dma_semaphore, #tpu.memory_space<semaphore_mem>>) src(%arg7 : memref<40x1x128xi32, #tpu.memory_space<hbm>>) dst(%arg22 : memref<40x1x128xi32, #tpu.memory_space<vmem>>)
        tpu.yield
      }) : () -> ()
    } else {
    }
    %mul3A_7 = arith.constant 640 : i32
    %mul3A_8 = arith.muli %arg1, %mul3A_7 : i32
    "tpu.region"() ({
      %run_scoped3A_176 = tpu.sem_alloc : memref<!tpu.dma_semaphore, #tpu.memory_space<semaphore_mem>>
      %dma_start3A_177 = arith.constant 0 : i32
      %dma_start3A_178 = tpu.memref_slice %arg25[%mul3A_8, %dma_start3A_177] : memref<10240x128xf32, #tpu.memory_space<vmem_shared>> -> memref<640x128xf32, #tpu.memory_space<vmem_shared>>
      tpu.enqueue_dma source(%arg8 : memref<640x128xf32, #tpu.memory_space<hbm>>) target(%dma_start3A_178 : memref<640x128xf32, #tpu.memory_space<vmem_shared>>) target_semaphore(%run_scoped3A_176 : memref<!tpu.dma_semaphore, #tpu.memory_space<semaphore_mem>>)
      %dma_wait3A_179 = arith.constant 0 : i32
      %dma_wait3A_180 = tpu.memref_slice %arg25[%mul3A_8, %dma_wait3A_179] : memref<10240x128xf32, #tpu.memory_space<vmem_shared>> -> memref<640x128xf32, #tpu.memory_space<vmem_shared>>
      tpu.wait_dma2 semaphore(%run_scoped3A_176 : memref<!tpu.dma_semaphore, #tpu.memory_space<semaphore_mem>>) src(%arg8 : memref<640x128xf32, #tpu.memory_space<hbm>>) dst(%dma_wait3A_180 : memref<640x128xf32, #tpu.memory_space<vmem_shared>>)
      tpu.yield
    }) : () -> ()
    "tpu.region"() ({
      %run_scoped3A_176 = tpu.sem_alloc : memref<!tpu.dma_semaphore, #tpu.memory_space<semaphore_mem>>
      %dma_start3A_177 = tpu.memref_slice %arg26[%mul3A_8] : memref<10240xf32, #tpu.memory_space<vmem_shared>> -> memref<640xf32, #tpu.memory_space<vmem_shared>>
      %dma_start3A_178 = arith.constant 0 : i32
      %dma_start3A_179 = tpu.memref_slice %arg9[%dma_start3A_178] : memref<10240xf32, #tpu.memory_space<hbm>> -> memref<640xf32, #tpu.memory_space<hbm>>
      tpu.enqueue_dma source(%dma_start3A_179 : memref<640xf32, #tpu.memory_space<hbm>>) target(%dma_start3A_177 : memref<640xf32, #tpu.memory_space<vmem_shared>>) target_semaphore(%run_scoped3A_176 : memref<!tpu.dma_semaphore, #tpu.memory_space<semaphore_mem>>)
      %dma_wait3A_180 = tpu.memref_slice %arg26[%mul3A_8] : memref<10240xf32, #tpu.memory_space<vmem_shared>> -> memref<640xf32, #tpu.memory_space<vmem_shared>>
      %dma_wait3A_181 = arith.constant 0 : i32
      %dma_wait3A_182 = tpu.memref_slice %arg9[%dma_wait3A_181] : memref<10240xf32, #tpu.memory_space<hbm>> -> memref<640xf32, #tpu.memory_space<hbm>>
      tpu.wait_dma2 semaphore(%run_scoped3A_176 : memref<!tpu.dma_semaphore, #tpu.memory_space<semaphore_mem>>) src(%dma_wait3A_182 : memref<640xf32, #tpu.memory_space<hbm>>) dst(%dma_wait3A_180 : memref<640xf32, #tpu.memory_space<vmem_shared>>)
      tpu.yield
    }) : () -> ()
    "tpu.region"() ({
      %run_scoped3A_176 = tpu.sem_alloc : memref<!tpu.dma_semaphore, #tpu.memory_space<semaphore_mem>>
      %dma_start3A_177 = tpu.memref_slice %arg27[%mul3A_8] : memref<10240xf32, #tpu.memory_space<vmem_shared>> -> memref<640xf32, #tpu.memory_space<vmem_shared>>
      %dma_start3A_178 = arith.constant 0 : i32
      %dma_start3A_179 = tpu.memref_slice %arg9[%dma_start3A_178] : memref<10240xf32, #tpu.memory_space<hbm>> -> memref<640xf32, #tpu.memory_space<hbm>>
      tpu.enqueue_dma source(%dma_start3A_179 : memref<640xf32, #tpu.memory_space<hbm>>) target(%dma_start3A_177 : memref<640xf32, #tpu.memory_space<vmem_shared>>) target_semaphore(%run_scoped3A_176 : memref<!tpu.dma_semaphore, #tpu.memory_space<semaphore_mem>>)
      %dma_wait3A_180 = tpu.memref_slice %arg27[%mul3A_8] : memref<10240xf32, #tpu.memory_space<vmem_shared>> -> memref<640xf32, #tpu.memory_space<vmem_shared>>
      %dma_wait3A_181 = arith.constant 0 : i32
      %dma_wait3A_182 = tpu.memref_slice %arg9[%dma_wait3A_181] : memref<10240xf32, #tpu.memory_space<hbm>> -> memref<640xf32, #tpu.memory_space<hbm>>
      tpu.wait_dma2 semaphore(%run_scoped3A_176 : memref<!tpu.dma_semaphore, #tpu.memory_space<semaphore_mem>>) src(%dma_wait3A_182 : memref<640xf32, #tpu.memory_space<hbm>>) dst(%dma_wait3A_180 : memref<640xf32, #tpu.memory_space<vmem_shared>>)
      tpu.yield
    }) : () -> ()
    "tpu.region"() ({
      %run_scoped3A_176 = tpu.sem_alloc : memref<!tpu.dma_semaphore, #tpu.memory_space<semaphore_mem>>
      %dma_start3A_177 = tpu.memref_slice %arg28[%mul3A_8] : memref<10240xf32, #tpu.memory_space<vmem_shared>> -> memref<640xf32, #tpu.memory_space<vmem_shared>>
      %dma_start3A_178 = arith.constant 0 : i32
      %dma_start3A_179 = tpu.memref_slice %arg9[%dma_start3A_178] : memref<10240xf32, #tpu.memory_space<hbm>> -> memref<640xf32, #tpu.memory_space<hbm>>
      tpu.enqueue_dma source(%dma_start3A_179 : memref<640xf32, #tpu.memory_space<hbm>>) target(%dma_start3A_177 : memref<640xf32, #tpu.memory_space<vmem_shared>>) target_semaphore(%run_scoped3A_176 : memref<!tpu.dma_semaphore, #tpu.memory_space<semaphore_mem>>)
      %dma_wait3A_180 = tpu.memref_slice %arg28[%mul3A_8] : memref<10240xf32, #tpu.memory_space<vmem_shared>> -> memref<640xf32, #tpu.memory_space<vmem_shared>>
      %dma_wait3A_181 = arith.constant 0 : i32
      %dma_wait3A_182 = tpu.memref_slice %arg9[%dma_wait3A_181] : memref<10240xf32, #tpu.memory_space<hbm>> -> memref<640xf32, #tpu.memory_space<hbm>>
      tpu.wait_dma2 semaphore(%run_scoped3A_176 : memref<!tpu.dma_semaphore, #tpu.memory_space<semaphore_mem>>) src(%dma_wait3A_182 : memref<640xf32, #tpu.memory_space<hbm>>) dst(%dma_wait3A_180 : memref<640xf32, #tpu.memory_space<vmem_shared>>)
      tpu.yield
    }) : () -> ()
    "tpu.region"() ({
      %run_scoped3A_176 = tpu.sem_alloc : memref<!tpu.dma_semaphore, #tpu.memory_space<semaphore_mem>>
      %dma_start3A_177 = tpu.memref_slice %arg29[%mul3A_8] : memref<10240xf32, #tpu.memory_space<vmem_shared>> -> memref<640xf32, #tpu.memory_space<vmem_shared>>
      %dma_start3A_178 = arith.constant 0 : i32
      %dma_start3A_179 = tpu.memref_slice %arg9[%dma_start3A_178] : memref<10240xf32, #tpu.memory_space<hbm>> -> memref<640xf32, #tpu.memory_space<hbm>>
      tpu.enqueue_dma source(%dma_start3A_179 : memref<640xf32, #tpu.memory_space<hbm>>) target(%dma_start3A_177 : memref<640xf32, #tpu.memory_space<vmem_shared>>) target_semaphore(%run_scoped3A_176 : memref<!tpu.dma_semaphore, #tpu.memory_space<semaphore_mem>>)
      %dma_wait3A_180 = tpu.memref_slice %arg29[%mul3A_8] : memref<10240xf32, #tpu.memory_space<vmem_shared>> -> memref<640xf32, #tpu.memory_space<vmem_shared>>
      %dma_wait3A_181 = arith.constant 0 : i32
      %dma_wait3A_182 = tpu.memref_slice %arg9[%dma_wait3A_181] : memref<10240xf32, #tpu.memory_space<hbm>> -> memref<640xf32, #tpu.memory_space<hbm>>
      tpu.wait_dma2 semaphore(%run_scoped3A_176 : memref<!tpu.dma_semaphore, #tpu.memory_space<semaphore_mem>>) src(%dma_wait3A_182 : memref<640xf32, #tpu.memory_space<hbm>>) dst(%dma_wait3A_180 : memref<640xf32, #tpu.memory_space<vmem_shared>>)
      tpu.yield
    }) : () -> ()
    %barrier3A = arith.constant 0 : index
    tpu.barrier barrier_id(%barrier3A)
    %eq3A_9 = arith.constant 0 : i32
    %eq3A_10 = arith.cmpi eq, %arg0, %eq3A_9 : i32
    %eq3A_11 = arith.constant 0 : i32
    %eq3A_12 = arith.cmpi eq, %arg1, %eq3A_11 : i32
    %and3A_13 = arith.andi %eq3A_10, %eq3A_12 : i1
    %convert_element_type3A_14 = arith.extui %and3A_13 : i1 to i32
    %cond3A_15 = arith.constant 0 : i32
    %cond3A_16 = arith.cmpi ne, %convert_element_type3A_14, %cond3A_15 : i32
    scf.if %cond3A_16 {
      %while3A_176 = arith.constant 0 : i32
      %while3A_177 = arith.constant 0 : i32
      %while3A_178 = arith.constant 40 : i32
      %while3A_179 = arith.subi %while3A_178, %while3A_177 : i32
      %while3A_180 = arith.addi %while3A_177, %while3A_179 : i32
      %while3A_181 = arith.constant 1 : i32
      %while3A_182 = arith.divsi %while3A_179, %while3A_181 : i32
      %while3A_183 = arith.muli %while3A_182, %while3A_181 : i32
      %while3A_184 = arith.addi %while3A_177, %while3A_183 : i32
      %while3A_185 = arith.constant 1 : i32
      scf.for %while3A_187 = %while3A_177 to %while3A_184 step %while3A_185  : i32 {
        %dma_start3A_188 = arith.constant 0 : i32
        %dma_start3A_189 = arith.constant 0 : i32
        %dma_start3A_190 = arith.constant 0 : i32
        %dma_start3A_191 = tpu.memref_slice %arg23[%dma_start3A_188, %dma_start3A_190] : memref<1x128xf32, #tpu.memory_space<vmem>> -> memref<1x128xf32, #tpu.memory_space<vmem>>
        %dma_start3A_192 = tpu.memref_squeeze %dma_start3A_191 : memref<1x128xf32, #tpu.memory_space<vmem>> -> memref<128xf32, #tpu.memory_space<vmem>>
        %dma_start3A_193 = arith.constant 0 : i32
        %dma_start3A_194 = tpu.memref_slice %arg22[%while3A_187, %dma_start3A_189, %dma_start3A_193] : memref<40x1x128xi32, #tpu.memory_space<vmem>> -> memref<1x1x128xi32, #tpu.memory_space<vmem>>
        %dma_start3A_195 = tpu.memref_squeeze %dma_start3A_194 : memref<1x1x128xi32, #tpu.memory_space<vmem>> -> memref<128xi32, #tpu.memory_space<vmem>>
        %dma_start3A_196 = arith.constant 0 : i32
        %dma_start3A_197 = tpu.memref_slice %arg29[%dma_start3A_196] : memref<10240xf32, #tpu.memory_space<vmem_shared>> -> memref<10240xf32, #tpu.memory_space<vmem_shared>>
        tpu.enqueue_indirect_dma source(%dma_start3A_192 : memref<128xf32, #tpu.memory_space<vmem>>) target(%dma_start3A_197 : memref<10240xf32, #tpu.memory_space<vmem_shared>>) offsets(%dma_start3A_195 : memref<128xi32, #tpu.memory_space<vmem>>) semaphore(%arg36 : memref<!tpu.dma_semaphore, #tpu.memory_space<semaphore_mem>>) {add = true}
      }
      %while3A_186 = arith.constant 1 : i32
      scf.for %while3A_187 = %while3A_184 to %while3A_180 step %while3A_186  : i32 {
        %dma_start3A_188 = arith.constant 0 : i32
        %dma_start3A_189 = arith.constant 0 : i32
        %dma_start3A_190 = arith.constant 0 : i32
        %dma_start3A_191 = tpu.memref_slice %arg23[%dma_start3A_188, %dma_start3A_190] : memref<1x128xf32, #tpu.memory_space<vmem>> -> memref<1x128xf32, #tpu.memory_space<vmem>>
        %dma_start3A_192 = tpu.memref_squeeze %dma_start3A_191 : memref<1x128xf32, #tpu.memory_space<vmem>> -> memref<128xf32, #tpu.memory_space<vmem>>
        %dma_start3A_193 = arith.constant 0 : i32
        %dma_start3A_194 = tpu.memref_slice %arg22[%while3A_187, %dma_start3A_189, %dma_start3A_193] : memref<40x1x128xi32, #tpu.memory_space<vmem>> -> memref<1x1x128xi32, #tpu.memory_space<vmem>>
        %dma_start3A_195 = tpu.memref_squeeze %dma_start3A_194 : memref<1x1x128xi32, #tpu.memory_space<vmem>> -> memref<128xi32, #tpu.memory_space<vmem>>
        %dma_start3A_196 = arith.constant 0 : i32
        %dma_start3A_197 = tpu.memref_slice %arg29[%dma_start3A_196] : memref<10240xf32, #tpu.memory_space<vmem_shared>> -> memref<10240xf32, #tpu.memory_space<vmem_shared>>
        tpu.enqueue_indirect_dma source(%dma_start3A_192 : memref<128xf32, #tpu.memory_space<vmem>>) target(%dma_start3A_197 : memref<10240xf32, #tpu.memory_space<vmem_shared>>) offsets(%dma_start3A_195 : memref<128xi32, #tpu.memory_space<vmem>>) semaphore(%arg36 : memref<!tpu.dma_semaphore, #tpu.memory_space<semaphore_mem>>) {add = true}
      }
    } else {
    }
    %rem3A = arith.constant 0 : i32
    %rem3A_17 = arith.constant 4 : i32
    %rem3A_18 = arith.remsi %rem3A, %rem3A_17 : i32
    %add3A_19 = arith.constant 0 : i32
    %add3A_20 = arith.addi %add3A, %add3A_19 : i32
    %dma_start3A = arith.constant 0 : i32
    %dma_start3A_21 = arith.constant 0 : i32
    %dma_start3A_22 = tpu.memref_slice %arg16[%rem3A_18, %dma_start3A, %dma_start3A_21] : memref<4x1x128xi32, #tpu.memory_space<vmem>> -> memref<1x1x128xi32, #tpu.memory_space<vmem>>
    %dma_start3A_23 = tpu.memref_squeeze %dma_start3A_22 : memref<1x1x128xi32, #tpu.memory_space<vmem>> -> memref<1x128xi32, #tpu.memory_space<vmem>>
    %dma_start3A_24 = arith.constant 0 : i32
    %dma_start3A_25 = arith.constant 0 : i32
    %dma_start3A_26 = tpu.memref_slice %arg4[%add3A_20, %dma_start3A_24, %dma_start3A_25] : memref<5120x1x128xi32, #tpu.memory_space<hbm>> -> memref<1x1x128xi32, #tpu.memory_space<hbm>>
    %dma_start3A_27 = tpu.memref_squeeze %dma_start3A_26 : memref<1x1x128xi32, #tpu.memory_space<hbm>> -> memref<1x128xi32, #tpu.memory_space<hbm>>
    %dma_start3A_28 = arith.constant 0 : i32
    %dma_start3A_29 = arith.constant 0 : i32
    %dma_start3A_30 = tpu.memref_slice %arg16[%rem3A_18, %dma_start3A_28, %dma_start3A_29] : memref<4x1x128xi32, #tpu.memory_space<vmem>> -> memref<1x1x128xi32, #tpu.memory_space<vmem>>
    %dma_start3A_31 = tpu.memref_squeeze %dma_start3A_30 : memref<1x1x128xi32, #tpu.memory_space<vmem>> -> memref<1x128xi32, #tpu.memory_space<vmem>>
    %dma_start3A_32 = arith.constant 0 : i32
    %dma_start3A_33 = arith.constant 0 : i32
    %dma_start3A_34 = tpu.memref_slice %arg4[%add3A_20, %dma_start3A_32, %dma_start3A_33] : memref<5120x1x128xi32, #tpu.memory_space<hbm>> -> memref<1x1x128xi32, #tpu.memory_space<hbm>>
    %dma_start3A_35 = tpu.memref_squeeze %dma_start3A_34 : memref<1x1x128xi32, #tpu.memory_space<hbm>> -> memref<1x128xi32, #tpu.memory_space<hbm>>
    tpu.enqueue_dma source(%dma_start3A_35 : memref<1x128xi32, #tpu.memory_space<hbm>>) target(%dma_start3A_31 : memref<1x128xi32, #tpu.memory_space<vmem>>) target_semaphore(%arg30 : memref<!tpu.dma_semaphore, #tpu.memory_space<semaphore_mem>>)
    %add3A_36 = arith.constant 0 : i32
    %add3A_37 = arith.addi %mul3A_0, %add3A_36 : i32
    %dma_start3A_38 = arith.constant 0 : i32
    %dma_start3A_39 = arith.constant 0 : i32
    %dma_start3A_40 = tpu.memref_slice %arg17[%rem3A_18, %dma_start3A_38, %dma_start3A_39] : memref<4x1x128xi32, #tpu.memory_space<vmem>> -> memref<1x1x128xi32, #tpu.memory_space<vmem>>
    %dma_start3A_41 = tpu.memref_squeeze %dma_start3A_40 : memref<1x1x128xi32, #tpu.memory_space<vmem>> -> memref<1x128xi32, #tpu.memory_space<vmem>>
    %dma_start3A_42 = arith.constant 0 : i32
    %dma_start3A_43 = arith.constant 0 : i32
    %dma_start3A_44 = tpu.memref_slice %arg5[%add3A_37, %dma_start3A_42, %dma_start3A_43] : memref<2560x1x128xi32, #tpu.memory_space<hbm>> -> memref<1x1x128xi32, #tpu.memory_space<hbm>>
    %dma_start3A_45 = tpu.memref_squeeze %dma_start3A_44 : memref<1x1x128xi32, #tpu.memory_space<hbm>> -> memref<1x128xi32, #tpu.memory_space<hbm>>
    %dma_start3A_46 = arith.constant 0 : i32
    %dma_start3A_47 = arith.constant 0 : i32
    %dma_start3A_48 = tpu.memref_slice %arg17[%rem3A_18, %dma_start3A_46, %dma_start3A_47] : memref<4x1x128xi32, #tpu.memory_space<vmem>> -> memref<1x1x128xi32, #tpu.memory_space<vmem>>
    %dma_start3A_49 = tpu.memref_squeeze %dma_start3A_48 : memref<1x1x128xi32, #tpu.memory_space<vmem>> -> memref<1x128xi32, #tpu.memory_space<vmem>>
    %dma_start3A_50 = arith.constant 0 : i32
    %dma_start3A_51 = arith.constant 0 : i32
    %dma_start3A_52 = tpu.memref_slice %arg5[%add3A_37, %dma_start3A_50, %dma_start3A_51] : memref<2560x1x128xi32, #tpu.memory_space<hbm>> -> memref<1x1x128xi32, #tpu.memory_space<hbm>>
    %dma_start3A_53 = tpu.memref_squeeze %dma_start3A_52 : memref<1x1x128xi32, #tpu.memory_space<hbm>> -> memref<1x128xi32, #tpu.memory_space<hbm>>
    tpu.enqueue_dma source(%dma_start3A_53 : memref<1x128xi32, #tpu.memory_space<hbm>>) target(%dma_start3A_49 : memref<1x128xi32, #tpu.memory_space<vmem>>) target_semaphore(%arg30 : memref<!tpu.dma_semaphore, #tpu.memory_space<semaphore_mem>>)
    %eq3A_54 = arith.constant 0 : i32
    %eq3A_55 = arith.cmpi eq, %arg0, %eq3A_54 : i32
    %convert_element_type3A_56 = arith.extui %eq3A_55 : i1 to i32
    %cond3A_57 = arith.constant 0 : i32
    %cond3A_58 = arith.constant 0 : i32
    %cond3A_59 = arith.cmpi ne, %convert_element_type3A_56, %cond3A_58 : i32
    scf.if %cond3A_59 {
      %add3A_176 = arith.addi %mul3A_0, %cond3A_57 : i32
      %dma_start3A_177 = arith.constant 0 : i32
      %dma_start3A_178 = arith.constant 0 : i32
      %dma_start3A_179 = tpu.memref_slice %arg18[%rem3A_18, %dma_start3A_177, %dma_start3A_178] : memref<4x1x128xf32, #tpu.memory_space<vmem>> -> memref<1x1x128xf32, #tpu.memory_space<vmem>>
      %dma_start3A_180 = tpu.memref_squeeze %dma_start3A_179 : memref<1x1x128xf32, #tpu.memory_space<vmem>> -> memref<1x128xf32, #tpu.memory_space<vmem>>
      %dma_start3A_181 = arith.constant 0 : i32
      %dma_start3A_182 = arith.constant 0 : i32
      %dma_start3A_183 = tpu.memref_slice %arg6[%add3A_176, %dma_start3A_181, %dma_start3A_182] : memref<2560x1x128xf32, #tpu.memory_space<hbm>> -> memref<1x1x128xf32, #tpu.memory_space<hbm>>
      %dma_start3A_184 = tpu.memref_squeeze %dma_start3A_183 : memref<1x1x128xf32, #tpu.memory_space<hbm>> -> memref<1x128xf32, #tpu.memory_space<hbm>>
      %dma_start3A_185 = arith.constant 0 : i32
      %dma_start3A_186 = arith.constant 0 : i32
      %dma_start3A_187 = tpu.memref_slice %arg18[%rem3A_18, %dma_start3A_185, %dma_start3A_186] : memref<4x1x128xf32, #tpu.memory_space<vmem>> -> memref<1x1x128xf32, #tpu.memory_space<vmem>>
      %dma_start3A_188 = tpu.memref_squeeze %dma_start3A_187 : memref<1x1x128xf32, #tpu.memory_space<vmem>> -> memref<1x128xf32, #tpu.memory_space<vmem>>
      %dma_start3A_189 = arith.constant 0 : i32
      %dma_start3A_190 = arith.constant 0 : i32
      %dma_start3A_191 = tpu.memref_slice %arg6[%add3A_176, %dma_start3A_189, %dma_start3A_190] : memref<2560x1x128xf32, #tpu.memory_space<hbm>> -> memref<1x1x128xf32, #tpu.memory_space<hbm>>
      %dma_start3A_192 = tpu.memref_squeeze %dma_start3A_191 : memref<1x1x128xf32, #tpu.memory_space<hbm>> -> memref<1x128xf32, #tpu.memory_space<hbm>>
      tpu.enqueue_dma source(%dma_start3A_192 : memref<1x128xf32, #tpu.memory_space<hbm>>) target(%dma_start3A_188 : memref<1x128xf32, #tpu.memory_space<vmem>>) target_semaphore(%arg30 : memref<!tpu.dma_semaphore, #tpu.memory_space<semaphore_mem>>)
    } else {
    }
    %rem3A_60 = arith.constant 1 : i32
    %rem3A_61 = arith.constant 4 : i32
    %rem3A_62 = arith.remsi %rem3A_60, %rem3A_61 : i32
    %add3A_63 = arith.constant 1 : i32
    %add3A_64 = arith.addi %add3A, %add3A_63 : i32
    %dma_start3A_65 = arith.constant 0 : i32
    %dma_start3A_66 = arith.constant 0 : i32
    %dma_start3A_67 = tpu.memref_slice %arg16[%rem3A_62, %dma_start3A_65, %dma_start3A_66] : memref<4x1x128xi32, #tpu.memory_space<vmem>> -> memref<1x1x128xi32, #tpu.memory_space<vmem>>
    %dma_start3A_68 = tpu.memref_squeeze %dma_start3A_67 : memref<1x1x128xi32, #tpu.memory_space<vmem>> -> memref<1x128xi32, #tpu.memory_space<vmem>>
    %dma_start3A_69 = arith.constant 0 : i32
    %dma_start3A_70 = arith.constant 0 : i32
    %dma_start3A_71 = tpu.memref_slice %arg4[%add3A_64, %dma_start3A_69, %dma_start3A_70] : memref<5120x1x128xi32, #tpu.memory_space<hbm>> -> memref<1x1x128xi32, #tpu.memory_space<hbm>>
    %dma_start3A_72 = tpu.memref_squeeze %dma_start3A_71 : memref<1x1x128xi32, #tpu.memory_space<hbm>> -> memref<1x128xi32, #tpu.memory_space<hbm>>
    %dma_start3A_73 = arith.constant 0 : i32
    %dma_start3A_74 = arith.constant 0 : i32
    %dma_start3A_75 = tpu.memref_slice %arg16[%rem3A_62, %dma_start3A_73, %dma_start3A_74] : memref<4x1x128xi32, #tpu.memory_space<vmem>> -> memref<1x1x128xi32, #tpu.memory_space<vmem>>
    %dma_start3A_76 = tpu.memref_squeeze %dma_start3A_75 : memref<1x1x128xi32, #tpu.memory_space<vmem>> -> memref<1x128xi32, #tpu.memory_space<vmem>>
    %dma_start3A_77 = arith.constant 0 : i32
    %dma_start3A_78 = arith.constant 0 : i32
    %dma_start3A_79 = tpu.memref_slice %arg4[%add3A_64, %dma_start3A_77, %dma_start3A_78] : memref<5120x1x128xi32, #tpu.memory_space<hbm>> -> memref<1x1x128xi32, #tpu.memory_space<hbm>>
    %dma_start3A_80 = tpu.memref_squeeze %dma_start3A_79 : memref<1x1x128xi32, #tpu.memory_space<hbm>> -> memref<1x128xi32, #tpu.memory_space<hbm>>
    tpu.enqueue_dma source(%dma_start3A_80 : memref<1x128xi32, #tpu.memory_space<hbm>>) target(%dma_start3A_76 : memref<1x128xi32, #tpu.memory_space<vmem>>) target_semaphore(%arg31 : memref<!tpu.dma_semaphore, #tpu.memory_space<semaphore_mem>>)
    %add3A_81 = arith.constant 1 : i32
    %add3A_82 = arith.addi %mul3A_0, %add3A_81 : i32
    %dma_start3A_83 = arith.constant 0 : i32
    %dma_start3A_84 = arith.constant 0 : i32
    %dma_start3A_85 = tpu.memref_slice %arg17[%rem3A_62, %dma_start3A_83, %dma_start3A_84] : memref<4x1x128xi32, #tpu.memory_space<vmem>> -> memref<1x1x128xi32, #tpu.memory_space<vmem>>
    %dma_start3A_86 = tpu.memref_squeeze %dma_start3A_85 : memref<1x1x128xi32, #tpu.memory_space<vmem>> -> memref<1x128xi32, #tpu.memory_space<vmem>>
    %dma_start3A_87 = arith.constant 0 : i32
    %dma_start3A_88 = arith.constant 0 : i32
    %dma_start3A_89 = tpu.memref_slice %arg5[%add3A_82, %dma_start3A_87, %dma_start3A_88] : memref<2560x1x128xi32, #tpu.memory_space<hbm>> -> memref<1x1x128xi32, #tpu.memory_space<hbm>>
    %dma_start3A_90 = tpu.memref_squeeze %dma_start3A_89 : memref<1x1x128xi32, #tpu.memory_space<hbm>> -> memref<1x128xi32, #tpu.memory_space<hbm>>
    %dma_start3A_91 = arith.constant 0 : i32
    %dma_start3A_92 = arith.constant 0 : i32
    %dma_start3A_93 = tpu.memref_slice %arg17[%rem3A_62, %dma_start3A_91, %dma_start3A_92] : memref<4x1x128xi32, #tpu.memory_space<vmem>> -> memref<1x1x128xi32, #tpu.memory_space<vmem>>
    %dma_start3A_94 = tpu.memref_squeeze %dma_start3A_93 : memref<1x1x128xi32, #tpu.memory_space<vmem>> -> memref<1x128xi32, #tpu.memory_space<vmem>>
    %dma_start3A_95 = arith.constant 0 : i32
    %dma_start3A_96 = arith.constant 0 : i32
    %dma_start3A_97 = tpu.memref_slice %arg5[%add3A_82, %dma_start3A_95, %dma_start3A_96] : memref<2560x1x128xi32, #tpu.memory_space<hbm>> -> memref<1x1x128xi32, #tpu.memory_space<hbm>>
    %dma_start3A_98 = tpu.memref_squeeze %dma_start3A_97 : memref<1x1x128xi32, #tpu.memory_space<hbm>> -> memref<1x128xi32, #tpu.memory_space<hbm>>
    tpu.enqueue_dma source(%dma_start3A_98 : memref<1x128xi32, #tpu.memory_space<hbm>>) target(%dma_start3A_94 : memref<1x128xi32, #tpu.memory_space<vmem>>) target_semaphore(%arg31 : memref<!tpu.dma_semaphore, #tpu.memory_space<semaphore_mem>>)
    %eq3A_99 = arith.constant 0 : i32
    %eq3A_100 = arith.cmpi eq, %arg0, %eq3A_99 : i32
    %convert_element_type3A_101 = arith.extui %eq3A_100 : i1 to i32
    %cond3A_102 = arith.constant 1 : i32
    %cond3A_103 = arith.constant 0 : i32
    %cond3A_104 = arith.cmpi ne, %convert_element_type3A_101, %cond3A_103 : i32
    scf.if %cond3A_104 {
      %add3A_176 = arith.addi %mul3A_0, %cond3A_102 : i32
      %dma_start3A_177 = arith.constant 0 : i32
      %dma_start3A_178 = arith.constant 0 : i32
      %dma_start3A_179 = tpu.memref_slice %arg18[%rem3A_62, %dma_start3A_177, %dma_start3A_178] : memref<4x1x128xf32, #tpu.memory_space<vmem>> -> memref<1x1x128xf32, #tpu.memory_space<vmem>>
      %dma_start3A_180 = tpu.memref_squeeze %dma_start3A_179 : memref<1x1x128xf32, #tpu.memory_space<vmem>> -> memref<1x128xf32, #tpu.memory_space<vmem>>
      %dma_start3A_181 = arith.constant 0 : i32
      %dma_start3A_182 = arith.constant 0 : i32
      %dma_start3A_183 = tpu.memref_slice %arg6[%add3A_176, %dma_start3A_181, %dma_start3A_182] : memref<2560x1x128xf32, #tpu.memory_space<hbm>> -> memref<1x1x128xf32, #tpu.memory_space<hbm>>
      %dma_start3A_184 = tpu.memref_squeeze %dma_start3A_183 : memref<1x1x128xf32, #tpu.memory_space<hbm>> -> memref<1x128xf32, #tpu.memory_space<hbm>>
      %dma_start3A_185 = arith.constant 0 : i32
      %dma_start3A_186 = arith.constant 0 : i32
      %dma_start3A_187 = tpu.memref_slice %arg18[%rem3A_62, %dma_start3A_185, %dma_start3A_186] : memref<4x1x128xf32, #tpu.memory_space<vmem>> -> memref<1x1x128xf32, #tpu.memory_space<vmem>>
      %dma_start3A_188 = tpu.memref_squeeze %dma_start3A_187 : memref<1x1x128xf32, #tpu.memory_space<vmem>> -> memref<1x128xf32, #tpu.memory_space<vmem>>
      %dma_start3A_189 = arith.constant 0 : i32
      %dma_start3A_190 = arith.constant 0 : i32
      %dma_start3A_191 = tpu.memref_slice %arg6[%add3A_176, %dma_start3A_189, %dma_start3A_190] : memref<2560x1x128xf32, #tpu.memory_space<hbm>> -> memref<1x1x128xf32, #tpu.memory_space<hbm>>
      %dma_start3A_192 = tpu.memref_squeeze %dma_start3A_191 : memref<1x1x128xf32, #tpu.memory_space<hbm>> -> memref<1x128xf32, #tpu.memory_space<hbm>>
      tpu.enqueue_dma source(%dma_start3A_192 : memref<1x128xf32, #tpu.memory_space<hbm>>) target(%dma_start3A_188 : memref<1x128xf32, #tpu.memory_space<vmem>>) target_semaphore(%arg31 : memref<!tpu.dma_semaphore, #tpu.memory_space<semaphore_mem>>)
    } else {
    }
    %while3A = arith.constant 0 : i32
    %while3A_105 = arith.constant 0 : i32
    %while3A_106 = arith.constant 81 : i32
    %while3A_107 = arith.subi %while3A_106, %while3A_105 : i32
    %while3A_108 = arith.addi %while3A_105, %while3A_107 : i32
    %while3A_109 = arith.constant 1 : i32
    %while3A_110 = arith.divsi %while3A_107, %while3A_109 : i32
    %while3A_111 = arith.muli %while3A_110, %while3A_109 : i32
    %while3A_112 = arith.addi %while3A_105, %while3A_111 : i32
    %while3A_113 = arith.constant 1 : i32
    scf.for %while3A_176 = %while3A_105 to %while3A_112 step %while3A_113  : i32 {
      %mul3A_177 = arith.constant 2 : i32
      %mul3A_178 = arith.muli %while3A_176, %mul3A_177 : i32
      %add3A_179 = arith.constant 0 : i32
      %add3A_180 = arith.addi %mul3A_178, %add3A_179 : i32
      %rem3A_181 = arith.constant 4 : i32
      %rem3A_182 = arith.remsi %add3A_180, %rem3A_181 : i32
      %lt3A = arith.constant 160 : i32
      %lt3A_183 = arith.cmpi slt, %add3A_180, %lt3A : i32
      %convert_element_type3A_184 = arith.extui %lt3A_183 : i1 to i32
      %cond3A_185 = arith.constant 0 : i32
      %cond3A_186 = arith.cmpi ne, %convert_element_type3A_184, %cond3A_185 : i32
      scf.if %cond3A_186 {
        %dma_wait3A_212 = arith.constant 0 : i32
        %dma_wait3A_213 = arith.constant 0 : i32
        %dma_wait3A_214 = arith.constant 0 : i32
        %dma_wait3A_215 = arith.constant 0 : i32
        %dma_wait3A_216 = tpu.memref_slice %arg16[%dma_wait3A_213, %dma_wait3A_214, %dma_wait3A_215] : memref<4x1x128xi32, #tpu.memory_space<vmem>> -> memref<1x1x128xi32, #tpu.memory_space<vmem>>
        %dma_wait3A_217 = tpu.memref_squeeze %dma_wait3A_216 : memref<1x1x128xi32, #tpu.memory_space<vmem>> -> memref<1x128xi32, #tpu.memory_space<vmem>>
        %dma_wait3A_218 = arith.constant 0 : i32
        %dma_wait3A_219 = arith.constant 0 : i32
        %dma_wait3A_220 = tpu.memref_slice %arg4[%dma_wait3A_212, %dma_wait3A_218, %dma_wait3A_219] : memref<5120x1x128xi32, #tpu.memory_space<hbm>> -> memref<1x1x128xi32, #tpu.memory_space<hbm>>
        %dma_wait3A_221 = tpu.memref_squeeze %dma_wait3A_220 : memref<1x1x128xi32, #tpu.memory_space<hbm>> -> memref<1x128xi32, #tpu.memory_space<hbm>>
        %dma_wait3A_222 = arith.constant 0 : i32
        %dma_wait3A_223 = arith.constant 0 : i32
        %dma_wait3A_224 = tpu.memref_slice %arg16[%dma_wait3A_213, %dma_wait3A_222, %dma_wait3A_223] : memref<4x1x128xi32, #tpu.memory_space<vmem>> -> memref<1x1x128xi32, #tpu.memory_space<vmem>>
        %dma_wait3A_225 = tpu.memref_squeeze %dma_wait3A_224 : memref<1x1x128xi32, #tpu.memory_space<vmem>> -> memref<1x128xi32, #tpu.memory_space<vmem>>
        %dma_wait3A_226 = arith.constant 0 : i32
        %dma_wait3A_227 = arith.constant 0 : i32
        %dma_wait3A_228 = tpu.memref_slice %arg4[%dma_wait3A_212, %dma_wait3A_226, %dma_wait3A_227] : memref<5120x1x128xi32, #tpu.memory_space<hbm>> -> memref<1x1x128xi32, #tpu.memory_space<hbm>>
        %dma_wait3A_229 = tpu.memref_squeeze %dma_wait3A_228 : memref<1x1x128xi32, #tpu.memory_space<hbm>> -> memref<1x128xi32, #tpu.memory_space<hbm>>
        tpu.wait_dma2 semaphore(%arg30 : memref<!tpu.dma_semaphore, #tpu.memory_space<semaphore_mem>>) src(%dma_wait3A_229 : memref<1x128xi32, #tpu.memory_space<hbm>>) dst(%dma_wait3A_225 : memref<1x128xi32, #tpu.memory_space<vmem>>)
        %dma_wait3A_230 = arith.constant 0 : i32
        %dma_wait3A_231 = arith.constant 0 : i32
        %dma_wait3A_232 = arith.constant 0 : i32
        %dma_wait3A_233 = arith.constant 0 : i32
        %dma_wait3A_234 = tpu.memref_slice %arg17[%dma_wait3A_231, %dma_wait3A_232, %dma_wait3A_233] : memref<4x1x128xi32, #tpu.memory_space<vmem>> -> memref<1x1x128xi32, #tpu.memory_space<vmem>>
        %dma_wait3A_235 = tpu.memref_squeeze %dma_wait3A_234 : memref<1x1x128xi32, #tpu.memory_space<vmem>> -> memref<1x128xi32, #tpu.memory_space<vmem>>
        %dma_wait3A_236 = arith.constant 0 : i32
        %dma_wait3A_237 = arith.constant 0 : i32
        %dma_wait3A_238 = tpu.memref_slice %arg4[%dma_wait3A_230, %dma_wait3A_236, %dma_wait3A_237] : memref<5120x1x128xi32, #tpu.memory_space<hbm>> -> memref<1x1x128xi32, #tpu.memory_space<hbm>>
        %dma_wait3A_239 = tpu.memref_squeeze %dma_wait3A_238 : memref<1x1x128xi32, #tpu.memory_space<hbm>> -> memref<1x128xi32, #tpu.memory_space<hbm>>
        %dma_wait3A_240 = arith.constant 0 : i32
        %dma_wait3A_241 = arith.constant 0 : i32
        %dma_wait3A_242 = tpu.memref_slice %arg17[%dma_wait3A_231, %dma_wait3A_240, %dma_wait3A_241] : memref<4x1x128xi32, #tpu.memory_space<vmem>> -> memref<1x1x128xi32, #tpu.memory_space<vmem>>
        %dma_wait3A_243 = tpu.memref_squeeze %dma_wait3A_242 : memref<1x1x128xi32, #tpu.memory_space<vmem>> -> memref<1x128xi32, #tpu.memory_space<vmem>>
        %dma_wait3A_244 = arith.constant 0 : i32
        %dma_wait3A_245 = arith.constant 0 : i32
        %dma_wait3A_246 = tpu.memref_slice %arg4[%dma_wait3A_230, %dma_wait3A_244, %dma_wait3A_245] : memref<5120x1x128xi32, #tpu.memory_space<hbm>> -> memref<1x1x128xi32, #tpu.memory_space<hbm>>
        %dma_wait3A_247 = tpu.memref_squeeze %dma_wait3A_246 : memref<1x1x128xi32, #tpu.memory_space<hbm>> -> memref<1x128xi32, #tpu.memory_space<hbm>>
        tpu.wait_dma2 semaphore(%arg30 : memref<!tpu.dma_semaphore, #tpu.memory_space<semaphore_mem>>) src(%dma_wait3A_247 : memref<1x128xi32, #tpu.memory_space<hbm>>) dst(%dma_wait3A_243 : memref<1x128xi32, #tpu.memory_space<vmem>>)
        %eq3A_248 = arith.constant 0 : i32
        %eq3A_249 = arith.cmpi eq, %arg0, %eq3A_248 : i32
        %convert_element_type3A_250 = arith.extui %eq3A_249 : i1 to i32
        %cond3A_251 = arith.constant 0 : i32
        %cond3A_252 = arith.cmpi ne, %convert_element_type3A_250, %cond3A_251 : i32
        scf.if %cond3A_252 {
          %dma_wait3A_277 = arith.constant 0 : i32
          %dma_wait3A_278 = arith.constant 0 : i32
          %dma_wait3A_279 = arith.constant 0 : i32
          %dma_wait3A_280 = arith.constant 0 : i32
          %dma_wait3A_281 = tpu.memref_slice %arg18[%dma_wait3A_278, %dma_wait3A_279, %dma_wait3A_280] : memref<4x1x128xf32, #tpu.memory_space<vmem>> -> memref<1x1x128xf32, #tpu.memory_space<vmem>>
          %dma_wait3A_282 = tpu.memref_squeeze %dma_wait3A_281 : memref<1x1x128xf32, #tpu.memory_space<vmem>> -> memref<1x128xf32, #tpu.memory_space<vmem>>
          %dma_wait3A_283 = arith.constant 0 : i32
          %dma_wait3A_284 = arith.constant 0 : i32
          %dma_wait3A_285 = tpu.memref_slice %arg6[%dma_wait3A_277, %dma_wait3A_283, %dma_wait3A_284] : memref<2560x1x128xf32, #tpu.memory_space<hbm>> -> memref<1x1x128xf32, #tpu.memory_space<hbm>>
          %dma_wait3A_286 = tpu.memref_squeeze %dma_wait3A_285 : memref<1x1x128xf32, #tpu.memory_space<hbm>> -> memref<1x128xf32, #tpu.memory_space<hbm>>
          %dma_wait3A_287 = arith.constant 0 : i32
          %dma_wait3A_288 = arith.constant 0 : i32
          %dma_wait3A_289 = tpu.memref_slice %arg18[%dma_wait3A_278, %dma_wait3A_287, %dma_wait3A_288] : memref<4x1x128xf32, #tpu.memory_space<vmem>> -> memref<1x1x128xf32, #tpu.memory_space<vmem>>
          %dma_wait3A_290 = tpu.memref_squeeze %dma_wait3A_289 : memref<1x1x128xf32, #tpu.memory_space<vmem>> -> memref<1x128xf32, #tpu.memory_space<vmem>>
          %dma_wait3A_291 = arith.constant 0 : i32
          %dma_wait3A_292 = arith.constant 0 : i32
          %dma_wait3A_293 = tpu.memref_slice %arg6[%dma_wait3A_277, %dma_wait3A_291, %dma_wait3A_292] : memref<2560x1x128xf32, #tpu.memory_space<hbm>> -> memref<1x1x128xf32, #tpu.memory_space<hbm>>
          %dma_wait3A_294 = tpu.memref_squeeze %dma_wait3A_293 : memref<1x1x128xf32, #tpu.memory_space<hbm>> -> memref<1x128xf32, #tpu.memory_space<hbm>>
          tpu.wait_dma2 semaphore(%arg30 : memref<!tpu.dma_semaphore, #tpu.memory_space<semaphore_mem>>) src(%dma_wait3A_294 : memref<1x128xf32, #tpu.memory_space<hbm>>) dst(%dma_wait3A_290 : memref<1x128xf32, #tpu.memory_space<vmem>>)
        } else {
        }
        %ge3A_253 = arith.constant 2 : i32
        %ge3A_254 = arith.cmpi sge, %add3A_180, %ge3A_253 : i32
        %convert_element_type3A_255 = arith.extui %ge3A_254 : i1 to i32
        %cond3A_256 = arith.constant 0 : i32
        %cond3A_257 = arith.cmpi ne, %convert_element_type3A_255, %cond3A_256 : i32
        scf.if %cond3A_257 {
          %dma_wait3A_277 = arith.constant 0 : i32
          %dma_wait3A_278 = arith.constant 0 : i32
          %dma_wait3A_279 = tpu.memref_slice %arg2[%dma_wait3A_277, %dma_wait3A_278] : memref<20480x128xf32, #tpu.memory_space<hbm>> -> memref<128x128xf32, #tpu.memory_space<hbm>>
          %dma_wait3A_280 = arith.constant 0 : i32
          %dma_wait3A_281 = arith.constant 0 : i32
          %dma_wait3A_282 = tpu.memref_slice %arg2[%dma_wait3A_280, %dma_wait3A_281] : memref<20480x128xf32, #tpu.memory_space<hbm>> -> memref<128x128xf32, #tpu.memory_space<hbm>>
          tpu.wait_dma2 semaphore(%arg34 : memref<!tpu.dma_semaphore, #tpu.memory_space<semaphore_mem>>) src(%dma_wait3A_282 : memref<128x128xf32, #tpu.memory_space<hbm>>) dst(%arg20 : memref<128x128xf32, #tpu.memory_space<vmem>>)
          %eq3A_283 = arith.constant 0 : i32
          %eq3A_284 = arith.cmpi eq, %arg0, %eq3A_283 : i32
          %convert_element_type3A_285 = arith.extui %eq3A_284 : i1 to i32
          %cond3A_286 = arith.constant 0 : i32
          %cond3A_287 = arith.cmpi ne, %convert_element_type3A_285, %cond3A_286 : i32
          scf.if %cond3A_287 {
            %dma_wait3A_293 = arith.constant 0 : i32
            %dma_wait3A_294 = arith.constant 0 : i32
            %dma_wait3A_295 = arith.constant 0 : i32
            %dma_wait3A_296 = arith.constant 0 : i32
            %dma_wait3A_297 = tpu.memref_slice %arg18[%dma_wait3A_294, %dma_wait3A_295, %dma_wait3A_296] : memref<4x1x128xf32, #tpu.memory_space<vmem>> -> memref<1x1x128xf32, #tpu.memory_space<vmem>>
            %dma_wait3A_298 = tpu.memref_squeeze %dma_wait3A_297 : memref<1x1x128xf32, #tpu.memory_space<vmem>> -> memref<1x128xf32, #tpu.memory_space<vmem>>
            %dma_wait3A_299 = arith.constant 0 : i32
            %dma_wait3A_300 = arith.constant 0 : i32
            %dma_wait3A_301 = tpu.memref_slice %arg6[%dma_wait3A_293, %dma_wait3A_299, %dma_wait3A_300] : memref<2560x1x128xf32, #tpu.memory_space<hbm>> -> memref<1x1x128xf32, #tpu.memory_space<hbm>>
            %dma_wait3A_302 = tpu.memref_squeeze %dma_wait3A_301 : memref<1x1x128xf32, #tpu.memory_space<hbm>> -> memref<1x128xf32, #tpu.memory_space<hbm>>
            %dma_wait3A_303 = arith.constant 0 : i32
            %dma_wait3A_304 = arith.constant 0 : i32
            %dma_wait3A_305 = tpu.memref_slice %arg18[%dma_wait3A_294, %dma_wait3A_303, %dma_wait3A_304] : memref<4x1x128xf32, #tpu.memory_space<vmem>> -> memref<1x1x128xf32, #tpu.memory_space<vmem>>
            %dma_wait3A_306 = tpu.memref_squeeze %dma_wait3A_305 : memref<1x1x128xf32, #tpu.memory_space<vmem>> -> memref<1x128xf32, #tpu.memory_space<vmem>>
            %dma_wait3A_307 = arith.constant 0 : i32
            %dma_wait3A_308 = arith.constant 0 : i32
            %dma_wait3A_309 = tpu.memref_slice %arg6[%dma_wait3A_293, %dma_wait3A_307, %dma_wait3A_308] : memref<2560x1x128xf32, #tpu.memory_space<hbm>> -> memref<1x1x128xf32, #tpu.memory_space<hbm>>
            %dma_wait3A_310 = tpu.memref_squeeze %dma_wait3A_309 : memref<1x1x128xf32, #tpu.memory_space<hbm>> -> memref<1x128xf32, #tpu.memory_space<hbm>>
            tpu.wait_dma2 semaphore(%arg34 : memref<!tpu.dma_semaphore, #tpu.memory_space<semaphore_mem>>) src(%dma_wait3A_310 : memref<1x128xf32, #tpu.memory_space<hbm>>) dst(%dma_wait3A_306 : memref<1x128xf32, #tpu.memory_space<vmem>>)
            %dma_wait3A_311 = arith.constant 0 : i32
            %dma_wait3A_312 = arith.constant 0 : i32
            %dma_wait3A_313 = arith.constant 0 : i32
            %dma_wait3A_314 = arith.constant 0 : i32
            %dma_wait3A_315 = tpu.memref_slice %arg18[%dma_wait3A_312, %dma_wait3A_313, %dma_wait3A_314] : memref<4x1x128xf32, #tpu.memory_space<vmem>> -> memref<1x1x128xf32, #tpu.memory_space<vmem>>
            %dma_wait3A_316 = tpu.memref_squeeze %dma_wait3A_315 : memref<1x1x128xf32, #tpu.memory_space<vmem>> -> memref<1x128xf32, #tpu.memory_space<vmem>>
            %dma_wait3A_317 = arith.constant 0 : i32
            %dma_wait3A_318 = arith.constant 0 : i32
            %dma_wait3A_319 = tpu.memref_slice %arg6[%dma_wait3A_311, %dma_wait3A_317, %dma_wait3A_318] : memref<2560x1x128xf32, #tpu.memory_space<hbm>> -> memref<1x1x128xf32, #tpu.memory_space<hbm>>
            %dma_wait3A_320 = tpu.memref_squeeze %dma_wait3A_319 : memref<1x1x128xf32, #tpu.memory_space<hbm>> -> memref<1x128xf32, #tpu.memory_space<hbm>>
            %dma_wait3A_321 = arith.constant 0 : i32
            %dma_wait3A_322 = arith.constant 0 : i32
            %dma_wait3A_323 = tpu.memref_slice %arg18[%dma_wait3A_312, %dma_wait3A_321, %dma_wait3A_322] : memref<4x1x128xf32, #tpu.memory_space<vmem>> -> memref<1x1x128xf32, #tpu.memory_space<vmem>>
            %dma_wait3A_324 = tpu.memref_squeeze %dma_wait3A_323 : memref<1x1x128xf32, #tpu.memory_space<vmem>> -> memref<1x128xf32, #tpu.memory_space<vmem>>
            %dma_wait3A_325 = arith.constant 0 : i32
            %dma_wait3A_326 = arith.constant 0 : i32
            %dma_wait3A_327 = tpu.memref_slice %arg6[%dma_wait3A_311, %dma_wait3A_325, %dma_wait3A_326] : memref<2560x1x128xf32, #tpu.memory_space<hbm>> -> memref<1x1x128xf32, #tpu.memory_space<hbm>>
            %dma_wait3A_328 = tpu.memref_squeeze %dma_wait3A_327 : memref<1x1x128xf32, #tpu.memory_space<hbm>> -> memref<1x128xf32, #tpu.memory_space<hbm>>
            tpu.wait_dma2 semaphore(%arg34 : memref<!tpu.dma_semaphore, #tpu.memory_space<semaphore_mem>>) src(%dma_wait3A_328 : memref<1x128xf32, #tpu.memory_space<hbm>>) dst(%dma_wait3A_324 : memref<1x128xf32, #tpu.memory_space<vmem>>)
          } else {
          }
          %eq3A_288 = arith.constant 1 : i32
          %eq3A_289 = arith.cmpi eq, %arg0, %eq3A_288 : i32
          %convert_element_type3A_290 = arith.extui %eq3A_289 : i1 to i32
          %cond3A_291 = arith.constant 0 : i32
          %cond3A_292 = arith.cmpi ne, %convert_element_type3A_290, %cond3A_291 : i32
          scf.if %cond3A_292 {
            %dma_wait3A_293 = arith.constant 0 : i32
            %dma_wait3A_294 = arith.constant 0 : i32
            %dma_wait3A_295 = arith.constant 0 : i32
            %dma_wait3A_296 = arith.constant 0 : i32
            %dma_wait3A_297 = tpu.memref_slice %arg19[%dma_wait3A_294, %dma_wait3A_295, %dma_wait3A_296] : memref<2x1x128xf32, #tpu.memory_space<vmem>> -> memref<1x1x128xf32, #tpu.memory_space<vmem>>
            %dma_wait3A_298 = tpu.memref_squeeze %dma_wait3A_297 : memref<1x1x128xf32, #tpu.memory_space<vmem>> -> memref<1x128xf32, #tpu.memory_space<vmem>>
            %dma_wait3A_299 = arith.constant 0 : i32
            %dma_wait3A_300 = arith.constant 0 : i32
            %dma_wait3A_301 = tpu.memref_slice %arg6[%dma_wait3A_293, %dma_wait3A_299, %dma_wait3A_300] : memref<2560x1x128xf32, #tpu.memory_space<hbm>> -> memref<1x1x128xf32, #tpu.memory_space<hbm>>
            %dma_wait3A_302 = tpu.memref_squeeze %dma_wait3A_301 : memref<1x1x128xf32, #tpu.memory_space<hbm>> -> memref<1x128xf32, #tpu.memory_space<hbm>>
            %dma_wait3A_303 = arith.constant 0 : i32
            %dma_wait3A_304 = arith.constant 0 : i32
            %dma_wait3A_305 = tpu.memref_slice %arg19[%dma_wait3A_294, %dma_wait3A_303, %dma_wait3A_304] : memref<2x1x128xf32, #tpu.memory_space<vmem>> -> memref<1x1x128xf32, #tpu.memory_space<vmem>>
            %dma_wait3A_306 = tpu.memref_squeeze %dma_wait3A_305 : memref<1x1x128xf32, #tpu.memory_space<vmem>> -> memref<1x128xf32, #tpu.memory_space<vmem>>
            %dma_wait3A_307 = arith.constant 0 : i32
            %dma_wait3A_308 = arith.constant 0 : i32
            %dma_wait3A_309 = tpu.memref_slice %arg6[%dma_wait3A_293, %dma_wait3A_307, %dma_wait3A_308] : memref<2560x1x128xf32, #tpu.memory_space<hbm>> -> memref<1x1x128xf32, #tpu.memory_space<hbm>>
            %dma_wait3A_310 = tpu.memref_squeeze %dma_wait3A_309 : memref<1x1x128xf32, #tpu.memory_space<hbm>> -> memref<1x128xf32, #tpu.memory_space<hbm>>
            tpu.wait_dma2 semaphore(%arg34 : memref<!tpu.dma_semaphore, #tpu.memory_space<semaphore_mem>>) src(%dma_wait3A_310 : memref<1x128xf32, #tpu.memory_space<hbm>>) dst(%dma_wait3A_306 : memref<1x128xf32, #tpu.memory_space<vmem>>)
          } else {
          }
        } else {
        }
        %dma_start3A_258 = arith.constant 0 : i32
        %dma_start3A_259 = arith.constant 0 : i32
        %dma_start3A_260 = tpu.memref_slice %arg16[%rem3A_182, %dma_start3A_258, %dma_start3A_259] : memref<4x1x128xi32, #tpu.memory_space<vmem>> -> memref<1x1x128xi32, #tpu.memory_space<vmem>>
        %dma_start3A_261 = tpu.memref_squeeze %dma_start3A_260 : memref<1x1x128xi32, #tpu.memory_space<vmem>> -> memref<128xi32, #tpu.memory_space<vmem>>
        %dma_start3A_262 = arith.constant 0 : i32
        %dma_start3A_263 = arith.constant 0 : i32
        %dma_start3A_264 = tpu.memref_slice %arg2[%dma_start3A_262, %dma_start3A_263] : memref<20480x128xf32, #tpu.memory_space<hbm>> -> memref<20480x128xf32, #tpu.memory_space<hbm>>
        tpu.enqueue_indirect_dma source(%dma_start3A_264 : memref<20480x128xf32, #tpu.memory_space<hbm>>) target(%arg20 : memref<128x128xf32, #tpu.memory_space<vmem>>) offsets(%dma_start3A_261 : memref<128xi32, #tpu.memory_space<vmem>>) semaphore(%arg32 : memref<!tpu.dma_semaphore, #tpu.memory_space<semaphore_mem>>)
        %eq3A_265 = arith.constant 1 : i32
        %eq3A_266 = arith.cmpi eq, %arg0, %eq3A_265 : i32
        %convert_element_type3A_267 = arith.extui %eq3A_266 : i1 to i32
        %cond3A_268 = arith.constant 0 : i32
        %cond3A_269 = arith.cmpi ne, %convert_element_type3A_267, %cond3A_268 : i32
        scf.if %cond3A_269 {
          %dma_start3A_277 = arith.constant 0 : i32
          %dma_start3A_278 = arith.constant 0 : i32
          %dma_start3A_279 = arith.constant 0 : i32
          %dma_start3A_280 = arith.constant 0 : i32
          %dma_start3A_281 = tpu.memref_slice %arg19[%dma_start3A_278, %dma_start3A_279, %dma_start3A_280] : memref<2x1x128xf32, #tpu.memory_space<vmem>> -> memref<1x1x128xf32, #tpu.memory_space<vmem>>
          %dma_start3A_282 = tpu.memref_squeeze %dma_start3A_281 : memref<1x1x128xf32, #tpu.memory_space<vmem>> -> memref<128xf32, #tpu.memory_space<vmem>>
          %dma_start3A_283 = arith.constant 0 : i32
          %dma_start3A_284 = tpu.memref_slice %arg16[%rem3A_182, %dma_start3A_277, %dma_start3A_283] : memref<4x1x128xi32, #tpu.memory_space<vmem>> -> memref<1x1x128xi32, #tpu.memory_space<vmem>>
          %dma_start3A_285 = tpu.memref_squeeze %dma_start3A_284 : memref<1x1x128xi32, #tpu.memory_space<vmem>> -> memref<128xi32, #tpu.memory_space<vmem>>
          %dma_start3A_286 = arith.constant 0 : i32
          %dma_start3A_287 = tpu.memref_slice %arg3[%dma_start3A_286] : memref<20480xf32, #tpu.memory_space<hbm>> -> memref<20480xf32, #tpu.memory_space<hbm>>
          tpu.enqueue_indirect_dma source(%dma_start3A_287 : memref<20480xf32, #tpu.memory_space<hbm>>) target(%dma_start3A_282 : memref<128xf32, #tpu.memory_space<vmem>>) offsets(%dma_start3A_285 : memref<128xi32, #tpu.memory_space<vmem>>) semaphore(%arg32 : memref<!tpu.dma_semaphore, #tpu.memory_space<semaphore_mem>>)
        } else {
        }
        %add3A_270 = arith.constant 2 : i32
        %add3A_271 = arith.addi %add3A_180, %add3A_270 : i32
        %lt3A_272 = arith.constant 160 : i32
        %lt3A_273 = arith.cmpi slt, %add3A_271, %lt3A_272 : i32
        %convert_element_type3A_274 = arith.extui %lt3A_273 : i1 to i32
        %cond3A_275 = arith.constant 0 : i32
        %cond3A_276 = arith.cmpi ne, %convert_element_type3A_274, %cond3A_275 : i32
        scf.if %cond3A_276 {
          %add3A_277 = arith.constant 2 : i32
          %add3A_278 = arith.addi %add3A_180, %add3A_277 : i32
          %rem3A_279 = arith.constant 4 : i32
          %rem3A_280 = arith.remsi %add3A_278, %rem3A_279 : i32
          %add3A_281 = arith.addi %add3A, %add3A_278 : i32
          %dma_start3A_282 = arith.constant 0 : i32
          %dma_start3A_283 = arith.constant 0 : i32
          %dma_start3A_284 = tpu.memref_slice %arg16[%rem3A_280, %dma_start3A_282, %dma_start3A_283] : memref<4x1x128xi32, #tpu.memory_space<vmem>> -> memref<1x1x128xi32, #tpu.memory_space<vmem>>
          %dma_start3A_285 = tpu.memref_squeeze %dma_start3A_284 : memref<1x1x128xi32, #tpu.memory_space<vmem>> -> memref<1x128xi32, #tpu.memory_space<vmem>>
          %dma_start3A_286 = arith.constant 0 : i32
          %dma_start3A_287 = arith.constant 0 : i32
          %dma_start3A_288 = tpu.memref_slice %arg4[%add3A_281, %dma_start3A_286, %dma_start3A_287] : memref<5120x1x128xi32, #tpu.memory_space<hbm>> -> memref<1x1x128xi32, #tpu.memory_space<hbm>>
          %dma_start3A_289 = tpu.memref_squeeze %dma_start3A_288 : memref<1x1x128xi32, #tpu.memory_space<hbm>> -> memref<1x128xi32, #tpu.memory_space<hbm>>
          %dma_start3A_290 = arith.constant 0 : i32
          %dma_start3A_291 = arith.constant 0 : i32
          %dma_start3A_292 = tpu.memref_slice %arg16[%rem3A_280, %dma_start3A_290, %dma_start3A_291] : memref<4x1x128xi32, #tpu.memory_space<vmem>> -> memref<1x1x128xi32, #tpu.memory_space<vmem>>
          %dma_start3A_293 = tpu.memref_squeeze %dma_start3A_292 : memref<1x1x128xi32, #tpu.memory_space<vmem>> -> memref<1x128xi32, #tpu.memory_space<vmem>>
          %dma_start3A_294 = arith.constant 0 : i32
          %dma_start3A_295 = arith.constant 0 : i32
          %dma_start3A_296 = tpu.memref_slice %arg4[%add3A_281, %dma_start3A_294, %dma_start3A_295] : memref<5120x1x128xi32, #tpu.memory_space<hbm>> -> memref<1x1x128xi32, #tpu.memory_space<hbm>>
          %dma_start3A_297 = tpu.memref_squeeze %dma_start3A_296 : memref<1x1x128xi32, #tpu.memory_space<hbm>> -> memref<1x128xi32, #tpu.memory_space<hbm>>
          tpu.enqueue_dma source(%dma_start3A_297 : memref<1x128xi32, #tpu.memory_space<hbm>>) target(%dma_start3A_293 : memref<1x128xi32, #tpu.memory_space<vmem>>) target_semaphore(%arg30 : memref<!tpu.dma_semaphore, #tpu.memory_space<semaphore_mem>>)
          %add3A_298 = arith.addi %mul3A_0, %add3A_278 : i32
          %dma_start3A_299 = arith.constant 0 : i32
          %dma_start3A_300 = arith.constant 0 : i32
          %dma_start3A_301 = tpu.memref_slice %arg17[%rem3A_280, %dma_start3A_299, %dma_start3A_300] : memref<4x1x128xi32, #tpu.memory_space<vmem>> -> memref<1x1x128xi32, #tpu.memory_space<vmem>>
          %dma_start3A_302 = tpu.memref_squeeze %dma_start3A_301 : memref<1x1x128xi32, #tpu.memory_space<vmem>> -> memref<1x128xi32, #tpu.memory_space<vmem>>
          %dma_start3A_303 = arith.constant 0 : i32
          %dma_start3A_304 = arith.constant 0 : i32
          %dma_start3A_305 = tpu.memref_slice %arg5[%add3A_298, %dma_start3A_303, %dma_start3A_304] : memref<2560x1x128xi32, #tpu.memory_space<hbm>> -> memref<1x1x128xi32, #tpu.memory_space<hbm>>
          %dma_start3A_306 = tpu.memref_squeeze %dma_start3A_305 : memref<1x1x128xi32, #tpu.memory_space<hbm>> -> memref<1x128xi32, #tpu.memory_space<hbm>>
          %dma_start3A_307 = arith.constant 0 : i32
          %dma_start3A_308 = arith.constant 0 : i32
          %dma_start3A_309 = tpu.memref_slice %arg17[%rem3A_280, %dma_start3A_307, %dma_start3A_308] : memref<4x1x128xi32, #tpu.memory_space<vmem>> -> memref<1x1x128xi32, #tpu.memory_space<vmem>>
          %dma_start3A_310 = tpu.memref_squeeze %dma_start3A_309 : memref<1x1x128xi32, #tpu.memory_space<vmem>> -> memref<1x128xi32, #tpu.memory_space<vmem>>
          %dma_start3A_311 = arith.constant 0 : i32
          %dma_start3A_312 = arith.constant 0 : i32
          %dma_start3A_313 = tpu.memref_slice %arg5[%add3A_298, %dma_start3A_311, %dma_start3A_312] : memref<2560x1x128xi32, #tpu.memory_space<hbm>> -> memref<1x1x128xi32, #tpu.memory_space<hbm>>
          %dma_start3A_314 = tpu.memref_squeeze %dma_start3A_313 : memref<1x1x128xi32, #tpu.memory_space<hbm>> -> memref<1x128xi32, #tpu.memory_space<hbm>>
          tpu.enqueue_dma source(%dma_start3A_314 : memref<1x128xi32, #tpu.memory_space<hbm>>) target(%dma_start3A_310 : memref<1x128xi32, #tpu.memory_space<vmem>>) target_semaphore(%arg30 : memref<!tpu.dma_semaphore, #tpu.memory_space<semaphore_mem>>)
          %eq3A_315 = arith.constant 0 : i32
          %eq3A_316 = arith.cmpi eq, %arg0, %eq3A_315 : i32
          %convert_element_type3A_317 = arith.extui %eq3A_316 : i1 to i32
          %cond3A_318 = arith.constant 0 : i32
          %cond3A_319 = arith.cmpi ne, %convert_element_type3A_317, %cond3A_318 : i32
          scf.if %cond3A_319 {
            %add3A_320 = arith.addi %mul3A_0, %add3A_278 : i32
            %dma_start3A_321 = arith.constant 0 : i32
            %dma_start3A_322 = arith.constant 0 : i32
            %dma_start3A_323 = tpu.memref_slice %arg18[%rem3A_280, %dma_start3A_321, %dma_start3A_322] : memref<4x1x128xf32, #tpu.memory_space<vmem>> -> memref<1x1x128xf32, #tpu.memory_space<vmem>>
            %dma_start3A_324 = tpu.memref_squeeze %dma_start3A_323 : memref<1x1x128xf32, #tpu.memory_space<vmem>> -> memref<1x128xf32, #tpu.memory_space<vmem>>
            %dma_start3A_325 = arith.constant 0 : i32
            %dma_start3A_326 = arith.constant 0 : i32
            %dma_start3A_327 = tpu.memref_slice %arg6[%add3A_320, %dma_start3A_325, %dma_start3A_326] : memref<2560x1x128xf32, #tpu.memory_space<hbm>> -> memref<1x1x128xf32, #tpu.memory_space<hbm>>
            %dma_start3A_328 = tpu.memref_squeeze %dma_start3A_327 : memref<1x1x128xf32, #tpu.memory_space<hbm>> -> memref<1x128xf32, #tpu.memory_space<hbm>>
            %dma_start3A_329 = arith.constant 0 : i32
            %dma_start3A_330 = arith.constant 0 : i32
            %dma_start3A_331 = tpu.memref_slice %arg18[%rem3A_280, %dma_start3A_329, %dma_start3A_330] : memref<4x1x128xf32, #tpu.memory_space<vmem>> -> memref<1x1x128xf32, #tpu.memory_space<vmem>>
            %dma_start3A_332 = tpu.memref_squeeze %dma_start3A_331 : memref<1x1x128xf32, #tpu.memory_space<vmem>> -> memref<1x128xf32, #tpu.memory_space<vmem>>
            %dma_start3A_333 = arith.constant 0 : i32
            %dma_start3A_334 = arith.constant 0 : i32
            %dma_start3A_335 = tpu.memref_slice %arg6[%add3A_320, %dma_start3A_333, %dma_start3A_334] : memref<2560x1x128xf32, #tpu.memory_space<hbm>> -> memref<1x1x128xf32, #tpu.memory_space<hbm>>
            %dma_start3A_336 = tpu.memref_squeeze %dma_start3A_335 : memref<1x1x128xf32, #tpu.memory_space<hbm>> -> memref<1x128xf32, #tpu.memory_space<hbm>>
            tpu.enqueue_dma source(%dma_start3A_336 : memref<1x128xf32, #tpu.memory_space<hbm>>) target(%dma_start3A_332 : memref<1x128xf32, #tpu.memory_space<vmem>>) target_semaphore(%arg30 : memref<!tpu.dma_semaphore, #tpu.memory_space<semaphore_mem>>)
          } else {
          }
        } else {
        }
      } else {
      }
      %ge3A = arith.constant 1 : i32
      %ge3A_187 = arith.cmpi sge, %add3A_180, %ge3A : i32
      %le3A = arith.constant 160 : i32
      %le3A_188 = arith.cmpi sle, %add3A_180, %le3A : i32
      %and3A_189 = arith.andi %ge3A_187, %le3A_188 : i1
      %convert_element_type3A_190 = arith.extui %and3A_189 : i1 to i32
      %cond3A_191 = arith.constant 0 : i32
      %cond3A_192 = arith.cmpi ne, %convert_element_type3A_190, %cond3A_191 : i32
      scf.if %cond3A_192 {
        %sub3A = arith.constant 1 : i32
        %sub3A_212 = arith.subi %add3A_180, %sub3A : i32
        %rem3A_213 = arith.constant 4 : i32
        %rem3A_214 = arith.remsi %sub3A_212, %rem3A_213 : i32
        %dma_wait3A_215 = arith.constant 0 : i32
        %dma_wait3A_216 = arith.constant 0 : i32
        %dma_wait3A_217 = tpu.memref_slice %arg2[%dma_wait3A_215, %dma_wait3A_216] : memref<20480x128xf32, #tpu.memory_space<hbm>> -> memref<128x128xf32, #tpu.memory_space<hbm>>
        %dma_wait3A_218 = arith.constant 0 : i32
        %dma_wait3A_219 = arith.constant 0 : i32
        %dma_wait3A_220 = tpu.memref_slice %arg2[%dma_wait3A_218, %dma_wait3A_219] : memref<20480x128xf32, #tpu.memory_space<hbm>> -> memref<128x128xf32, #tpu.memory_space<hbm>>
        tpu.wait_dma2 semaphore(%arg33 : memref<!tpu.dma_semaphore, #tpu.memory_space<semaphore_mem>>) src(%dma_wait3A_220 : memref<128x128xf32, #tpu.memory_space<hbm>>) dst(%arg21 : memref<128x128xf32, #tpu.memory_space<vmem>>)
        %eq3A_221 = arith.constant 1 : i32
        %eq3A_222 = arith.cmpi eq, %arg0, %eq3A_221 : i32
        %convert_element_type3A_223 = arith.extui %eq3A_222 : i1 to i32
        %cond3A_224 = arith.constant 0 : i32
        %cond3A_225 = arith.cmpi ne, %convert_element_type3A_223, %cond3A_224 : i32
        scf.if %cond3A_225 {
          %dma_wait3A_243 = arith.constant 0 : i32
          %dma_wait3A_244 = arith.constant 0 : i32
          %dma_wait3A_245 = arith.constant 0 : i32
          %dma_wait3A_246 = arith.constant 0 : i32
          %dma_wait3A_247 = tpu.memref_slice %arg19[%dma_wait3A_244, %dma_wait3A_245, %dma_wait3A_246] : memref<2x1x128xf32, #tpu.memory_space<vmem>> -> memref<1x1x128xf32, #tpu.memory_space<vmem>>
          %dma_wait3A_248 = tpu.memref_squeeze %dma_wait3A_247 : memref<1x1x128xf32, #tpu.memory_space<vmem>> -> memref<1x128xf32, #tpu.memory_space<vmem>>
          %dma_wait3A_249 = arith.constant 0 : i32
          %dma_wait3A_250 = arith.constant 0 : i32
          %dma_wait3A_251 = tpu.memref_slice %arg6[%dma_wait3A_243, %dma_wait3A_249, %dma_wait3A_250] : memref<2560x1x128xf32, #tpu.memory_space<hbm>> -> memref<1x1x128xf32, #tpu.memory_space<hbm>>
          %dma_wait3A_252 = tpu.memref_squeeze %dma_wait3A_251 : memref<1x1x128xf32, #tpu.memory_space<hbm>> -> memref<1x128xf32, #tpu.memory_space<hbm>>
          %dma_wait3A_253 = arith.constant 0 : i32
          %dma_wait3A_254 = arith.constant 0 : i32
          %dma_wait3A_255 = tpu.memref_slice %arg19[%dma_wait3A_244, %dma_wait3A_253, %dma_wait3A_254] : memref<2x1x128xf32, #tpu.memory_space<vmem>> -> memref<1x1x128xf32, #tpu.memory_space<vmem>>
          %dma_wait3A_256 = tpu.memref_squeeze %dma_wait3A_255 : memref<1x1x128xf32, #tpu.memory_space<vmem>> -> memref<1x128xf32, #tpu.memory_space<vmem>>
          %dma_wait3A_257 = arith.constant 0 : i32
          %dma_wait3A_258 = arith.constant 0 : i32
          %dma_wait3A_259 = tpu.memref_slice %arg6[%dma_wait3A_243, %dma_wait3A_257, %dma_wait3A_258] : memref<2560x1x128xf32, #tpu.memory_space<hbm>> -> memref<1x1x128xf32, #tpu.memory_space<hbm>>
          %dma_wait3A_260 = tpu.memref_squeeze %dma_wait3A_259 : memref<1x1x128xf32, #tpu.memory_space<hbm>> -> memref<1x128xf32, #tpu.memory_space<hbm>>
          tpu.wait_dma2 semaphore(%arg33 : memref<!tpu.dma_semaphore, #tpu.memory_space<semaphore_mem>>) src(%dma_wait3A_260 : memref<1x128xf32, #tpu.memory_space<hbm>>) dst(%dma_wait3A_256 : memref<1x128xf32, #tpu.memory_space<vmem>>)
        } else {
        }
        %dma_start3A_226 = arith.constant 0 : i32
        %dma_start3A_227 = arith.constant 0 : i32
        %dma_start3A_228 = tpu.memref_slice %arg17[%rem3A_214, %dma_start3A_226, %dma_start3A_227] : memref<4x1x128xi32, #tpu.memory_space<vmem>> -> memref<1x1x128xi32, #tpu.memory_space<vmem>>
        %dma_start3A_229 = tpu.memref_squeeze %dma_start3A_228 : memref<1x1x128xi32, #tpu.memory_space<vmem>> -> memref<128xi32, #tpu.memory_space<vmem>>
        %dma_start3A_230 = arith.constant 0 : i32
        %dma_start3A_231 = arith.constant 0 : i32
        %dma_start3A_232 = tpu.memref_slice %arg25[%dma_start3A_230, %dma_start3A_231] : memref<10240x128xf32, #tpu.memory_space<vmem_shared>> -> memref<10240x128xf32, #tpu.memory_space<vmem_shared>>
        tpu.enqueue_indirect_dma source(%arg21 : memref<128x128xf32, #tpu.memory_space<vmem>>) target(%dma_start3A_232 : memref<10240x128xf32, #tpu.memory_space<vmem_shared>>) offsets(%dma_start3A_229 : memref<128xi32, #tpu.memory_space<vmem>>) semaphore(%arg35 : memref<!tpu.dma_semaphore, #tpu.memory_space<semaphore_mem>>) {add = true}
        %eq3A_233 = arith.constant 0 : i32
        %eq3A_234 = arith.cmpi eq, %arg0, %eq3A_233 : i32
        %convert_element_type3A_235 = arith.extui %eq3A_234 : i1 to i32
        %cond3A_236 = arith.constant 0 : i32
        %cond3A_237 = arith.cmpi ne, %convert_element_type3A_235, %cond3A_236 : i32
        scf.if %cond3A_237 {
          %dma_start3A_243 = arith.constant 0 : i32
          %dma_start3A_244 = arith.constant 0 : i32
          %dma_start3A_245 = arith.constant 0 : i32
          %dma_start3A_246 = tpu.memref_slice %arg18[%rem3A_214, %dma_start3A_243, %dma_start3A_245] : memref<4x1x128xf32, #tpu.memory_space<vmem>> -> memref<1x1x128xf32, #tpu.memory_space<vmem>>
          %dma_start3A_247 = tpu.memref_squeeze %dma_start3A_246 : memref<1x1x128xf32, #tpu.memory_space<vmem>> -> memref<128xf32, #tpu.memory_space<vmem>>
          %dma_start3A_248 = arith.constant 0 : i32
          %dma_start3A_249 = tpu.memref_slice %arg17[%rem3A_214, %dma_start3A_244, %dma_start3A_248] : memref<4x1x128xi32, #tpu.memory_space<vmem>> -> memref<1x1x128xi32, #tpu.memory_space<vmem>>
          %dma_start3A_250 = tpu.memref_squeeze %dma_start3A_249 : memref<1x1x128xi32, #tpu.memory_space<vmem>> -> memref<128xi32, #tpu.memory_space<vmem>>
          %dma_start3A_251 = arith.constant 0 : i32
          %dma_start3A_252 = tpu.memref_slice %arg26[%dma_start3A_251] : memref<10240xf32, #tpu.memory_space<vmem_shared>> -> memref<10240xf32, #tpu.memory_space<vmem_shared>>
          tpu.enqueue_indirect_dma source(%dma_start3A_247 : memref<128xf32, #tpu.memory_space<vmem>>) target(%dma_start3A_252 : memref<10240xf32, #tpu.memory_space<vmem_shared>>) offsets(%dma_start3A_250 : memref<128xi32, #tpu.memory_space<vmem>>) semaphore(%arg35 : memref<!tpu.dma_semaphore, #tpu.memory_space<semaphore_mem>>) {add = true}
          %dma_start3A_253 = arith.constant 0 : i32
          %dma_start3A_254 = arith.constant 0 : i32
          %dma_start3A_255 = arith.constant 0 : i32
          %dma_start3A_256 = tpu.memref_slice %arg23[%dma_start3A_253, %dma_start3A_255] : memref<1x128xf32, #tpu.memory_space<vmem>> -> memref<1x128xf32, #tpu.memory_space<vmem>>
          %dma_start3A_257 = tpu.memref_squeeze %dma_start3A_256 : memref<1x128xf32, #tpu.memory_space<vmem>> -> memref<128xf32, #tpu.memory_space<vmem>>
          %dma_start3A_258 = arith.constant 0 : i32
          %dma_start3A_259 = tpu.memref_slice %arg17[%rem3A_214, %dma_start3A_254, %dma_start3A_258] : memref<4x1x128xi32, #tpu.memory_space<vmem>> -> memref<1x1x128xi32, #tpu.memory_space<vmem>>
          %dma_start3A_260 = tpu.memref_squeeze %dma_start3A_259 : memref<1x1x128xi32, #tpu.memory_space<vmem>> -> memref<128xi32, #tpu.memory_space<vmem>>
          %dma_start3A_261 = arith.constant 0 : i32
          %dma_start3A_262 = tpu.memref_slice %arg27[%dma_start3A_261] : memref<10240xf32, #tpu.memory_space<vmem_shared>> -> memref<10240xf32, #tpu.memory_space<vmem_shared>>
          tpu.enqueue_indirect_dma source(%dma_start3A_257 : memref<128xf32, #tpu.memory_space<vmem>>) target(%dma_start3A_262 : memref<10240xf32, #tpu.memory_space<vmem_shared>>) offsets(%dma_start3A_260 : memref<128xi32, #tpu.memory_space<vmem>>) semaphore(%arg35 : memref<!tpu.dma_semaphore, #tpu.memory_space<semaphore_mem>>) {add = true}
        } else {
        }
        %eq3A_238 = arith.constant 1 : i32
        %eq3A_239 = arith.cmpi eq, %arg0, %eq3A_238 : i32
        %convert_element_type3A_240 = arith.extui %eq3A_239 : i1 to i32
        %cond3A_241 = arith.constant 0 : i32
        %cond3A_242 = arith.cmpi ne, %convert_element_type3A_240, %cond3A_241 : i32
        scf.if %cond3A_242 {
          %dma_start3A_243 = arith.constant 1 : i32
          %dma_start3A_244 = arith.constant 0 : i32
          %dma_start3A_245 = arith.constant 0 : i32
          %dma_start3A_246 = arith.constant 0 : i32
          %dma_start3A_247 = tpu.memref_slice %arg19[%dma_start3A_243, %dma_start3A_244, %dma_start3A_246] : memref<2x1x128xf32, #tpu.memory_space<vmem>> -> memref<1x1x128xf32, #tpu.memory_space<vmem>>
          %dma_start3A_248 = tpu.memref_squeeze %dma_start3A_247 : memref<1x1x128xf32, #tpu.memory_space<vmem>> -> memref<128xf32, #tpu.memory_space<vmem>>
          %dma_start3A_249 = arith.constant 0 : i32
          %dma_start3A_250 = tpu.memref_slice %arg17[%rem3A_214, %dma_start3A_245, %dma_start3A_249] : memref<4x1x128xi32, #tpu.memory_space<vmem>> -> memref<1x1x128xi32, #tpu.memory_space<vmem>>
          %dma_start3A_251 = tpu.memref_squeeze %dma_start3A_250 : memref<1x1x128xi32, #tpu.memory_space<vmem>> -> memref<128xi32, #tpu.memory_space<vmem>>
          %dma_start3A_252 = arith.constant 0 : i32
          %dma_start3A_253 = tpu.memref_slice %arg28[%dma_start3A_252] : memref<10240xf32, #tpu.memory_space<vmem_shared>> -> memref<10240xf32, #tpu.memory_space<vmem_shared>>
          tpu.enqueue_indirect_dma source(%dma_start3A_248 : memref<128xf32, #tpu.memory_space<vmem>>) target(%dma_start3A_253 : memref<10240xf32, #tpu.memory_space<vmem_shared>>) offsets(%dma_start3A_251 : memref<128xi32, #tpu.memory_space<vmem>>) semaphore(%arg35 : memref<!tpu.dma_semaphore, #tpu.memory_space<semaphore_mem>>) {add = true}
        } else {
        }
      } else {
      }
      %mul3A_193 = arith.constant 2 : i32
      %mul3A_194 = arith.muli %while3A_176, %mul3A_193 : i32
      %add3A_195 = arith.constant 1 : i32
      %add3A_196 = arith.addi %mul3A_194, %add3A_195 : i32
      %rem3A_197 = arith.constant 4 : i32
      %rem3A_198 = arith.remsi %add3A_196, %rem3A_197 : i32
      %lt3A_199 = arith.constant 160 : i32
      %lt3A_200 = arith.cmpi slt, %add3A_196, %lt3A_199 : i32
      %convert_element_type3A_201 = arith.extui %lt3A_200 : i1 to i32
      %cond3A_202 = arith.constant 0 : i32
      %cond3A_203 = arith.cmpi ne, %convert_element_type3A_201, %cond3A_202 : i32
      scf.if %cond3A_203 {
        %dma_wait3A_212 = arith.constant 0 : i32
        %dma_wait3A_213 = arith.constant 0 : i32
        %dma_wait3A_214 = arith.constant 0 : i32
        %dma_wait3A_215 = arith.constant 0 : i32
        %dma_wait3A_216 = tpu.memref_slice %arg16[%dma_wait3A_213, %dma_wait3A_214, %dma_wait3A_215] : memref<4x1x128xi32, #tpu.memory_space<vmem>> -> memref<1x1x128xi32, #tpu.memory_space<vmem>>
        %dma_wait3A_217 = tpu.memref_squeeze %dma_wait3A_216 : memref<1x1x128xi32, #tpu.memory_space<vmem>> -> memref<1x128xi32, #tpu.memory_space<vmem>>
        %dma_wait3A_218 = arith.constant 0 : i32
        %dma_wait3A_219 = arith.constant 0 : i32
        %dma_wait3A_220 = tpu.memref_slice %arg4[%dma_wait3A_212, %dma_wait3A_218, %dma_wait3A_219] : memref<5120x1x128xi32, #tpu.memory_space<hbm>> -> memref<1x1x128xi32, #tpu.memory_space<hbm>>
        %dma_wait3A_221 = tpu.memref_squeeze %dma_wait3A_220 : memref<1x1x128xi32, #tpu.memory_space<hbm>> -> memref<1x128xi32, #tpu.memory_space<hbm>>
        %dma_wait3A_222 = arith.constant 0 : i32
        %dma_wait3A_223 = arith.constant 0 : i32
        %dma_wait3A_224 = tpu.memref_slice %arg16[%dma_wait3A_213, %dma_wait3A_222, %dma_wait3A_223] : memref<4x1x128xi32, #tpu.memory_space<vmem>> -> memref<1x1x128xi32, #tpu.memory_space<vmem>>
        %dma_wait3A_225 = tpu.memref_squeeze %dma_wait3A_224 : memref<1x1x128xi32, #tpu.memory_space<vmem>> -> memref<1x128xi32, #tpu.memory_space<vmem>>
        %dma_wait3A_226 = arith.constant 0 : i32
        %dma_wait3A_227 = arith.constant 0 : i32
        %dma_wait3A_228 = tpu.memref_slice %arg4[%dma_wait3A_212, %dma_wait3A_226, %dma_wait3A_227] : memref<5120x1x128xi32, #tpu.memory_space<hbm>> -> memref<1x1x128xi32, #tpu.memory_space<hbm>>
        %dma_wait3A_229 = tpu.memref_squeeze %dma_wait3A_228 : memref<1x1x128xi32, #tpu.memory_space<hbm>> -> memref<1x128xi32, #tpu.memory_space<hbm>>
        tpu.wait_dma2 semaphore(%arg31 : memref<!tpu.dma_semaphore, #tpu.memory_space<semaphore_mem>>) src(%dma_wait3A_229 : memref<1x128xi32, #tpu.memory_space<hbm>>) dst(%dma_wait3A_225 : memref<1x128xi32, #tpu.memory_space<vmem>>)
        %dma_wait3A_230 = arith.constant 0 : i32
        %dma_wait3A_231 = arith.constant 0 : i32
        %dma_wait3A_232 = arith.constant 0 : i32
        %dma_wait3A_233 = arith.constant 0 : i32
        %dma_wait3A_234 = tpu.memref_slice %arg17[%dma_wait3A_231, %dma_wait3A_232, %dma_wait3A_233] : memref<4x1x128xi32, #tpu.memory_space<vmem>> -> memref<1x1x128xi32, #tpu.memory_space<vmem>>
        %dma_wait3A_235 = tpu.memref_squeeze %dma_wait3A_234 : memref<1x1x128xi32, #tpu.memory_space<vmem>> -> memref<1x128xi32, #tpu.memory_space<vmem>>
        %dma_wait3A_236 = arith.constant 0 : i32
        %dma_wait3A_237 = arith.constant 0 : i32
        %dma_wait3A_238 = tpu.memref_slice %arg4[%dma_wait3A_230, %dma_wait3A_236, %dma_wait3A_237] : memref<5120x1x128xi32, #tpu.memory_space<hbm>> -> memref<1x1x128xi32, #tpu.memory_space<hbm>>
        %dma_wait3A_239 = tpu.memref_squeeze %dma_wait3A_238 : memref<1x1x128xi32, #tpu.memory_space<hbm>> -> memref<1x128xi32, #tpu.memory_space<hbm>>
        %dma_wait3A_240 = arith.constant 0 : i32
        %dma_wait3A_241 = arith.constant 0 : i32
        %dma_wait3A_242 = tpu.memref_slice %arg17[%dma_wait3A_231, %dma_wait3A_240, %dma_wait3A_241] : memref<4x1x128xi32, #tpu.memory_space<vmem>> -> memref<1x1x128xi32, #tpu.memory_space<vmem>>
        %dma_wait3A_243 = tpu.memref_squeeze %dma_wait3A_242 : memref<1x1x128xi32, #tpu.memory_space<vmem>> -> memref<1x128xi32, #tpu.memory_space<vmem>>
        %dma_wait3A_244 = arith.constant 0 : i32
        %dma_wait3A_245 = arith.constant 0 : i32
        %dma_wait3A_246 = tpu.memref_slice %arg4[%dma_wait3A_230, %dma_wait3A_244, %dma_wait3A_245] : memref<5120x1x128xi32, #tpu.memory_space<hbm>> -> memref<1x1x128xi32, #tpu.memory_space<hbm>>
        %dma_wait3A_247 = tpu.memref_squeeze %dma_wait3A_246 : memref<1x1x128xi32, #tpu.memory_space<hbm>> -> memref<1x128xi32, #tpu.memory_space<hbm>>
        tpu.wait_dma2 semaphore(%arg31 : memref<!tpu.dma_semaphore, #tpu.memory_space<semaphore_mem>>) src(%dma_wait3A_247 : memref<1x128xi32, #tpu.memory_space<hbm>>) dst(%dma_wait3A_243 : memref<1x128xi32, #tpu.memory_space<vmem>>)
        %eq3A_248 = arith.constant 0 : i32
        %eq3A_249 = arith.cmpi eq, %arg0, %eq3A_248 : i32
        %convert_element_type3A_250 = arith.extui %eq3A_249 : i1 to i32
        %cond3A_251 = arith.constant 0 : i32
        %cond3A_252 = arith.cmpi ne, %convert_element_type3A_250, %cond3A_251 : i32
        scf.if %cond3A_252 {
          %dma_wait3A_277 = arith.constant 0 : i32
          %dma_wait3A_278 = arith.constant 0 : i32
          %dma_wait3A_279 = arith.constant 0 : i32
          %dma_wait3A_280 = arith.constant 0 : i32
          %dma_wait3A_281 = tpu.memref_slice %arg18[%dma_wait3A_278, %dma_wait3A_279, %dma_wait3A_280] : memref<4x1x128xf32, #tpu.memory_space<vmem>> -> memref<1x1x128xf32, #tpu.memory_space<vmem>>
          %dma_wait3A_282 = tpu.memref_squeeze %dma_wait3A_281 : memref<1x1x128xf32, #tpu.memory_space<vmem>> -> memref<1x128xf32, #tpu.memory_space<vmem>>
          %dma_wait3A_283 = arith.constant 0 : i32
          %dma_wait3A_284 = arith.constant 0 : i32
          %dma_wait3A_285 = tpu.memref_slice %arg6[%dma_wait3A_277, %dma_wait3A_283, %dma_wait3A_284] : memref<2560x1x128xf32, #tpu.memory_space<hbm>> -> memref<1x1x128xf32, #tpu.memory_space<hbm>>
          %dma_wait3A_286 = tpu.memref_squeeze %dma_wait3A_285 : memref<1x1x128xf32, #tpu.memory_space<hbm>> -> memref<1x128xf32, #tpu.memory_space<hbm>>
          %dma_wait3A_287 = arith.constant 0 : i32
          %dma_wait3A_288 = arith.constant 0 : i32
          %dma_wait3A_289 = tpu.memref_slice %arg18[%dma_wait3A_278, %dma_wait3A_287, %dma_wait3A_288] : memref<4x1x128xf32, #tpu.memory_space<vmem>> -> memref<1x1x128xf32, #tpu.memory_space<vmem>>
          %dma_wait3A_290 = tpu.memref_squeeze %dma_wait3A_289 : memref<1x1x128xf32, #tpu.memory_space<vmem>> -> memref<1x128xf32, #tpu.memory_space<vmem>>
          %dma_wait3A_291 = arith.constant 0 : i32
          %dma_wait3A_292 = arith.constant 0 : i32
          %dma_wait3A_293 = tpu.memref_slice %arg6[%dma_wait3A_277, %dma_wait3A_291, %dma_wait3A_292] : memref<2560x1x128xf32, #tpu.memory_space<hbm>> -> memref<1x1x128xf32, #tpu.memory_space<hbm>>
          %dma_wait3A_294 = tpu.memref_squeeze %dma_wait3A_293 : memref<1x1x128xf32, #tpu.memory_space<hbm>> -> memref<1x128xf32, #tpu.memory_space<hbm>>
          tpu.wait_dma2 semaphore(%arg31 : memref<!tpu.dma_semaphore, #tpu.memory_space<semaphore_mem>>) src(%dma_wait3A_294 : memref<1x128xf32, #tpu.memory_space<hbm>>) dst(%dma_wait3A_290 : memref<1x128xf32, #tpu.memory_space<vmem>>)
        } else {
        }
        %ge3A_253 = arith.constant 2 : i32
        %ge3A_254 = arith.cmpi sge, %add3A_196, %ge3A_253 : i32
        %convert_element_type3A_255 = arith.extui %ge3A_254 : i1 to i32
        %cond3A_256 = arith.constant 0 : i32
        %cond3A_257 = arith.cmpi ne, %convert_element_type3A_255, %cond3A_256 : i32
        scf.if %cond3A_257 {
          %dma_wait3A_277 = arith.constant 0 : i32
          %dma_wait3A_278 = arith.constant 0 : i32
          %dma_wait3A_279 = tpu.memref_slice %arg2[%dma_wait3A_277, %dma_wait3A_278] : memref<20480x128xf32, #tpu.memory_space<hbm>> -> memref<128x128xf32, #tpu.memory_space<hbm>>
          %dma_wait3A_280 = arith.constant 0 : i32
          %dma_wait3A_281 = arith.constant 0 : i32
          %dma_wait3A_282 = tpu.memref_slice %arg2[%dma_wait3A_280, %dma_wait3A_281] : memref<20480x128xf32, #tpu.memory_space<hbm>> -> memref<128x128xf32, #tpu.memory_space<hbm>>
          tpu.wait_dma2 semaphore(%arg35 : memref<!tpu.dma_semaphore, #tpu.memory_space<semaphore_mem>>) src(%dma_wait3A_282 : memref<128x128xf32, #tpu.memory_space<hbm>>) dst(%arg21 : memref<128x128xf32, #tpu.memory_space<vmem>>)
          %eq3A_283 = arith.constant 0 : i32
          %eq3A_284 = arith.cmpi eq, %arg0, %eq3A_283 : i32
          %convert_element_type3A_285 = arith.extui %eq3A_284 : i1 to i32
          %cond3A_286 = arith.constant 0 : i32
          %cond3A_287 = arith.cmpi ne, %convert_element_type3A_285, %cond3A_286 : i32
          scf.if %cond3A_287 {
            %dma_wait3A_293 = arith.constant 0 : i32
            %dma_wait3A_294 = arith.constant 0 : i32
            %dma_wait3A_295 = arith.constant 0 : i32
            %dma_wait3A_296 = arith.constant 0 : i32
            %dma_wait3A_297 = tpu.memref_slice %arg18[%dma_wait3A_294, %dma_wait3A_295, %dma_wait3A_296] : memref<4x1x128xf32, #tpu.memory_space<vmem>> -> memref<1x1x128xf32, #tpu.memory_space<vmem>>
            %dma_wait3A_298 = tpu.memref_squeeze %dma_wait3A_297 : memref<1x1x128xf32, #tpu.memory_space<vmem>> -> memref<1x128xf32, #tpu.memory_space<vmem>>
            %dma_wait3A_299 = arith.constant 0 : i32
            %dma_wait3A_300 = arith.constant 0 : i32
            %dma_wait3A_301 = tpu.memref_slice %arg6[%dma_wait3A_293, %dma_wait3A_299, %dma_wait3A_300] : memref<2560x1x128xf32, #tpu.memory_space<hbm>> -> memref<1x1x128xf32, #tpu.memory_space<hbm>>
            %dma_wait3A_302 = tpu.memref_squeeze %dma_wait3A_301 : memref<1x1x128xf32, #tpu.memory_space<hbm>> -> memref<1x128xf32, #tpu.memory_space<hbm>>
            %dma_wait3A_303 = arith.constant 0 : i32
            %dma_wait3A_304 = arith.constant 0 : i32
            %dma_wait3A_305 = tpu.memref_slice %arg18[%dma_wait3A_294, %dma_wait3A_303, %dma_wait3A_304] : memref<4x1x128xf32, #tpu.memory_space<vmem>> -> memref<1x1x128xf32, #tpu.memory_space<vmem>>
            %dma_wait3A_306 = tpu.memref_squeeze %dma_wait3A_305 : memref<1x1x128xf32, #tpu.memory_space<vmem>> -> memref<1x128xf32, #tpu.memory_space<vmem>>
            %dma_wait3A_307 = arith.constant 0 : i32
            %dma_wait3A_308 = arith.constant 0 : i32
            %dma_wait3A_309 = tpu.memref_slice %arg6[%dma_wait3A_293, %dma_wait3A_307, %dma_wait3A_308] : memref<2560x1x128xf32, #tpu.memory_space<hbm>> -> memref<1x1x128xf32, #tpu.memory_space<hbm>>
            %dma_wait3A_310 = tpu.memref_squeeze %dma_wait3A_309 : memref<1x1x128xf32, #tpu.memory_space<hbm>> -> memref<1x128xf32, #tpu.memory_space<hbm>>
            tpu.wait_dma2 semaphore(%arg35 : memref<!tpu.dma_semaphore, #tpu.memory_space<semaphore_mem>>) src(%dma_wait3A_310 : memref<1x128xf32, #tpu.memory_space<hbm>>) dst(%dma_wait3A_306 : memref<1x128xf32, #tpu.memory_space<vmem>>)
            %dma_wait3A_311 = arith.constant 0 : i32
            %dma_wait3A_312 = arith.constant 0 : i32
            %dma_wait3A_313 = arith.constant 0 : i32
            %dma_wait3A_314 = arith.constant 0 : i32
            %dma_wait3A_315 = tpu.memref_slice %arg18[%dma_wait3A_312, %dma_wait3A_313, %dma_wait3A_314] : memref<4x1x128xf32, #tpu.memory_space<vmem>> -> memref<1x1x128xf32, #tpu.memory_space<vmem>>
            %dma_wait3A_316 = tpu.memref_squeeze %dma_wait3A_315 : memref<1x1x128xf32, #tpu.memory_space<vmem>> -> memref<1x128xf32, #tpu.memory_space<vmem>>
            %dma_wait3A_317 = arith.constant 0 : i32
            %dma_wait3A_318 = arith.constant 0 : i32
            %dma_wait3A_319 = tpu.memref_slice %arg6[%dma_wait3A_311, %dma_wait3A_317, %dma_wait3A_318] : memref<2560x1x128xf32, #tpu.memory_space<hbm>> -> memref<1x1x128xf32, #tpu.memory_space<hbm>>
            %dma_wait3A_320 = tpu.memref_squeeze %dma_wait3A_319 : memref<1x1x128xf32, #tpu.memory_space<hbm>> -> memref<1x128xf32, #tpu.memory_space<hbm>>
            %dma_wait3A_321 = arith.constant 0 : i32
            %dma_wait3A_322 = arith.constant 0 : i32
            %dma_wait3A_323 = tpu.memref_slice %arg18[%dma_wait3A_312, %dma_wait3A_321, %dma_wait3A_322] : memref<4x1x128xf32, #tpu.memory_space<vmem>> -> memref<1x1x128xf32, #tpu.memory_space<vmem>>
            %dma_wait3A_324 = tpu.memref_squeeze %dma_wait3A_323 : memref<1x1x128xf32, #tpu.memory_space<vmem>> -> memref<1x128xf32, #tpu.memory_space<vmem>>
            %dma_wait3A_325 = arith.constant 0 : i32
            %dma_wait3A_326 = arith.constant 0 : i32
            %dma_wait3A_327 = tpu.memref_slice %arg6[%dma_wait3A_311, %dma_wait3A_325, %dma_wait3A_326] : memref<2560x1x128xf32, #tpu.memory_space<hbm>> -> memref<1x1x128xf32, #tpu.memory_space<hbm>>
            %dma_wait3A_328 = tpu.memref_squeeze %dma_wait3A_327 : memref<1x1x128xf32, #tpu.memory_space<hbm>> -> memref<1x128xf32, #tpu.memory_space<hbm>>
            tpu.wait_dma2 semaphore(%arg35 : memref<!tpu.dma_semaphore, #tpu.memory_space<semaphore_mem>>) src(%dma_wait3A_328 : memref<1x128xf32, #tpu.memory_space<hbm>>) dst(%dma_wait3A_324 : memref<1x128xf32, #tpu.memory_space<vmem>>)
          } else {
          }
          %eq3A_288 = arith.constant 1 : i32
          %eq3A_289 = arith.cmpi eq, %arg0, %eq3A_288 : i32
          %convert_element_type3A_290 = arith.extui %eq3A_289 : i1 to i32
          %cond3A_291 = arith.constant 0 : i32
          %cond3A_292 = arith.cmpi ne, %convert_element_type3A_290, %cond3A_291 : i32
          scf.if %cond3A_292 {
            %dma_wait3A_293 = arith.constant 0 : i32
            %dma_wait3A_294 = arith.constant 0 : i32
            %dma_wait3A_295 = arith.constant 0 : i32
            %dma_wait3A_296 = arith.constant 0 : i32
            %dma_wait3A_297 = tpu.memref_slice %arg19[%dma_wait3A_294, %dma_wait3A_295, %dma_wait3A_296] : memref<2x1x128xf32, #tpu.memory_space<vmem>> -> memref<1x1x128xf32, #tpu.memory_space<vmem>>
            %dma_wait3A_298 = tpu.memref_squeeze %dma_wait3A_297 : memref<1x1x128xf32, #tpu.memory_space<vmem>> -> memref<1x128xf32, #tpu.memory_space<vmem>>
            %dma_wait3A_299 = arith.constant 0 : i32
            %dma_wait3A_300 = arith.constant 0 : i32
            %dma_wait3A_301 = tpu.memref_slice %arg6[%dma_wait3A_293, %dma_wait3A_299, %dma_wait3A_300] : memref<2560x1x128xf32, #tpu.memory_space<hbm>> -> memref<1x1x128xf32, #tpu.memory_space<hbm>>
            %dma_wait3A_302 = tpu.memref_squeeze %dma_wait3A_301 : memref<1x1x128xf32, #tpu.memory_space<hbm>> -> memref<1x128xf32, #tpu.memory_space<hbm>>
            %dma_wait3A_303 = arith.constant 0 : i32
            %dma_wait3A_304 = arith.constant 0 : i32
            %dma_wait3A_305 = tpu.memref_slice %arg19[%dma_wait3A_294, %dma_wait3A_303, %dma_wait3A_304] : memref<2x1x128xf32, #tpu.memory_space<vmem>> -> memref<1x1x128xf32, #tpu.memory_space<vmem>>
            %dma_wait3A_306 = tpu.memref_squeeze %dma_wait3A_305 : memref<1x1x128xf32, #tpu.memory_space<vmem>> -> memref<1x128xf32, #tpu.memory_space<vmem>>
            %dma_wait3A_307 = arith.constant 0 : i32
            %dma_wait3A_308 = arith.constant 0 : i32
            %dma_wait3A_309 = tpu.memref_slice %arg6[%dma_wait3A_293, %dma_wait3A_307, %dma_wait3A_308] : memref<2560x1x128xf32, #tpu.memory_space<hbm>> -> memref<1x1x128xf32, #tpu.memory_space<hbm>>
            %dma_wait3A_310 = tpu.memref_squeeze %dma_wait3A_309 : memref<1x1x128xf32, #tpu.memory_space<hbm>> -> memref<1x128xf32, #tpu.memory_space<hbm>>
            tpu.wait_dma2 semaphore(%arg35 : memref<!tpu.dma_semaphore, #tpu.memory_space<semaphore_mem>>) src(%dma_wait3A_310 : memref<1x128xf32, #tpu.memory_space<hbm>>) dst(%dma_wait3A_306 : memref<1x128xf32, #tpu.memory_space<vmem>>)
          } else {
          }
        } else {
        }
        %dma_start3A_258 = arith.constant 0 : i32
        %dma_start3A_259 = arith.constant 0 : i32
        %dma_start3A_260 = tpu.memref_slice %arg16[%rem3A_198, %dma_start3A_258, %dma_start3A_259] : memref<4x1x128xi32, #tpu.memory_space<vmem>> -> memref<1x1x128xi32, #tpu.memory_space<vmem>>
        %dma_start3A_261 = tpu.memref_squeeze %dma_start3A_260 : memref<1x1x128xi32, #tpu.memory_space<vmem>> -> memref<128xi32, #tpu.memory_space<vmem>>
        %dma_start3A_262 = arith.constant 0 : i32
        %dma_start3A_263 = arith.constant 0 : i32
        %dma_start3A_264 = tpu.memref_slice %arg2[%dma_start3A_262, %dma_start3A_263] : memref<20480x128xf32, #tpu.memory_space<hbm>> -> memref<20480x128xf32, #tpu.memory_space<hbm>>
        tpu.enqueue_indirect_dma source(%dma_start3A_264 : memref<20480x128xf32, #tpu.memory_space<hbm>>) target(%arg21 : memref<128x128xf32, #tpu.memory_space<vmem>>) offsets(%dma_start3A_261 : memref<128xi32, #tpu.memory_space<vmem>>) semaphore(%arg33 : memref<!tpu.dma_semaphore, #tpu.memory_space<semaphore_mem>>)
        %eq3A_265 = arith.constant 1 : i32
        %eq3A_266 = arith.cmpi eq, %arg0, %eq3A_265 : i32
        %convert_element_type3A_267 = arith.extui %eq3A_266 : i1 to i32
        %cond3A_268 = arith.constant 0 : i32
        %cond3A_269 = arith.cmpi ne, %convert_element_type3A_267, %cond3A_268 : i32
        scf.if %cond3A_269 {
          %dma_start3A_277 = arith.constant 0 : i32
          %dma_start3A_278 = arith.constant 1 : i32
          %dma_start3A_279 = arith.constant 0 : i32
          %dma_start3A_280 = arith.constant 0 : i32
          %dma_start3A_281 = tpu.memref_slice %arg19[%dma_start3A_278, %dma_start3A_279, %dma_start3A_280] : memref<2x1x128xf32, #tpu.memory_space<vmem>> -> memref<1x1x128xf32, #tpu.memory_space<vmem>>
          %dma_start3A_282 = tpu.memref_squeeze %dma_start3A_281 : memref<1x1x128xf32, #tpu.memory_space<vmem>> -> memref<128xf32, #tpu.memory_space<vmem>>
          %dma_start3A_283 = arith.constant 0 : i32
          %dma_start3A_284 = tpu.memref_slice %arg16[%rem3A_198, %dma_start3A_277, %dma_start3A_283] : memref<4x1x128xi32, #tpu.memory_space<vmem>> -> memref<1x1x128xi32, #tpu.memory_space<vmem>>
          %dma_start3A_285 = tpu.memref_squeeze %dma_start3A_284 : memref<1x1x128xi32, #tpu.memory_space<vmem>> -> memref<128xi32, #tpu.memory_space<vmem>>
          %dma_start3A_286 = arith.constant 0 : i32
          %dma_start3A_287 = tpu.memref_slice %arg3[%dma_start3A_286] : memref<20480xf32, #tpu.memory_space<hbm>> -> memref<20480xf32, #tpu.memory_space<hbm>>
          tpu.enqueue_indirect_dma source(%dma_start3A_287 : memref<20480xf32, #tpu.memory_space<hbm>>) target(%dma_start3A_282 : memref<128xf32, #tpu.memory_space<vmem>>) offsets(%dma_start3A_285 : memref<128xi32, #tpu.memory_space<vmem>>) semaphore(%arg33 : memref<!tpu.dma_semaphore, #tpu.memory_space<semaphore_mem>>)
        } else {
        }
        %add3A_270 = arith.constant 2 : i32
        %add3A_271 = arith.addi %add3A_196, %add3A_270 : i32
        %lt3A_272 = arith.constant 160 : i32
        %lt3A_273 = arith.cmpi slt, %add3A_271, %lt3A_272 : i32
        %convert_element_type3A_274 = arith.extui %lt3A_273 : i1 to i32
        %cond3A_275 = arith.constant 0 : i32
        %cond3A_276 = arith.cmpi ne, %convert_element_type3A_274, %cond3A_275 : i32
        scf.if %cond3A_276 {
          %add3A_277 = arith.constant 2 : i32
          %add3A_278 = arith.addi %add3A_196, %add3A_277 : i32
          %rem3A_279 = arith.constant 4 : i32
          %rem3A_280 = arith.remsi %add3A_278, %rem3A_279 : i32
          %add3A_281 = arith.addi %add3A, %add3A_278 : i32
          %dma_start3A_282 = arith.constant 0 : i32
          %dma_start3A_283 = arith.constant 0 : i32
          %dma_start3A_284 = tpu.memref_slice %arg16[%rem3A_280, %dma_start3A_282, %dma_start3A_283] : memref<4x1x128xi32, #tpu.memory_space<vmem>> -> memref<1x1x128xi32, #tpu.memory_space<vmem>>
          %dma_start3A_285 = tpu.memref_squeeze %dma_start3A_284 : memref<1x1x128xi32, #tpu.memory_space<vmem>> -> memref<1x128xi32, #tpu.memory_space<vmem>>
          %dma_start3A_286 = arith.constant 0 : i32
          %dma_start3A_287 = arith.constant 0 : i32
          %dma_start3A_288 = tpu.memref_slice %arg4[%add3A_281, %dma_start3A_286, %dma_start3A_287] : memref<5120x1x128xi32, #tpu.memory_space<hbm>> -> memref<1x1x128xi32, #tpu.memory_space<hbm>>
          %dma_start3A_289 = tpu.memref_squeeze %dma_start3A_288 : memref<1x1x128xi32, #tpu.memory_space<hbm>> -> memref<1x128xi32, #tpu.memory_space<hbm>>
          %dma_start3A_290 = arith.constant 0 : i32
          %dma_start3A_291 = arith.constant 0 : i32
          %dma_start3A_292 = tpu.memref_slice %arg16[%rem3A_280, %dma_start3A_290, %dma_start3A_291] : memref<4x1x128xi32, #tpu.memory_space<vmem>> -> memref<1x1x128xi32, #tpu.memory_space<vmem>>
          %dma_start3A_293 = tpu.memref_squeeze %dma_start3A_292 : memref<1x1x128xi32, #tpu.memory_space<vmem>> -> memref<1x128xi32, #tpu.memory_space<vmem>>
          %dma_start3A_294 = arith.constant 0 : i32
          %dma_start3A_295 = arith.constant 0 : i32
          %dma_start3A_296 = tpu.memref_slice %arg4[%add3A_281, %dma_start3A_294, %dma_start3A_295] : memref<5120x1x128xi32, #tpu.memory_space<hbm>> -> memref<1x1x128xi32, #tpu.memory_space<hbm>>
          %dma_start3A_297 = tpu.memref_squeeze %dma_start3A_296 : memref<1x1x128xi32, #tpu.memory_space<hbm>> -> memref<1x128xi32, #tpu.memory_space<hbm>>
          tpu.enqueue_dma source(%dma_start3A_297 : memref<1x128xi32, #tpu.memory_space<hbm>>) target(%dma_start3A_293 : memref<1x128xi32, #tpu.memory_space<vmem>>) target_semaphore(%arg31 : memref<!tpu.dma_semaphore, #tpu.memory_space<semaphore_mem>>)
          %add3A_298 = arith.addi %mul3A_0, %add3A_278 : i32
          %dma_start3A_299 = arith.constant 0 : i32
          %dma_start3A_300 = arith.constant 0 : i32
          %dma_start3A_301 = tpu.memref_slice %arg17[%rem3A_280, %dma_start3A_299, %dma_start3A_300] : memref<4x1x128xi32, #tpu.memory_space<vmem>> -> memref<1x1x128xi32, #tpu.memory_space<vmem>>
          %dma_start3A_302 = tpu.memref_squeeze %dma_start3A_301 : memref<1x1x128xi32, #tpu.memory_space<vmem>> -> memref<1x128xi32, #tpu.memory_space<vmem>>
          %dma_start3A_303 = arith.constant 0 : i32
          %dma_start3A_304 = arith.constant 0 : i32
          %dma_start3A_305 = tpu.memref_slice %arg5[%add3A_298, %dma_start3A_303, %dma_start3A_304] : memref<2560x1x128xi32, #tpu.memory_space<hbm>> -> memref<1x1x128xi32, #tpu.memory_space<hbm>>
          %dma_start3A_306 = tpu.memref_squeeze %dma_start3A_305 : memref<1x1x128xi32, #tpu.memory_space<hbm>> -> memref<1x128xi32, #tpu.memory_space<hbm>>
          %dma_start3A_307 = arith.constant 0 : i32
          %dma_start3A_308 = arith.constant 0 : i32
          %dma_start3A_309 = tpu.memref_slice %arg17[%rem3A_280, %dma_start3A_307, %dma_start3A_308] : memref<4x1x128xi32, #tpu.memory_space<vmem>> -> memref<1x1x128xi32, #tpu.memory_space<vmem>>
          %dma_start3A_310 = tpu.memref_squeeze %dma_start3A_309 : memref<1x1x128xi32, #tpu.memory_space<vmem>> -> memref<1x128xi32, #tpu.memory_space<vmem>>
          %dma_start3A_311 = arith.constant 0 : i32
          %dma_start3A_312 = arith.constant 0 : i32
          %dma_start3A_313 = tpu.memref_slice %arg5[%add3A_298, %dma_start3A_311, %dma_start3A_312] : memref<2560x1x128xi32, #tpu.memory_space<hbm>> -> memref<1x1x128xi32, #tpu.memory_space<hbm>>
          %dma_start3A_314 = tpu.memref_squeeze %dma_start3A_313 : memref<1x1x128xi32, #tpu.memory_space<hbm>> -> memref<1x128xi32, #tpu.memory_space<hbm>>
          tpu.enqueue_dma source(%dma_start3A_314 : memref<1x128xi32, #tpu.memory_space<hbm>>) target(%dma_start3A_310 : memref<1x128xi32, #tpu.memory_space<vmem>>) target_semaphore(%arg31 : memref<!tpu.dma_semaphore, #tpu.memory_space<semaphore_mem>>)
          %eq3A_315 = arith.constant 0 : i32
          %eq3A_316 = arith.cmpi eq, %arg0, %eq3A_315 : i32
          %convert_element_type3A_317 = arith.extui %eq3A_316 : i1 to i32
          %cond3A_318 = arith.constant 0 : i32
          %cond3A_319 = arith.cmpi ne, %convert_element_type3A_317, %cond3A_318 : i32
          scf.if %cond3A_319 {
            %add3A_320 = arith.addi %mul3A_0, %add3A_278 : i32
            %dma_start3A_321 = arith.constant 0 : i32
            %dma_start3A_322 = arith.constant 0 : i32
            %dma_start3A_323 = tpu.memref_slice %arg18[%rem3A_280, %dma_start3A_321, %dma_start3A_322] : memref<4x1x128xf32, #tpu.memory_space<vmem>> -> memref<1x1x128xf32, #tpu.memory_space<vmem>>
            %dma_start3A_324 = tpu.memref_squeeze %dma_start3A_323 : memref<1x1x128xf32, #tpu.memory_space<vmem>> -> memref<1x128xf32, #tpu.memory_space<vmem>>
            %dma_start3A_325 = arith.constant 0 : i32
            %dma_start3A_326 = arith.constant 0 : i32
            %dma_start3A_327 = tpu.memref_slice %arg6[%add3A_320, %dma_start3A_325, %dma_start3A_326] : memref<2560x1x128xf32, #tpu.memory_space<hbm>> -> memref<1x1x128xf32, #tpu.memory_space<hbm>>
            %dma_start3A_328 = tpu.memref_squeeze %dma_start3A_327 : memref<1x1x128xf32, #tpu.memory_space<hbm>> -> memref<1x128xf32, #tpu.memory_space<hbm>>
            %dma_start3A_329 = arith.constant 0 : i32
            %dma_start3A_330 = arith.constant 0 : i32
            %dma_start3A_331 = tpu.memref_slice %arg18[%rem3A_280, %dma_start3A_329, %dma_start3A_330] : memref<4x1x128xf32, #tpu.memory_space<vmem>> -> memref<1x1x128xf32, #tpu.memory_space<vmem>>
            %dma_start3A_332 = tpu.memref_squeeze %dma_start3A_331 : memref<1x1x128xf32, #tpu.memory_space<vmem>> -> memref<1x128xf32, #tpu.memory_space<vmem>>
            %dma_start3A_333 = arith.constant 0 : i32
            %dma_start3A_334 = arith.constant 0 : i32
            %dma_start3A_335 = tpu.memref_slice %arg6[%add3A_320, %dma_start3A_333, %dma_start3A_334] : memref<2560x1x128xf32, #tpu.memory_space<hbm>> -> memref<1x1x128xf32, #tpu.memory_space<hbm>>
            %dma_start3A_336 = tpu.memref_squeeze %dma_start3A_335 : memref<1x1x128xf32, #tpu.memory_space<hbm>> -> memref<1x128xf32, #tpu.memory_space<hbm>>
            tpu.enqueue_dma source(%dma_start3A_336 : memref<1x128xf32, #tpu.memory_space<hbm>>) target(%dma_start3A_332 : memref<1x128xf32, #tpu.memory_space<vmem>>) target_semaphore(%arg31 : memref<!tpu.dma_semaphore, #tpu.memory_space<semaphore_mem>>)
          } else {
          }
        } else {
        }
      } else {
      }
      %ge3A_204 = arith.constant 1 : i32
      %ge3A_205 = arith.cmpi sge, %add3A_196, %ge3A_204 : i32
      %le3A_206 = arith.constant 160 : i32
      %le3A_207 = arith.cmpi sle, %add3A_196, %le3A_206 : i32
      %and3A_208 = arith.andi %ge3A_205, %le3A_207 : i1
      %convert_element_type3A_209 = arith.extui %and3A_208 : i1 to i32
      %cond3A_210 = arith.constant 0 : i32
      %cond3A_211 = arith.cmpi ne, %convert_element_type3A_209, %cond3A_210 : i32
      scf.if %cond3A_211 {
        %sub3A = arith.constant 1 : i32
        %sub3A_212 = arith.subi %add3A_196, %sub3A : i32
        %rem3A_213 = arith.constant 4 : i32
        %rem3A_214 = arith.remsi %sub3A_212, %rem3A_213 : i32
        %dma_wait3A_215 = arith.constant 0 : i32
        %dma_wait3A_216 = arith.constant 0 : i32
        %dma_wait3A_217 = tpu.memref_slice %arg2[%dma_wait3A_215, %dma_wait3A_216] : memref<20480x128xf32, #tpu.memory_space<hbm>> -> memref<128x128xf32, #tpu.memory_space<hbm>>
        %dma_wait3A_218 = arith.constant 0 : i32
        %dma_wait3A_219 = arith.constant 0 : i32
        %dma_wait3A_220 = tpu.memref_slice %arg2[%dma_wait3A_218, %dma_wait3A_219] : memref<20480x128xf32, #tpu.memory_space<hbm>> -> memref<128x128xf32, #tpu.memory_space<hbm>>
        tpu.wait_dma2 semaphore(%arg32 : memref<!tpu.dma_semaphore, #tpu.memory_space<semaphore_mem>>) src(%dma_wait3A_220 : memref<128x128xf32, #tpu.memory_space<hbm>>) dst(%arg20 : memref<128x128xf32, #tpu.memory_space<vmem>>)
        %eq3A_221 = arith.constant 1 : i32
        %eq3A_222 = arith.cmpi eq, %arg0, %eq3A_221 : i32
        %convert_element_type3A_223 = arith.extui %eq3A_222 : i1 to i32
        %cond3A_224 = arith.constant 0 : i32
        %cond3A_225 = arith.cmpi ne, %convert_element_type3A_223, %cond3A_224 : i32
        scf.if %cond3A_225 {
          %dma_wait3A_243 = arith.constant 0 : i32
          %dma_wait3A_244 = arith.constant 0 : i32
          %dma_wait3A_245 = arith.constant 0 : i32
          %dma_wait3A_246 = arith.constant 0 : i32
          %dma_wait3A_247 = tpu.memref_slice %arg19[%dma_wait3A_244, %dma_wait3A_245, %dma_wait3A_246] : memref<2x1x128xf32, #tpu.memory_space<vmem>> -> memref<1x1x128xf32, #tpu.memory_space<vmem>>
          %dma_wait3A_248 = tpu.memref_squeeze %dma_wait3A_247 : memref<1x1x128xf32, #tpu.memory_space<vmem>> -> memref<1x128xf32, #tpu.memory_space<vmem>>
          %dma_wait3A_249 = arith.constant 0 : i32
          %dma_wait3A_250 = arith.constant 0 : i32
          %dma_wait3A_251 = tpu.memref_slice %arg6[%dma_wait3A_243, %dma_wait3A_249, %dma_wait3A_250] : memref<2560x1x128xf32, #tpu.memory_space<hbm>> -> memref<1x1x128xf32, #tpu.memory_space<hbm>>
          %dma_wait3A_252 = tpu.memref_squeeze %dma_wait3A_251 : memref<1x1x128xf32, #tpu.memory_space<hbm>> -> memref<1x128xf32, #tpu.memory_space<hbm>>
          %dma_wait3A_253 = arith.constant 0 : i32
          %dma_wait3A_254 = arith.constant 0 : i32
          %dma_wait3A_255 = tpu.memref_slice %arg19[%dma_wait3A_244, %dma_wait3A_253, %dma_wait3A_254] : memref<2x1x128xf32, #tpu.memory_space<vmem>> -> memref<1x1x128xf32, #tpu.memory_space<vmem>>
          %dma_wait3A_256 = tpu.memref_squeeze %dma_wait3A_255 : memref<1x1x128xf32, #tpu.memory_space<vmem>> -> memref<1x128xf32, #tpu.memory_space<vmem>>
          %dma_wait3A_257 = arith.constant 0 : i32
          %dma_wait3A_258 = arith.constant 0 : i32
          %dma_wait3A_259 = tpu.memref_slice %arg6[%dma_wait3A_243, %dma_wait3A_257, %dma_wait3A_258] : memref<2560x1x128xf32, #tpu.memory_space<hbm>> -> memref<1x1x128xf32, #tpu.memory_space<hbm>>
          %dma_wait3A_260 = tpu.memref_squeeze %dma_wait3A_259 : memref<1x1x128xf32, #tpu.memory_space<hbm>> -> memref<1x128xf32, #tpu.memory_space<hbm>>
          tpu.wait_dma2 semaphore(%arg32 : memref<!tpu.dma_semaphore, #tpu.memory_space<semaphore_mem>>) src(%dma_wait3A_260 : memref<1x128xf32, #tpu.memory_space<hbm>>) dst(%dma_wait3A_256 : memref<1x128xf32, #tpu.memory_space<vmem>>)
        } else {
        }
        %dma_start3A_226 = arith.constant 0 : i32
        %dma_start3A_227 = arith.constant 0 : i32
        %dma_start3A_228 = tpu.memref_slice %arg17[%rem3A_214, %dma_start3A_226, %dma_start3A_227] : memref<4x1x128xi32, #tpu.memory_space<vmem>> -> memref<1x1x128xi32, #tpu.memory_space<vmem>>
        %dma_start3A_229 = tpu.memref_squeeze %dma_start3A_228 : memref<1x1x128xi32, #tpu.memory_space<vmem>> -> memref<128xi32, #tpu.memory_space<vmem>>
        %dma_start3A_230 = arith.constant 0 : i32
        %dma_start3A_231 = arith.constant 0 : i32
        %dma_start3A_232 = tpu.memref_slice %arg25[%dma_start3A_230, %dma_start3A_231] : memref<10240x128xf32, #tpu.memory_space<vmem_shared>> -> memref<10240x128xf32, #tpu.memory_space<vmem_shared>>
        tpu.enqueue_indirect_dma source(%arg20 : memref<128x128xf32, #tpu.memory_space<vmem>>) target(%dma_start3A_232 : memref<10240x128xf32, #tpu.memory_space<vmem_shared>>) offsets(%dma_start3A_229 : memref<128xi32, #tpu.memory_space<vmem>>) semaphore(%arg34 : memref<!tpu.dma_semaphore, #tpu.memory_space<semaphore_mem>>) {add = true}
        %eq3A_233 = arith.constant 0 : i32
        %eq3A_234 = arith.cmpi eq, %arg0, %eq3A_233 : i32
        %convert_element_type3A_235 = arith.extui %eq3A_234 : i1 to i32
        %cond3A_236 = arith.constant 0 : i32
        %cond3A_237 = arith.cmpi ne, %convert_element_type3A_235, %cond3A_236 : i32
        scf.if %cond3A_237 {
          %dma_start3A_243 = arith.constant 0 : i32
          %dma_start3A_244 = arith.constant 0 : i32
          %dma_start3A_245 = arith.constant 0 : i32
          %dma_start3A_246 = tpu.memref_slice %arg18[%rem3A_214, %dma_start3A_243, %dma_start3A_245] : memref<4x1x128xf32, #tpu.memory_space<vmem>> -> memref<1x1x128xf32, #tpu.memory_space<vmem>>
          %dma_start3A_247 = tpu.memref_squeeze %dma_start3A_246 : memref<1x1x128xf32, #tpu.memory_space<vmem>> -> memref<128xf32, #tpu.memory_space<vmem>>
          %dma_start3A_248 = arith.constant 0 : i32
          %dma_start3A_249 = tpu.memref_slice %arg17[%rem3A_214, %dma_start3A_244, %dma_start3A_248] : memref<4x1x128xi32, #tpu.memory_space<vmem>> -> memref<1x1x128xi32, #tpu.memory_space<vmem>>
          %dma_start3A_250 = tpu.memref_squeeze %dma_start3A_249 : memref<1x1x128xi32, #tpu.memory_space<vmem>> -> memref<128xi32, #tpu.memory_space<vmem>>
          %dma_start3A_251 = arith.constant 0 : i32
          %dma_start3A_252 = tpu.memref_slice %arg26[%dma_start3A_251] : memref<10240xf32, #tpu.memory_space<vmem_shared>> -> memref<10240xf32, #tpu.memory_space<vmem_shared>>
          tpu.enqueue_indirect_dma source(%dma_start3A_247 : memref<128xf32, #tpu.memory_space<vmem>>) target(%dma_start3A_252 : memref<10240xf32, #tpu.memory_space<vmem_shared>>) offsets(%dma_start3A_250 : memref<128xi32, #tpu.memory_space<vmem>>) semaphore(%arg34 : memref<!tpu.dma_semaphore, #tpu.memory_space<semaphore_mem>>) {add = true}
          %dma_start3A_253 = arith.constant 0 : i32
          %dma_start3A_254 = arith.constant 0 : i32
          %dma_start3A_255 = arith.constant 0 : i32
          %dma_start3A_256 = tpu.memref_slice %arg23[%dma_start3A_253, %dma_start3A_255] : memref<1x128xf32, #tpu.memory_space<vmem>> -> memref<1x128xf32, #tpu.memory_space<vmem>>
          %dma_start3A_257 = tpu.memref_squeeze %dma_start3A_256 : memref<1x128xf32, #tpu.memory_space<vmem>> -> memref<128xf32, #tpu.memory_space<vmem>>
          %dma_start3A_258 = arith.constant 0 : i32
          %dma_start3A_259 = tpu.memref_slice %arg17[%rem3A_214, %dma_start3A_254, %dma_start3A_258] : memref<4x1x128xi32, #tpu.memory_space<vmem>> -> memref<1x1x128xi32, #tpu.memory_space<vmem>>
          %dma_start3A_260 = tpu.memref_squeeze %dma_start3A_259 : memref<1x1x128xi32, #tpu.memory_space<vmem>> -> memref<128xi32, #tpu.memory_space<vmem>>
          %dma_start3A_261 = arith.constant 0 : i32
          %dma_start3A_262 = tpu.memref_slice %arg27[%dma_start3A_261] : memref<10240xf32, #tpu.memory_space<vmem_shared>> -> memref<10240xf32, #tpu.memory_space<vmem_shared>>
          tpu.enqueue_indirect_dma source(%dma_start3A_257 : memref<128xf32, #tpu.memory_space<vmem>>) target(%dma_start3A_262 : memref<10240xf32, #tpu.memory_space<vmem_shared>>) offsets(%dma_start3A_260 : memref<128xi32, #tpu.memory_space<vmem>>) semaphore(%arg34 : memref<!tpu.dma_semaphore, #tpu.memory_space<semaphore_mem>>) {add = true}
        } else {
        }
        %eq3A_238 = arith.constant 1 : i32
        %eq3A_239 = arith.cmpi eq, %arg0, %eq3A_238 : i32
        %convert_element_type3A_240 = arith.extui %eq3A_239 : i1 to i32
        %cond3A_241 = arith.constant 0 : i32
        %cond3A_242 = arith.cmpi ne, %convert_element_type3A_240, %cond3A_241 : i32
        scf.if %cond3A_242 {
          %dma_start3A_243 = arith.constant 0 : i32
          %dma_start3A_244 = arith.constant 0 : i32
          %dma_start3A_245 = arith.constant 0 : i32
          %dma_start3A_246 = arith.constant 0 : i32
          %dma_start3A_247 = tpu.memref_slice %arg19[%dma_start3A_243, %dma_start3A_244, %dma_start3A_246] : memref<2x1x128xf32, #tpu.memory_space<vmem>> -> memref<1x1x128xf32, #tpu.memory_space<vmem>>
          %dma_start3A_248 = tpu.memref_squeeze %dma_start3A_247 : memref<1x1x128xf32, #tpu.memory_space<vmem>> -> memref<128xf32, #tpu.memory_space<vmem>>
          %dma_start3A_249 = arith.constant 0 : i32
          %dma_start3A_250 = tpu.memref_slice %arg17[%rem3A_214, %dma_start3A_245, %dma_start3A_249] : memref<4x1x128xi32, #tpu.memory_space<vmem>> -> memref<1x1x128xi32, #tpu.memory_space<vmem>>
          %dma_start3A_251 = tpu.memref_squeeze %dma_start3A_250 : memref<1x1x128xi32, #tpu.memory_space<vmem>> -> memref<128xi32, #tpu.memory_space<vmem>>
          %dma_start3A_252 = arith.constant 0 : i32
          %dma_start3A_253 = tpu.memref_slice %arg28[%dma_start3A_252] : memref<10240xf32, #tpu.memory_space<vmem_shared>> -> memref<10240xf32, #tpu.memory_space<vmem_shared>>
          tpu.enqueue_indirect_dma source(%dma_start3A_248 : memref<128xf32, #tpu.memory_space<vmem>>) target(%dma_start3A_253 : memref<10240xf32, #tpu.memory_space<vmem_shared>>) offsets(%dma_start3A_251 : memref<128xi32, #tpu.memory_space<vmem>>) semaphore(%arg34 : memref<!tpu.dma_semaphore, #tpu.memory_space<semaphore_mem>>) {add = true}
        } else {
        }
      } else {
      }
    }
    %while3A_114 = arith.constant 1 : i32
    scf.for %while3A_176 = %while3A_112 to %while3A_108 step %while3A_114  : i32 {
      %mul3A_177 = arith.constant 2 : i32
      %mul3A_178 = arith.muli %while3A_176, %mul3A_177 : i32
      %add3A_179 = arith.constant 0 : i32
      %add3A_180 = arith.addi %mul3A_178, %add3A_179 : i32
      %rem3A_181 = arith.constant 4 : i32
      %rem3A_182 = arith.remsi %add3A_180, %rem3A_181 : i32
      %lt3A = arith.constant 160 : i32
      %lt3A_183 = arith.cmpi slt, %add3A_180, %lt3A : i32
      %convert_element_type3A_184 = arith.extui %lt3A_183 : i1 to i32
      %cond3A_185 = arith.constant 0 : i32
      %cond3A_186 = arith.cmpi ne, %convert_element_type3A_184, %cond3A_185 : i32
      scf.if %cond3A_186 {
        %dma_wait3A_212 = arith.constant 0 : i32
        %dma_wait3A_213 = arith.constant 0 : i32
        %dma_wait3A_214 = arith.constant 0 : i32
        %dma_wait3A_215 = arith.constant 0 : i32
        %dma_wait3A_216 = tpu.memref_slice %arg16[%dma_wait3A_213, %dma_wait3A_214, %dma_wait3A_215] : memref<4x1x128xi32, #tpu.memory_space<vmem>> -> memref<1x1x128xi32, #tpu.memory_space<vmem>>
        %dma_wait3A_217 = tpu.memref_squeeze %dma_wait3A_216 : memref<1x1x128xi32, #tpu.memory_space<vmem>> -> memref<1x128xi32, #tpu.memory_space<vmem>>
        %dma_wait3A_218 = arith.constant 0 : i32
        %dma_wait3A_219 = arith.constant 0 : i32
        %dma_wait3A_220 = tpu.memref_slice %arg4[%dma_wait3A_212, %dma_wait3A_218, %dma_wait3A_219] : memref<5120x1x128xi32, #tpu.memory_space<hbm>> -> memref<1x1x128xi32, #tpu.memory_space<hbm>>
        %dma_wait3A_221 = tpu.memref_squeeze %dma_wait3A_220 : memref<1x1x128xi32, #tpu.memory_space<hbm>> -> memref<1x128xi32, #tpu.memory_space<hbm>>
        %dma_wait3A_222 = arith.constant 0 : i32
        %dma_wait3A_223 = arith.constant 0 : i32
        %dma_wait3A_224 = tpu.memref_slice %arg16[%dma_wait3A_213, %dma_wait3A_222, %dma_wait3A_223] : memref<4x1x128xi32, #tpu.memory_space<vmem>> -> memref<1x1x128xi32, #tpu.memory_space<vmem>>
        %dma_wait3A_225 = tpu.memref_squeeze %dma_wait3A_224 : memref<1x1x128xi32, #tpu.memory_space<vmem>> -> memref<1x128xi32, #tpu.memory_space<vmem>>
        %dma_wait3A_226 = arith.constant 0 : i32
        %dma_wait3A_227 = arith.constant 0 : i32
        %dma_wait3A_228 = tpu.memref_slice %arg4[%dma_wait3A_212, %dma_wait3A_226, %dma_wait3A_227] : memref<5120x1x128xi32, #tpu.memory_space<hbm>> -> memref<1x1x128xi32, #tpu.memory_space<hbm>>
        %dma_wait3A_229 = tpu.memref_squeeze %dma_wait3A_228 : memref<1x1x128xi32, #tpu.memory_space<hbm>> -> memref<1x128xi32, #tpu.memory_space<hbm>>
        tpu.wait_dma2 semaphore(%arg30 : memref<!tpu.dma_semaphore, #tpu.memory_space<semaphore_mem>>) src(%dma_wait3A_229 : memref<1x128xi32, #tpu.memory_space<hbm>>) dst(%dma_wait3A_225 : memref<1x128xi32, #tpu.memory_space<vmem>>)
        %dma_wait3A_230 = arith.constant 0 : i32
        %dma_wait3A_231 = arith.constant 0 : i32
        %dma_wait3A_232 = arith.constant 0 : i32
        %dma_wait3A_233 = arith.constant 0 : i32
        %dma_wait3A_234 = tpu.memref_slice %arg17[%dma_wait3A_231, %dma_wait3A_232, %dma_wait3A_233] : memref<4x1x128xi32, #tpu.memory_space<vmem>> -> memref<1x1x128xi32, #tpu.memory_space<vmem>>
        %dma_wait3A_235 = tpu.memref_squeeze %dma_wait3A_234 : memref<1x1x128xi32, #tpu.memory_space<vmem>> -> memref<1x128xi32, #tpu.memory_space<vmem>>
        %dma_wait3A_236 = arith.constant 0 : i32
        %dma_wait3A_237 = arith.constant 0 : i32
        %dma_wait3A_238 = tpu.memref_slice %arg4[%dma_wait3A_230, %dma_wait3A_236, %dma_wait3A_237] : memref<5120x1x128xi32, #tpu.memory_space<hbm>> -> memref<1x1x128xi32, #tpu.memory_space<hbm>>
        %dma_wait3A_239 = tpu.memref_squeeze %dma_wait3A_238 : memref<1x1x128xi32, #tpu.memory_space<hbm>> -> memref<1x128xi32, #tpu.memory_space<hbm>>
        %dma_wait3A_240 = arith.constant 0 : i32
        %dma_wait3A_241 = arith.constant 0 : i32
        %dma_wait3A_242 = tpu.memref_slice %arg17[%dma_wait3A_231, %dma_wait3A_240, %dma_wait3A_241] : memref<4x1x128xi32, #tpu.memory_space<vmem>> -> memref<1x1x128xi32, #tpu.memory_space<vmem>>
        %dma_wait3A_243 = tpu.memref_squeeze %dma_wait3A_242 : memref<1x1x128xi32, #tpu.memory_space<vmem>> -> memref<1x128xi32, #tpu.memory_space<vmem>>
        %dma_wait3A_244 = arith.constant 0 : i32
        %dma_wait3A_245 = arith.constant 0 : i32
        %dma_wait3A_246 = tpu.memref_slice %arg4[%dma_wait3A_230, %dma_wait3A_244, %dma_wait3A_245] : memref<5120x1x128xi32, #tpu.memory_space<hbm>> -> memref<1x1x128xi32, #tpu.memory_space<hbm>>
        %dma_wait3A_247 = tpu.memref_squeeze %dma_wait3A_246 : memref<1x1x128xi32, #tpu.memory_space<hbm>> -> memref<1x128xi32, #tpu.memory_space<hbm>>
        tpu.wait_dma2 semaphore(%arg30 : memref<!tpu.dma_semaphore, #tpu.memory_space<semaphore_mem>>) src(%dma_wait3A_247 : memref<1x128xi32, #tpu.memory_space<hbm>>) dst(%dma_wait3A_243 : memref<1x128xi32, #tpu.memory_space<vmem>>)
        %eq3A_248 = arith.constant 0 : i32
        %eq3A_249 = arith.cmpi eq, %arg0, %eq3A_248 : i32
        %convert_element_type3A_250 = arith.extui %eq3A_249 : i1 to i32
        %cond3A_251 = arith.constant 0 : i32
        %cond3A_252 = arith.cmpi ne, %convert_element_type3A_250, %cond3A_251 : i32
        scf.if %cond3A_252 {
          %dma_wait3A_277 = arith.constant 0 : i32
          %dma_wait3A_278 = arith.constant 0 : i32
          %dma_wait3A_279 = arith.constant 0 : i32
          %dma_wait3A_280 = arith.constant 0 : i32
          %dma_wait3A_281 = tpu.memref_slice %arg18[%dma_wait3A_278, %dma_wait3A_279, %dma_wait3A_280] : memref<4x1x128xf32, #tpu.memory_space<vmem>> -> memref<1x1x128xf32, #tpu.memory_space<vmem>>
          %dma_wait3A_282 = tpu.memref_squeeze %dma_wait3A_281 : memref<1x1x128xf32, #tpu.memory_space<vmem>> -> memref<1x128xf32, #tpu.memory_space<vmem>>
          %dma_wait3A_283 = arith.constant 0 : i32
          %dma_wait3A_284 = arith.constant 0 : i32
          %dma_wait3A_285 = tpu.memref_slice %arg6[%dma_wait3A_277, %dma_wait3A_283, %dma_wait3A_284] : memref<2560x1x128xf32, #tpu.memory_space<hbm>> -> memref<1x1x128xf32, #tpu.memory_space<hbm>>
          %dma_wait3A_286 = tpu.memref_squeeze %dma_wait3A_285 : memref<1x1x128xf32, #tpu.memory_space<hbm>> -> memref<1x128xf32, #tpu.memory_space<hbm>>
          %dma_wait3A_287 = arith.constant 0 : i32
          %dma_wait3A_288 = arith.constant 0 : i32
          %dma_wait3A_289 = tpu.memref_slice %arg18[%dma_wait3A_278, %dma_wait3A_287, %dma_wait3A_288] : memref<4x1x128xf32, #tpu.memory_space<vmem>> -> memref<1x1x128xf32, #tpu.memory_space<vmem>>
          %dma_wait3A_290 = tpu.memref_squeeze %dma_wait3A_289 : memref<1x1x128xf32, #tpu.memory_space<vmem>> -> memref<1x128xf32, #tpu.memory_space<vmem>>
          %dma_wait3A_291 = arith.constant 0 : i32
          %dma_wait3A_292 = arith.constant 0 : i32
          %dma_wait3A_293 = tpu.memref_slice %arg6[%dma_wait3A_277, %dma_wait3A_291, %dma_wait3A_292] : memref<2560x1x128xf32, #tpu.memory_space<hbm>> -> memref<1x1x128xf32, #tpu.memory_space<hbm>>
          %dma_wait3A_294 = tpu.memref_squeeze %dma_wait3A_293 : memref<1x1x128xf32, #tpu.memory_space<hbm>> -> memref<1x128xf32, #tpu.memory_space<hbm>>
          tpu.wait_dma2 semaphore(%arg30 : memref<!tpu.dma_semaphore, #tpu.memory_space<semaphore_mem>>) src(%dma_wait3A_294 : memref<1x128xf32, #tpu.memory_space<hbm>>) dst(%dma_wait3A_290 : memref<1x128xf32, #tpu.memory_space<vmem>>)
        } else {
        }
        %ge3A_253 = arith.constant 2 : i32
        %ge3A_254 = arith.cmpi sge, %add3A_180, %ge3A_253 : i32
        %convert_element_type3A_255 = arith.extui %ge3A_254 : i1 to i32
        %cond3A_256 = arith.constant 0 : i32
        %cond3A_257 = arith.cmpi ne, %convert_element_type3A_255, %cond3A_256 : i32
        scf.if %cond3A_257 {
          %dma_wait3A_277 = arith.constant 0 : i32
          %dma_wait3A_278 = arith.constant 0 : i32
          %dma_wait3A_279 = tpu.memref_slice %arg2[%dma_wait3A_277, %dma_wait3A_278] : memref<20480x128xf32, #tpu.memory_space<hbm>> -> memref<128x128xf32, #tpu.memory_space<hbm>>
          %dma_wait3A_280 = arith.constant 0 : i32
          %dma_wait3A_281 = arith.constant 0 : i32
          %dma_wait3A_282 = tpu.memref_slice %arg2[%dma_wait3A_280, %dma_wait3A_281] : memref<20480x128xf32, #tpu.memory_space<hbm>> -> memref<128x128xf32, #tpu.memory_space<hbm>>
          tpu.wait_dma2 semaphore(%arg34 : memref<!tpu.dma_semaphore, #tpu.memory_space<semaphore_mem>>) src(%dma_wait3A_282 : memref<128x128xf32, #tpu.memory_space<hbm>>) dst(%arg20 : memref<128x128xf32, #tpu.memory_space<vmem>>)
          %eq3A_283 = arith.constant 0 : i32
          %eq3A_284 = arith.cmpi eq, %arg0, %eq3A_283 : i32
          %convert_element_type3A_285 = arith.extui %eq3A_284 : i1 to i32
          %cond3A_286 = arith.constant 0 : i32
          %cond3A_287 = arith.cmpi ne, %convert_element_type3A_285, %cond3A_286 : i32
          scf.if %cond3A_287 {
            %dma_wait3A_293 = arith.constant 0 : i32
            %dma_wait3A_294 = arith.constant 0 : i32
            %dma_wait3A_295 = arith.constant 0 : i32
            %dma_wait3A_296 = arith.constant 0 : i32
            %dma_wait3A_297 = tpu.memref_slice %arg18[%dma_wait3A_294, %dma_wait3A_295, %dma_wait3A_296] : memref<4x1x128xf32, #tpu.memory_space<vmem>> -> memref<1x1x128xf32, #tpu.memory_space<vmem>>
            %dma_wait3A_298 = tpu.memref_squeeze %dma_wait3A_297 : memref<1x1x128xf32, #tpu.memory_space<vmem>> -> memref<1x128xf32, #tpu.memory_space<vmem>>
            %dma_wait3A_299 = arith.constant 0 : i32
            %dma_wait3A_300 = arith.constant 0 : i32
            %dma_wait3A_301 = tpu.memref_slice %arg6[%dma_wait3A_293, %dma_wait3A_299, %dma_wait3A_300] : memref<2560x1x128xf32, #tpu.memory_space<hbm>> -> memref<1x1x128xf32, #tpu.memory_space<hbm>>
            %dma_wait3A_302 = tpu.memref_squeeze %dma_wait3A_301 : memref<1x1x128xf32, #tpu.memory_space<hbm>> -> memref<1x128xf32, #tpu.memory_space<hbm>>
            %dma_wait3A_303 = arith.constant 0 : i32
            %dma_wait3A_304 = arith.constant 0 : i32
            %dma_wait3A_305 = tpu.memref_slice %arg18[%dma_wait3A_294, %dma_wait3A_303, %dma_wait3A_304] : memref<4x1x128xf32, #tpu.memory_space<vmem>> -> memref<1x1x128xf32, #tpu.memory_space<vmem>>
            %dma_wait3A_306 = tpu.memref_squeeze %dma_wait3A_305 : memref<1x1x128xf32, #tpu.memory_space<vmem>> -> memref<1x128xf32, #tpu.memory_space<vmem>>
            %dma_wait3A_307 = arith.constant 0 : i32
            %dma_wait3A_308 = arith.constant 0 : i32
            %dma_wait3A_309 = tpu.memref_slice %arg6[%dma_wait3A_293, %dma_wait3A_307, %dma_wait3A_308] : memref<2560x1x128xf32, #tpu.memory_space<hbm>> -> memref<1x1x128xf32, #tpu.memory_space<hbm>>
            %dma_wait3A_310 = tpu.memref_squeeze %dma_wait3A_309 : memref<1x1x128xf32, #tpu.memory_space<hbm>> -> memref<1x128xf32, #tpu.memory_space<hbm>>
            tpu.wait_dma2 semaphore(%arg34 : memref<!tpu.dma_semaphore, #tpu.memory_space<semaphore_mem>>) src(%dma_wait3A_310 : memref<1x128xf32, #tpu.memory_space<hbm>>) dst(%dma_wait3A_306 : memref<1x128xf32, #tpu.memory_space<vmem>>)
            %dma_wait3A_311 = arith.constant 0 : i32
            %dma_wait3A_312 = arith.constant 0 : i32
            %dma_wait3A_313 = arith.constant 0 : i32
            %dma_wait3A_314 = arith.constant 0 : i32
            %dma_wait3A_315 = tpu.memref_slice %arg18[%dma_wait3A_312, %dma_wait3A_313, %dma_wait3A_314] : memref<4x1x128xf32, #tpu.memory_space<vmem>> -> memref<1x1x128xf32, #tpu.memory_space<vmem>>
            %dma_wait3A_316 = tpu.memref_squeeze %dma_wait3A_315 : memref<1x1x128xf32, #tpu.memory_space<vmem>> -> memref<1x128xf32, #tpu.memory_space<vmem>>
            %dma_wait3A_317 = arith.constant 0 : i32
            %dma_wait3A_318 = arith.constant 0 : i32
            %dma_wait3A_319 = tpu.memref_slice %arg6[%dma_wait3A_311, %dma_wait3A_317, %dma_wait3A_318] : memref<2560x1x128xf32, #tpu.memory_space<hbm>> -> memref<1x1x128xf32, #tpu.memory_space<hbm>>
            %dma_wait3A_320 = tpu.memref_squeeze %dma_wait3A_319 : memref<1x1x128xf32, #tpu.memory_space<hbm>> -> memref<1x128xf32, #tpu.memory_space<hbm>>
            %dma_wait3A_321 = arith.constant 0 : i32
            %dma_wait3A_322 = arith.constant 0 : i32
            %dma_wait3A_323 = tpu.memref_slice %arg18[%dma_wait3A_312, %dma_wait3A_321, %dma_wait3A_322] : memref<4x1x128xf32, #tpu.memory_space<vmem>> -> memref<1x1x128xf32, #tpu.memory_space<vmem>>
            %dma_wait3A_324 = tpu.memref_squeeze %dma_wait3A_323 : memref<1x1x128xf32, #tpu.memory_space<vmem>> -> memref<1x128xf32, #tpu.memory_space<vmem>>
            %dma_wait3A_325 = arith.constant 0 : i32
            %dma_wait3A_326 = arith.constant 0 : i32
            %dma_wait3A_327 = tpu.memref_slice %arg6[%dma_wait3A_311, %dma_wait3A_325, %dma_wait3A_326] : memref<2560x1x128xf32, #tpu.memory_space<hbm>> -> memref<1x1x128xf32, #tpu.memory_space<hbm>>
            %dma_wait3A_328 = tpu.memref_squeeze %dma_wait3A_327 : memref<1x1x128xf32, #tpu.memory_space<hbm>> -> memref<1x128xf32, #tpu.memory_space<hbm>>
            tpu.wait_dma2 semaphore(%arg34 : memref<!tpu.dma_semaphore, #tpu.memory_space<semaphore_mem>>) src(%dma_wait3A_328 : memref<1x128xf32, #tpu.memory_space<hbm>>) dst(%dma_wait3A_324 : memref<1x128xf32, #tpu.memory_space<vmem>>)
          } else {
          }
          %eq3A_288 = arith.constant 1 : i32
          %eq3A_289 = arith.cmpi eq, %arg0, %eq3A_288 : i32
          %convert_element_type3A_290 = arith.extui %eq3A_289 : i1 to i32
          %cond3A_291 = arith.constant 0 : i32
          %cond3A_292 = arith.cmpi ne, %convert_element_type3A_290, %cond3A_291 : i32
          scf.if %cond3A_292 {
            %dma_wait3A_293 = arith.constant 0 : i32
            %dma_wait3A_294 = arith.constant 0 : i32
            %dma_wait3A_295 = arith.constant 0 : i32
            %dma_wait3A_296 = arith.constant 0 : i32
            %dma_wait3A_297 = tpu.memref_slice %arg19[%dma_wait3A_294, %dma_wait3A_295, %dma_wait3A_296] : memref<2x1x128xf32, #tpu.memory_space<vmem>> -> memref<1x1x128xf32, #tpu.memory_space<vmem>>
            %dma_wait3A_298 = tpu.memref_squeeze %dma_wait3A_297 : memref<1x1x128xf32, #tpu.memory_space<vmem>> -> memref<1x128xf32, #tpu.memory_space<vmem>>
            %dma_wait3A_299 = arith.constant 0 : i32
            %dma_wait3A_300 = arith.constant 0 : i32
            %dma_wait3A_301 = tpu.memref_slice %arg6[%dma_wait3A_293, %dma_wait3A_299, %dma_wait3A_300] : memref<2560x1x128xf32, #tpu.memory_space<hbm>> -> memref<1x1x128xf32, #tpu.memory_space<hbm>>
            %dma_wait3A_302 = tpu.memref_squeeze %dma_wait3A_301 : memref<1x1x128xf32, #tpu.memory_space<hbm>> -> memref<1x128xf32, #tpu.memory_space<hbm>>
            %dma_wait3A_303 = arith.constant 0 : i32
            %dma_wait3A_304 = arith.constant 0 : i32
            %dma_wait3A_305 = tpu.memref_slice %arg19[%dma_wait3A_294, %dma_wait3A_303, %dma_wait3A_304] : memref<2x1x128xf32, #tpu.memory_space<vmem>> -> memref<1x1x128xf32, #tpu.memory_space<vmem>>
            %dma_wait3A_306 = tpu.memref_squeeze %dma_wait3A_305 : memref<1x1x128xf32, #tpu.memory_space<vmem>> -> memref<1x128xf32, #tpu.memory_space<vmem>>
            %dma_wait3A_307 = arith.constant 0 : i32
            %dma_wait3A_308 = arith.constant 0 : i32
            %dma_wait3A_309 = tpu.memref_slice %arg6[%dma_wait3A_293, %dma_wait3A_307, %dma_wait3A_308] : memref<2560x1x128xf32, #tpu.memory_space<hbm>> -> memref<1x1x128xf32, #tpu.memory_space<hbm>>
            %dma_wait3A_310 = tpu.memref_squeeze %dma_wait3A_309 : memref<1x1x128xf32, #tpu.memory_space<hbm>> -> memref<1x128xf32, #tpu.memory_space<hbm>>
            tpu.wait_dma2 semaphore(%arg34 : memref<!tpu.dma_semaphore, #tpu.memory_space<semaphore_mem>>) src(%dma_wait3A_310 : memref<1x128xf32, #tpu.memory_space<hbm>>) dst(%dma_wait3A_306 : memref<1x128xf32, #tpu.memory_space<vmem>>)
          } else {
          }
        } else {
        }
        %dma_start3A_258 = arith.constant 0 : i32
        %dma_start3A_259 = arith.constant 0 : i32
        %dma_start3A_260 = tpu.memref_slice %arg16[%rem3A_182, %dma_start3A_258, %dma_start3A_259] : memref<4x1x128xi32, #tpu.memory_space<vmem>> -> memref<1x1x128xi32, #tpu.memory_space<vmem>>
        %dma_start3A_261 = tpu.memref_squeeze %dma_start3A_260 : memref<1x1x128xi32, #tpu.memory_space<vmem>> -> memref<128xi32, #tpu.memory_space<vmem>>
        %dma_start3A_262 = arith.constant 0 : i32
        %dma_start3A_263 = arith.constant 0 : i32
        %dma_start3A_264 = tpu.memref_slice %arg2[%dma_start3A_262, %dma_start3A_263] : memref<20480x128xf32, #tpu.memory_space<hbm>> -> memref<20480x128xf32, #tpu.memory_space<hbm>>
        tpu.enqueue_indirect_dma source(%dma_start3A_264 : memref<20480x128xf32, #tpu.memory_space<hbm>>) target(%arg20 : memref<128x128xf32, #tpu.memory_space<vmem>>) offsets(%dma_start3A_261 : memref<128xi32, #tpu.memory_space<vmem>>) semaphore(%arg32 : memref<!tpu.dma_semaphore, #tpu.memory_space<semaphore_mem>>)
        %eq3A_265 = arith.constant 1 : i32
        %eq3A_266 = arith.cmpi eq, %arg0, %eq3A_265 : i32
        %convert_element_type3A_267 = arith.extui %eq3A_266 : i1 to i32
        %cond3A_268 = arith.constant 0 : i32
        %cond3A_269 = arith.cmpi ne, %convert_element_type3A_267, %cond3A_268 : i32
        scf.if %cond3A_269 {
          %dma_start3A_277 = arith.constant 0 : i32
          %dma_start3A_278 = arith.constant 0 : i32
          %dma_start3A_279 = arith.constant 0 : i32
          %dma_start3A_280 = arith.constant 0 : i32
          %dma_start3A_281 = tpu.memref_slice %arg19[%dma_start3A_278, %dma_start3A_279, %dma_start3A_280] : memref<2x1x128xf32, #tpu.memory_space<vmem>> -> memref<1x1x128xf32, #tpu.memory_space<vmem>>
          %dma_start3A_282 = tpu.memref_squeeze %dma_start3A_281 : memref<1x1x128xf32, #tpu.memory_space<vmem>> -> memref<128xf32, #tpu.memory_space<vmem>>
          %dma_start3A_283 = arith.constant 0 : i32
          %dma_start3A_284 = tpu.memref_slice %arg16[%rem3A_182, %dma_start3A_277, %dma_start3A_283] : memref<4x1x128xi32, #tpu.memory_space<vmem>> -> memref<1x1x128xi32, #tpu.memory_space<vmem>>
          %dma_start3A_285 = tpu.memref_squeeze %dma_start3A_284 : memref<1x1x128xi32, #tpu.memory_space<vmem>> -> memref<128xi32, #tpu.memory_space<vmem>>
          %dma_start3A_286 = arith.constant 0 : i32
          %dma_start3A_287 = tpu.memref_slice %arg3[%dma_start3A_286] : memref<20480xf32, #tpu.memory_space<hbm>> -> memref<20480xf32, #tpu.memory_space<hbm>>
          tpu.enqueue_indirect_dma source(%dma_start3A_287 : memref<20480xf32, #tpu.memory_space<hbm>>) target(%dma_start3A_282 : memref<128xf32, #tpu.memory_space<vmem>>) offsets(%dma_start3A_285 : memref<128xi32, #tpu.memory_space<vmem>>) semaphore(%arg32 : memref<!tpu.dma_semaphore, #tpu.memory_space<semaphore_mem>>)
        } else {
        }
        %add3A_270 = arith.constant 2 : i32
        %add3A_271 = arith.addi %add3A_180, %add3A_270 : i32
        %lt3A_272 = arith.constant 160 : i32
        %lt3A_273 = arith.cmpi slt, %add3A_271, %lt3A_272 : i32
        %convert_element_type3A_274 = arith.extui %lt3A_273 : i1 to i32
        %cond3A_275 = arith.constant 0 : i32
        %cond3A_276 = arith.cmpi ne, %convert_element_type3A_274, %cond3A_275 : i32
        scf.if %cond3A_276 {
          %add3A_277 = arith.constant 2 : i32
          %add3A_278 = arith.addi %add3A_180, %add3A_277 : i32
          %rem3A_279 = arith.constant 4 : i32
          %rem3A_280 = arith.remsi %add3A_278, %rem3A_279 : i32
          %add3A_281 = arith.addi %add3A, %add3A_278 : i32
          %dma_start3A_282 = arith.constant 0 : i32
          %dma_start3A_283 = arith.constant 0 : i32
          %dma_start3A_284 = tpu.memref_slice %arg16[%rem3A_280, %dma_start3A_282, %dma_start3A_283] : memref<4x1x128xi32, #tpu.memory_space<vmem>> -> memref<1x1x128xi32, #tpu.memory_space<vmem>>
          %dma_start3A_285 = tpu.memref_squeeze %dma_start3A_284 : memref<1x1x128xi32, #tpu.memory_space<vmem>> -> memref<1x128xi32, #tpu.memory_space<vmem>>
          %dma_start3A_286 = arith.constant 0 : i32
          %dma_start3A_287 = arith.constant 0 : i32
          %dma_start3A_288 = tpu.memref_slice %arg4[%add3A_281, %dma_start3A_286, %dma_start3A_287] : memref<5120x1x128xi32, #tpu.memory_space<hbm>> -> memref<1x1x128xi32, #tpu.memory_space<hbm>>
          %dma_start3A_289 = tpu.memref_squeeze %dma_start3A_288 : memref<1x1x128xi32, #tpu.memory_space<hbm>> -> memref<1x128xi32, #tpu.memory_space<hbm>>
          %dma_start3A_290 = arith.constant 0 : i32
          %dma_start3A_291 = arith.constant 0 : i32
          %dma_start3A_292 = tpu.memref_slice %arg16[%rem3A_280, %dma_start3A_290, %dma_start3A_291] : memref<4x1x128xi32, #tpu.memory_space<vmem>> -> memref<1x1x128xi32, #tpu.memory_space<vmem>>
          %dma_start3A_293 = tpu.memref_squeeze %dma_start3A_292 : memref<1x1x128xi32, #tpu.memory_space<vmem>> -> memref<1x128xi32, #tpu.memory_space<vmem>>
          %dma_start3A_294 = arith.constant 0 : i32
          %dma_start3A_295 = arith.constant 0 : i32
          %dma_start3A_296 = tpu.memref_slice %arg4[%add3A_281, %dma_start3A_294, %dma_start3A_295] : memref<5120x1x128xi32, #tpu.memory_space<hbm>> -> memref<1x1x128xi32, #tpu.memory_space<hbm>>
          %dma_start3A_297 = tpu.memref_squeeze %dma_start3A_296 : memref<1x1x128xi32, #tpu.memory_space<hbm>> -> memref<1x128xi32, #tpu.memory_space<hbm>>
          tpu.enqueue_dma source(%dma_start3A_297 : memref<1x128xi32, #tpu.memory_space<hbm>>) target(%dma_start3A_293 : memref<1x128xi32, #tpu.memory_space<vmem>>) target_semaphore(%arg30 : memref<!tpu.dma_semaphore, #tpu.memory_space<semaphore_mem>>)
          %add3A_298 = arith.addi %mul3A_0, %add3A_278 : i32
          %dma_start3A_299 = arith.constant 0 : i32
          %dma_start3A_300 = arith.constant 0 : i32
          %dma_start3A_301 = tpu.memref_slice %arg17[%rem3A_280, %dma_start3A_299, %dma_start3A_300] : memref<4x1x128xi32, #tpu.memory_space<vmem>> -> memref<1x1x128xi32, #tpu.memory_space<vmem>>
          %dma_start3A_302 = tpu.memref_squeeze %dma_start3A_301 : memref<1x1x128xi32, #tpu.memory_space<vmem>> -> memref<1x128xi32, #tpu.memory_space<vmem>>
          %dma_start3A_303 = arith.constant 0 : i32
          %dma_start3A_304 = arith.constant 0 : i32
          %dma_start3A_305 = tpu.memref_slice %arg5[%add3A_298, %dma_start3A_303, %dma_start3A_304] : memref<2560x1x128xi32, #tpu.memory_space<hbm>> -> memref<1x1x128xi32, #tpu.memory_space<hbm>>
          %dma_start3A_306 = tpu.memref_squeeze %dma_start3A_305 : memref<1x1x128xi32, #tpu.memory_space<hbm>> -> memref<1x128xi32, #tpu.memory_space<hbm>>
          %dma_start3A_307 = arith.constant 0 : i32
          %dma_start3A_308 = arith.constant 0 : i32
          %dma_start3A_309 = tpu.memref_slice %arg17[%rem3A_280, %dma_start3A_307, %dma_start3A_308] : memref<4x1x128xi32, #tpu.memory_space<vmem>> -> memref<1x1x128xi32, #tpu.memory_space<vmem>>
          %dma_start3A_310 = tpu.memref_squeeze %dma_start3A_309 : memref<1x1x128xi32, #tpu.memory_space<vmem>> -> memref<1x128xi32, #tpu.memory_space<vmem>>
          %dma_start3A_311 = arith.constant 0 : i32
          %dma_start3A_312 = arith.constant 0 : i32
          %dma_start3A_313 = tpu.memref_slice %arg5[%add3A_298, %dma_start3A_311, %dma_start3A_312] : memref<2560x1x128xi32, #tpu.memory_space<hbm>> -> memref<1x1x128xi32, #tpu.memory_space<hbm>>
          %dma_start3A_314 = tpu.memref_squeeze %dma_start3A_313 : memref<1x1x128xi32, #tpu.memory_space<hbm>> -> memref<1x128xi32, #tpu.memory_space<hbm>>
          tpu.enqueue_dma source(%dma_start3A_314 : memref<1x128xi32, #tpu.memory_space<hbm>>) target(%dma_start3A_310 : memref<1x128xi32, #tpu.memory_space<vmem>>) target_semaphore(%arg30 : memref<!tpu.dma_semaphore, #tpu.memory_space<semaphore_mem>>)
          %eq3A_315 = arith.constant 0 : i32
          %eq3A_316 = arith.cmpi eq, %arg0, %eq3A_315 : i32
          %convert_element_type3A_317 = arith.extui %eq3A_316 : i1 to i32
          %cond3A_318 = arith.constant 0 : i32
          %cond3A_319 = arith.cmpi ne, %convert_element_type3A_317, %cond3A_318 : i32
          scf.if %cond3A_319 {
            %add3A_320 = arith.addi %mul3A_0, %add3A_278 : i32
            %dma_start3A_321 = arith.constant 0 : i32
            %dma_start3A_322 = arith.constant 0 : i32
            %dma_start3A_323 = tpu.memref_slice %arg18[%rem3A_280, %dma_start3A_321, %dma_start3A_322] : memref<4x1x128xf32, #tpu.memory_space<vmem>> -> memref<1x1x128xf32, #tpu.memory_space<vmem>>
            %dma_start3A_324 = tpu.memref_squeeze %dma_start3A_323 : memref<1x1x128xf32, #tpu.memory_space<vmem>> -> memref<1x128xf32, #tpu.memory_space<vmem>>
            %dma_start3A_325 = arith.constant 0 : i32
            %dma_start3A_326 = arith.constant 0 : i32
            %dma_start3A_327 = tpu.memref_slice %arg6[%add3A_320, %dma_start3A_325, %dma_start3A_326] : memref<2560x1x128xf32, #tpu.memory_space<hbm>> -> memref<1x1x128xf32, #tpu.memory_space<hbm>>
            %dma_start3A_328 = tpu.memref_squeeze %dma_start3A_327 : memref<1x1x128xf32, #tpu.memory_space<hbm>> -> memref<1x128xf32, #tpu.memory_space<hbm>>
            %dma_start3A_329 = arith.constant 0 : i32
            %dma_start3A_330 = arith.constant 0 : i32
            %dma_start3A_331 = tpu.memref_slice %arg18[%rem3A_280, %dma_start3A_329, %dma_start3A_330] : memref<4x1x128xf32, #tpu.memory_space<vmem>> -> memref<1x1x128xf32, #tpu.memory_space<vmem>>
            %dma_start3A_332 = tpu.memref_squeeze %dma_start3A_331 : memref<1x1x128xf32, #tpu.memory_space<vmem>> -> memref<1x128xf32, #tpu.memory_space<vmem>>
            %dma_start3A_333 = arith.constant 0 : i32
            %dma_start3A_334 = arith.constant 0 : i32
            %dma_start3A_335 = tpu.memref_slice %arg6[%add3A_320, %dma_start3A_333, %dma_start3A_334] : memref<2560x1x128xf32, #tpu.memory_space<hbm>> -> memref<1x1x128xf32, #tpu.memory_space<hbm>>
            %dma_start3A_336 = tpu.memref_squeeze %dma_start3A_335 : memref<1x1x128xf32, #tpu.memory_space<hbm>> -> memref<1x128xf32, #tpu.memory_space<hbm>>
            tpu.enqueue_dma source(%dma_start3A_336 : memref<1x128xf32, #tpu.memory_space<hbm>>) target(%dma_start3A_332 : memref<1x128xf32, #tpu.memory_space<vmem>>) target_semaphore(%arg30 : memref<!tpu.dma_semaphore, #tpu.memory_space<semaphore_mem>>)
          } else {
          }
        } else {
        }
      } else {
      }
      %ge3A = arith.constant 1 : i32
      %ge3A_187 = arith.cmpi sge, %add3A_180, %ge3A : i32
      %le3A = arith.constant 160 : i32
      %le3A_188 = arith.cmpi sle, %add3A_180, %le3A : i32
      %and3A_189 = arith.andi %ge3A_187, %le3A_188 : i1
      %convert_element_type3A_190 = arith.extui %and3A_189 : i1 to i32
      %cond3A_191 = arith.constant 0 : i32
      %cond3A_192 = arith.cmpi ne, %convert_element_type3A_190, %cond3A_191 : i32
      scf.if %cond3A_192 {
        %sub3A = arith.constant 1 : i32
        %sub3A_212 = arith.subi %add3A_180, %sub3A : i32
        %rem3A_213 = arith.constant 4 : i32
        %rem3A_214 = arith.remsi %sub3A_212, %rem3A_213 : i32
        %dma_wait3A_215 = arith.constant 0 : i32
        %dma_wait3A_216 = arith.constant 0 : i32
        %dma_wait3A_217 = tpu.memref_slice %arg2[%dma_wait3A_215, %dma_wait3A_216] : memref<20480x128xf32, #tpu.memory_space<hbm>> -> memref<128x128xf32, #tpu.memory_space<hbm>>
        %dma_wait3A_218 = arith.constant 0 : i32
        %dma_wait3A_219 = arith.constant 0 : i32
        %dma_wait3A_220 = tpu.memref_slice %arg2[%dma_wait3A_218, %dma_wait3A_219] : memref<20480x128xf32, #tpu.memory_space<hbm>> -> memref<128x128xf32, #tpu.memory_space<hbm>>
        tpu.wait_dma2 semaphore(%arg33 : memref<!tpu.dma_semaphore, #tpu.memory_space<semaphore_mem>>) src(%dma_wait3A_220 : memref<128x128xf32, #tpu.memory_space<hbm>>) dst(%arg21 : memref<128x128xf32, #tpu.memory_space<vmem>>)
        %eq3A_221 = arith.constant 1 : i32
        %eq3A_222 = arith.cmpi eq, %arg0, %eq3A_221 : i32
        %convert_element_type3A_223 = arith.extui %eq3A_222 : i1 to i32
        %cond3A_224 = arith.constant 0 : i32
        %cond3A_225 = arith.cmpi ne, %convert_element_type3A_223, %cond3A_224 : i32
        scf.if %cond3A_225 {
          %dma_wait3A_243 = arith.constant 0 : i32
          %dma_wait3A_244 = arith.constant 0 : i32
          %dma_wait3A_245 = arith.constant 0 : i32
          %dma_wait3A_246 = arith.constant 0 : i32
          %dma_wait3A_247 = tpu.memref_slice %arg19[%dma_wait3A_244, %dma_wait3A_245, %dma_wait3A_246] : memref<2x1x128xf32, #tpu.memory_space<vmem>> -> memref<1x1x128xf32, #tpu.memory_space<vmem>>
          %dma_wait3A_248 = tpu.memref_squeeze %dma_wait3A_247 : memref<1x1x128xf32, #tpu.memory_space<vmem>> -> memref<1x128xf32, #tpu.memory_space<vmem>>
          %dma_wait3A_249 = arith.constant 0 : i32
          %dma_wait3A_250 = arith.constant 0 : i32
          %dma_wait3A_251 = tpu.memref_slice %arg6[%dma_wait3A_243, %dma_wait3A_249, %dma_wait3A_250] : memref<2560x1x128xf32, #tpu.memory_space<hbm>> -> memref<1x1x128xf32, #tpu.memory_space<hbm>>
          %dma_wait3A_252 = tpu.memref_squeeze %dma_wait3A_251 : memref<1x1x128xf32, #tpu.memory_space<hbm>> -> memref<1x128xf32, #tpu.memory_space<hbm>>
          %dma_wait3A_253 = arith.constant 0 : i32
          %dma_wait3A_254 = arith.constant 0 : i32
          %dma_wait3A_255 = tpu.memref_slice %arg19[%dma_wait3A_244, %dma_wait3A_253, %dma_wait3A_254] : memref<2x1x128xf32, #tpu.memory_space<vmem>> -> memref<1x1x128xf32, #tpu.memory_space<vmem>>
          %dma_wait3A_256 = tpu.memref_squeeze %dma_wait3A_255 : memref<1x1x128xf32, #tpu.memory_space<vmem>> -> memref<1x128xf32, #tpu.memory_space<vmem>>
          %dma_wait3A_257 = arith.constant 0 : i32
          %dma_wait3A_258 = arith.constant 0 : i32
          %dma_wait3A_259 = tpu.memref_slice %arg6[%dma_wait3A_243, %dma_wait3A_257, %dma_wait3A_258] : memref<2560x1x128xf32, #tpu.memory_space<hbm>> -> memref<1x1x128xf32, #tpu.memory_space<hbm>>
          %dma_wait3A_260 = tpu.memref_squeeze %dma_wait3A_259 : memref<1x1x128xf32, #tpu.memory_space<hbm>> -> memref<1x128xf32, #tpu.memory_space<hbm>>
          tpu.wait_dma2 semaphore(%arg33 : memref<!tpu.dma_semaphore, #tpu.memory_space<semaphore_mem>>) src(%dma_wait3A_260 : memref<1x128xf32, #tpu.memory_space<hbm>>) dst(%dma_wait3A_256 : memref<1x128xf32, #tpu.memory_space<vmem>>)
        } else {
        }
        %dma_start3A_226 = arith.constant 0 : i32
        %dma_start3A_227 = arith.constant 0 : i32
        %dma_start3A_228 = tpu.memref_slice %arg17[%rem3A_214, %dma_start3A_226, %dma_start3A_227] : memref<4x1x128xi32, #tpu.memory_space<vmem>> -> memref<1x1x128xi32, #tpu.memory_space<vmem>>
        %dma_start3A_229 = tpu.memref_squeeze %dma_start3A_228 : memref<1x1x128xi32, #tpu.memory_space<vmem>> -> memref<128xi32, #tpu.memory_space<vmem>>
        %dma_start3A_230 = arith.constant 0 : i32
        %dma_start3A_231 = arith.constant 0 : i32
        %dma_start3A_232 = tpu.memref_slice %arg25[%dma_start3A_230, %dma_start3A_231] : memref<10240x128xf32, #tpu.memory_space<vmem_shared>> -> memref<10240x128xf32, #tpu.memory_space<vmem_shared>>
        tpu.enqueue_indirect_dma source(%arg21 : memref<128x128xf32, #tpu.memory_space<vmem>>) target(%dma_start3A_232 : memref<10240x128xf32, #tpu.memory_space<vmem_shared>>) offsets(%dma_start3A_229 : memref<128xi32, #tpu.memory_space<vmem>>) semaphore(%arg35 : memref<!tpu.dma_semaphore, #tpu.memory_space<semaphore_mem>>) {add = true}
        %eq3A_233 = arith.constant 0 : i32
        %eq3A_234 = arith.cmpi eq, %arg0, %eq3A_233 : i32
        %convert_element_type3A_235 = arith.extui %eq3A_234 : i1 to i32
        %cond3A_236 = arith.constant 0 : i32
        %cond3A_237 = arith.cmpi ne, %convert_element_type3A_235, %cond3A_236 : i32
        scf.if %cond3A_237 {
          %dma_start3A_243 = arith.constant 0 : i32
          %dma_start3A_244 = arith.constant 0 : i32
          %dma_start3A_245 = arith.constant 0 : i32
          %dma_start3A_246 = tpu.memref_slice %arg18[%rem3A_214, %dma_start3A_243, %dma_start3A_245] : memref<4x1x128xf32, #tpu.memory_space<vmem>> -> memref<1x1x128xf32, #tpu.memory_space<vmem>>
          %dma_start3A_247 = tpu.memref_squeeze %dma_start3A_246 : memref<1x1x128xf32, #tpu.memory_space<vmem>> -> memref<128xf32, #tpu.memory_space<vmem>>
          %dma_start3A_248 = arith.constant 0 : i32
          %dma_start3A_249 = tpu.memref_slice %arg17[%rem3A_214, %dma_start3A_244, %dma_start3A_248] : memref<4x1x128xi32, #tpu.memory_space<vmem>> -> memref<1x1x128xi32, #tpu.memory_space<vmem>>
          %dma_start3A_250 = tpu.memref_squeeze %dma_start3A_249 : memref<1x1x128xi32, #tpu.memory_space<vmem>> -> memref<128xi32, #tpu.memory_space<vmem>>
          %dma_start3A_251 = arith.constant 0 : i32
          %dma_start3A_252 = tpu.memref_slice %arg26[%dma_start3A_251] : memref<10240xf32, #tpu.memory_space<vmem_shared>> -> memref<10240xf32, #tpu.memory_space<vmem_shared>>
          tpu.enqueue_indirect_dma source(%dma_start3A_247 : memref<128xf32, #tpu.memory_space<vmem>>) target(%dma_start3A_252 : memref<10240xf32, #tpu.memory_space<vmem_shared>>) offsets(%dma_start3A_250 : memref<128xi32, #tpu.memory_space<vmem>>) semaphore(%arg35 : memref<!tpu.dma_semaphore, #tpu.memory_space<semaphore_mem>>) {add = true}
          %dma_start3A_253 = arith.constant 0 : i32
          %dma_start3A_254 = arith.constant 0 : i32
          %dma_start3A_255 = arith.constant 0 : i32
          %dma_start3A_256 = tpu.memref_slice %arg23[%dma_start3A_253, %dma_start3A_255] : memref<1x128xf32, #tpu.memory_space<vmem>> -> memref<1x128xf32, #tpu.memory_space<vmem>>
          %dma_start3A_257 = tpu.memref_squeeze %dma_start3A_256 : memref<1x128xf32, #tpu.memory_space<vmem>> -> memref<128xf32, #tpu.memory_space<vmem>>
          %dma_start3A_258 = arith.constant 0 : i32
          %dma_start3A_259 = tpu.memref_slice %arg17[%rem3A_214, %dma_start3A_254, %dma_start3A_258] : memref<4x1x128xi32, #tpu.memory_space<vmem>> -> memref<1x1x128xi32, #tpu.memory_space<vmem>>
          %dma_start3A_260 = tpu.memref_squeeze %dma_start3A_259 : memref<1x1x128xi32, #tpu.memory_space<vmem>> -> memref<128xi32, #tpu.memory_space<vmem>>
          %dma_start3A_261 = arith.constant 0 : i32
          %dma_start3A_262 = tpu.memref_slice %arg27[%dma_start3A_261] : memref<10240xf32, #tpu.memory_space<vmem_shared>> -> memref<10240xf32, #tpu.memory_space<vmem_shared>>
          tpu.enqueue_indirect_dma source(%dma_start3A_257 : memref<128xf32, #tpu.memory_space<vmem>>) target(%dma_start3A_262 : memref<10240xf32, #tpu.memory_space<vmem_shared>>) offsets(%dma_start3A_260 : memref<128xi32, #tpu.memory_space<vmem>>) semaphore(%arg35 : memref<!tpu.dma_semaphore, #tpu.memory_space<semaphore_mem>>) {add = true}
        } else {
        }
        %eq3A_238 = arith.constant 1 : i32
        %eq3A_239 = arith.cmpi eq, %arg0, %eq3A_238 : i32
        %convert_element_type3A_240 = arith.extui %eq3A_239 : i1 to i32
        %cond3A_241 = arith.constant 0 : i32
        %cond3A_242 = arith.cmpi ne, %convert_element_type3A_240, %cond3A_241 : i32
        scf.if %cond3A_242 {
          %dma_start3A_243 = arith.constant 1 : i32
          %dma_start3A_244 = arith.constant 0 : i32
          %dma_start3A_245 = arith.constant 0 : i32
          %dma_start3A_246 = arith.constant 0 : i32
          %dma_start3A_247 = tpu.memref_slice %arg19[%dma_start3A_243, %dma_start3A_244, %dma_start3A_246] : memref<2x1x128xf32, #tpu.memory_space<vmem>> -> memref<1x1x128xf32, #tpu.memory_space<vmem>>
          %dma_start3A_248 = tpu.memref_squeeze %dma_start3A_247 : memref<1x1x128xf32, #tpu.memory_space<vmem>> -> memref<128xf32, #tpu.memory_space<vmem>>
          %dma_start3A_249 = arith.constant 0 : i32
          %dma_start3A_250 = tpu.memref_slice %arg17[%rem3A_214, %dma_start3A_245, %dma_start3A_249] : memref<4x1x128xi32, #tpu.memory_space<vmem>> -> memref<1x1x128xi32, #tpu.memory_space<vmem>>
          %dma_start3A_251 = tpu.memref_squeeze %dma_start3A_250 : memref<1x1x128xi32, #tpu.memory_space<vmem>> -> memref<128xi32, #tpu.memory_space<vmem>>
          %dma_start3A_252 = arith.constant 0 : i32
          %dma_start3A_253 = tpu.memref_slice %arg28[%dma_start3A_252] : memref<10240xf32, #tpu.memory_space<vmem_shared>> -> memref<10240xf32, #tpu.memory_space<vmem_shared>>
          tpu.enqueue_indirect_dma source(%dma_start3A_248 : memref<128xf32, #tpu.memory_space<vmem>>) target(%dma_start3A_253 : memref<10240xf32, #tpu.memory_space<vmem_shared>>) offsets(%dma_start3A_251 : memref<128xi32, #tpu.memory_space<vmem>>) semaphore(%arg35 : memref<!tpu.dma_semaphore, #tpu.memory_space<semaphore_mem>>) {add = true}
        } else {
        }
      } else {
      }
      %mul3A_193 = arith.constant 2 : i32
      %mul3A_194 = arith.muli %while3A_176, %mul3A_193 : i32
      %add3A_195 = arith.constant 1 : i32
      %add3A_196 = arith.addi %mul3A_194, %add3A_195 : i32
      %rem3A_197 = arith.constant 4 : i32
      %rem3A_198 = arith.remsi %add3A_196, %rem3A_197 : i32
      %lt3A_199 = arith.constant 160 : i32
      %lt3A_200 = arith.cmpi slt, %add3A_196, %lt3A_199 : i32
      %convert_element_type3A_201 = arith.extui %lt3A_200 : i1 to i32
      %cond3A_202 = arith.constant 0 : i32
      %cond3A_203 = arith.cmpi ne, %convert_element_type3A_201, %cond3A_202 : i32
      scf.if %cond3A_203 {
        %dma_wait3A_212 = arith.constant 0 : i32
        %dma_wait3A_213 = arith.constant 0 : i32
        %dma_wait3A_214 = arith.constant 0 : i32
        %dma_wait3A_215 = arith.constant 0 : i32
        %dma_wait3A_216 = tpu.memref_slice %arg16[%dma_wait3A_213, %dma_wait3A_214, %dma_wait3A_215] : memref<4x1x128xi32, #tpu.memory_space<vmem>> -> memref<1x1x128xi32, #tpu.memory_space<vmem>>
        %dma_wait3A_217 = tpu.memref_squeeze %dma_wait3A_216 : memref<1x1x128xi32, #tpu.memory_space<vmem>> -> memref<1x128xi32, #tpu.memory_space<vmem>>
        %dma_wait3A_218 = arith.constant 0 : i32
        %dma_wait3A_219 = arith.constant 0 : i32
        %dma_wait3A_220 = tpu.memref_slice %arg4[%dma_wait3A_212, %dma_wait3A_218, %dma_wait3A_219] : memref<5120x1x128xi32, #tpu.memory_space<hbm>> -> memref<1x1x128xi32, #tpu.memory_space<hbm>>
        %dma_wait3A_221 = tpu.memref_squeeze %dma_wait3A_220 : memref<1x1x128xi32, #tpu.memory_space<hbm>> -> memref<1x128xi32, #tpu.memory_space<hbm>>
        %dma_wait3A_222 = arith.constant 0 : i32
        %dma_wait3A_223 = arith.constant 0 : i32
        %dma_wait3A_224 = tpu.memref_slice %arg16[%dma_wait3A_213, %dma_wait3A_222, %dma_wait3A_223] : memref<4x1x128xi32, #tpu.memory_space<vmem>> -> memref<1x1x128xi32, #tpu.memory_space<vmem>>
        %dma_wait3A_225 = tpu.memref_squeeze %dma_wait3A_224 : memref<1x1x128xi32, #tpu.memory_space<vmem>> -> memref<1x128xi32, #tpu.memory_space<vmem>>
        %dma_wait3A_226 = arith.constant 0 : i32
        %dma_wait3A_227 = arith.constant 0 : i32
        %dma_wait3A_228 = tpu.memref_slice %arg4[%dma_wait3A_212, %dma_wait3A_226, %dma_wait3A_227] : memref<5120x1x128xi32, #tpu.memory_space<hbm>> -> memref<1x1x128xi32, #tpu.memory_space<hbm>>
        %dma_wait3A_229 = tpu.memref_squeeze %dma_wait3A_228 : memref<1x1x128xi32, #tpu.memory_space<hbm>> -> memref<1x128xi32, #tpu.memory_space<hbm>>
        tpu.wait_dma2 semaphore(%arg31 : memref<!tpu.dma_semaphore, #tpu.memory_space<semaphore_mem>>) src(%dma_wait3A_229 : memref<1x128xi32, #tpu.memory_space<hbm>>) dst(%dma_wait3A_225 : memref<1x128xi32, #tpu.memory_space<vmem>>)
        %dma_wait3A_230 = arith.constant 0 : i32
        %dma_wait3A_231 = arith.constant 0 : i32
        %dma_wait3A_232 = arith.constant 0 : i32
        %dma_wait3A_233 = arith.constant 0 : i32
        %dma_wait3A_234 = tpu.memref_slice %arg17[%dma_wait3A_231, %dma_wait3A_232, %dma_wait3A_233] : memref<4x1x128xi32, #tpu.memory_space<vmem>> -> memref<1x1x128xi32, #tpu.memory_space<vmem>>
        %dma_wait3A_235 = tpu.memref_squeeze %dma_wait3A_234 : memref<1x1x128xi32, #tpu.memory_space<vmem>> -> memref<1x128xi32, #tpu.memory_space<vmem>>
        %dma_wait3A_236 = arith.constant 0 : i32
        %dma_wait3A_237 = arith.constant 0 : i32
        %dma_wait3A_238 = tpu.memref_slice %arg4[%dma_wait3A_230, %dma_wait3A_236, %dma_wait3A_237] : memref<5120x1x128xi32, #tpu.memory_space<hbm>> -> memref<1x1x128xi32, #tpu.memory_space<hbm>>
        %dma_wait3A_239 = tpu.memref_squeeze %dma_wait3A_238 : memref<1x1x128xi32, #tpu.memory_space<hbm>> -> memref<1x128xi32, #tpu.memory_space<hbm>>
        %dma_wait3A_240 = arith.constant 0 : i32
        %dma_wait3A_241 = arith.constant 0 : i32
        %dma_wait3A_242 = tpu.memref_slice %arg17[%dma_wait3A_231, %dma_wait3A_240, %dma_wait3A_241] : memref<4x1x128xi32, #tpu.memory_space<vmem>> -> memref<1x1x128xi32, #tpu.memory_space<vmem>>
        %dma_wait3A_243 = tpu.memref_squeeze %dma_wait3A_242 : memref<1x1x128xi32, #tpu.memory_space<vmem>> -> memref<1x128xi32, #tpu.memory_space<vmem>>
        %dma_wait3A_244 = arith.constant 0 : i32
        %dma_wait3A_245 = arith.constant 0 : i32
        %dma_wait3A_246 = tpu.memref_slice %arg4[%dma_wait3A_230, %dma_wait3A_244, %dma_wait3A_245] : memref<5120x1x128xi32, #tpu.memory_space<hbm>> -> memref<1x1x128xi32, #tpu.memory_space<hbm>>
        %dma_wait3A_247 = tpu.memref_squeeze %dma_wait3A_246 : memref<1x1x128xi32, #tpu.memory_space<hbm>> -> memref<1x128xi32, #tpu.memory_space<hbm>>
        tpu.wait_dma2 semaphore(%arg31 : memref<!tpu.dma_semaphore, #tpu.memory_space<semaphore_mem>>) src(%dma_wait3A_247 : memref<1x128xi32, #tpu.memory_space<hbm>>) dst(%dma_wait3A_243 : memref<1x128xi32, #tpu.memory_space<vmem>>)
        %eq3A_248 = arith.constant 0 : i32
        %eq3A_249 = arith.cmpi eq, %arg0, %eq3A_248 : i32
        %convert_element_type3A_250 = arith.extui %eq3A_249 : i1 to i32
        %cond3A_251 = arith.constant 0 : i32
        %cond3A_252 = arith.cmpi ne, %convert_element_type3A_250, %cond3A_251 : i32
        scf.if %cond3A_252 {
          %dma_wait3A_277 = arith.constant 0 : i32
          %dma_wait3A_278 = arith.constant 0 : i32
          %dma_wait3A_279 = arith.constant 0 : i32
          %dma_wait3A_280 = arith.constant 0 : i32
          %dma_wait3A_281 = tpu.memref_slice %arg18[%dma_wait3A_278, %dma_wait3A_279, %dma_wait3A_280] : memref<4x1x128xf32, #tpu.memory_space<vmem>> -> memref<1x1x128xf32, #tpu.memory_space<vmem>>
          %dma_wait3A_282 = tpu.memref_squeeze %dma_wait3A_281 : memref<1x1x128xf32, #tpu.memory_space<vmem>> -> memref<1x128xf32, #tpu.memory_space<vmem>>
          %dma_wait3A_283 = arith.constant 0 : i32
          %dma_wait3A_284 = arith.constant 0 : i32
          %dma_wait3A_285 = tpu.memref_slice %arg6[%dma_wait3A_277, %dma_wait3A_283, %dma_wait3A_284] : memref<2560x1x128xf32, #tpu.memory_space<hbm>> -> memref<1x1x128xf32, #tpu.memory_space<hbm>>
          %dma_wait3A_286 = tpu.memref_squeeze %dma_wait3A_285 : memref<1x1x128xf32, #tpu.memory_space<hbm>> -> memref<1x128xf32, #tpu.memory_space<hbm>>
          %dma_wait3A_287 = arith.constant 0 : i32
          %dma_wait3A_288 = arith.constant 0 : i32
          %dma_wait3A_289 = tpu.memref_slice %arg18[%dma_wait3A_278, %dma_wait3A_287, %dma_wait3A_288] : memref<4x1x128xf32, #tpu.memory_space<vmem>> -> memref<1x1x128xf32, #tpu.memory_space<vmem>>
          %dma_wait3A_290 = tpu.memref_squeeze %dma_wait3A_289 : memref<1x1x128xf32, #tpu.memory_space<vmem>> -> memref<1x128xf32, #tpu.memory_space<vmem>>
          %dma_wait3A_291 = arith.constant 0 : i32
          %dma_wait3A_292 = arith.constant 0 : i32
          %dma_wait3A_293 = tpu.memref_slice %arg6[%dma_wait3A_277, %dma_wait3A_291, %dma_wait3A_292] : memref<2560x1x128xf32, #tpu.memory_space<hbm>> -> memref<1x1x128xf32, #tpu.memory_space<hbm>>
          %dma_wait3A_294 = tpu.memref_squeeze %dma_wait3A_293 : memref<1x1x128xf32, #tpu.memory_space<hbm>> -> memref<1x128xf32, #tpu.memory_space<hbm>>
          tpu.wait_dma2 semaphore(%arg31 : memref<!tpu.dma_semaphore, #tpu.memory_space<semaphore_mem>>) src(%dma_wait3A_294 : memref<1x128xf32, #tpu.memory_space<hbm>>) dst(%dma_wait3A_290 : memref<1x128xf32, #tpu.memory_space<vmem>>)
        } else {
        }
        %ge3A_253 = arith.constant 2 : i32
        %ge3A_254 = arith.cmpi sge, %add3A_196, %ge3A_253 : i32
        %convert_element_type3A_255 = arith.extui %ge3A_254 : i1 to i32
        %cond3A_256 = arith.constant 0 : i32
        %cond3A_257 = arith.cmpi ne, %convert_element_type3A_255, %cond3A_256 : i32
        scf.if %cond3A_257 {
          %dma_wait3A_277 = arith.constant 0 : i32
          %dma_wait3A_278 = arith.constant 0 : i32
          %dma_wait3A_279 = tpu.memref_slice %arg2[%dma_wait3A_277, %dma_wait3A_278] : memref<20480x128xf32, #tpu.memory_space<hbm>> -> memref<128x128xf32, #tpu.memory_space<hbm>>
          %dma_wait3A_280 = arith.constant 0 : i32
          %dma_wait3A_281 = arith.constant 0 : i32
          %dma_wait3A_282 = tpu.memref_slice %arg2[%dma_wait3A_280, %dma_wait3A_281] : memref<20480x128xf32, #tpu.memory_space<hbm>> -> memref<128x128xf32, #tpu.memory_space<hbm>>
          tpu.wait_dma2 semaphore(%arg35 : memref<!tpu.dma_semaphore, #tpu.memory_space<semaphore_mem>>) src(%dma_wait3A_282 : memref<128x128xf32, #tpu.memory_space<hbm>>) dst(%arg21 : memref<128x128xf32, #tpu.memory_space<vmem>>)
          %eq3A_283 = arith.constant 0 : i32
          %eq3A_284 = arith.cmpi eq, %arg0, %eq3A_283 : i32
          %convert_element_type3A_285 = arith.extui %eq3A_284 : i1 to i32
          %cond3A_286 = arith.constant 0 : i32
          %cond3A_287 = arith.cmpi ne, %convert_element_type3A_285, %cond3A_286 : i32
          scf.if %cond3A_287 {
            %dma_wait3A_293 = arith.constant 0 : i32
            %dma_wait3A_294 = arith.constant 0 : i32
            %dma_wait3A_295 = arith.constant 0 : i32
            %dma_wait3A_296 = arith.constant 0 : i32
            %dma_wait3A_297 = tpu.memref_slice %arg18[%dma_wait3A_294, %dma_wait3A_295, %dma_wait3A_296] : memref<4x1x128xf32, #tpu.memory_space<vmem>> -> memref<1x1x128xf32, #tpu.memory_space<vmem>>
            %dma_wait3A_298 = tpu.memref_squeeze %dma_wait3A_297 : memref<1x1x128xf32, #tpu.memory_space<vmem>> -> memref<1x128xf32, #tpu.memory_space<vmem>>
            %dma_wait3A_299 = arith.constant 0 : i32
            %dma_wait3A_300 = arith.constant 0 : i32
            %dma_wait3A_301 = tpu.memref_slice %arg6[%dma_wait3A_293, %dma_wait3A_299, %dma_wait3A_300] : memref<2560x1x128xf32, #tpu.memory_space<hbm>> -> memref<1x1x128xf32, #tpu.memory_space<hbm>>
            %dma_wait3A_302 = tpu.memref_squeeze %dma_wait3A_301 : memref<1x1x128xf32, #tpu.memory_space<hbm>> -> memref<1x128xf32, #tpu.memory_space<hbm>>
            %dma_wait3A_303 = arith.constant 0 : i32
            %dma_wait3A_304 = arith.constant 0 : i32
            %dma_wait3A_305 = tpu.memref_slice %arg18[%dma_wait3A_294, %dma_wait3A_303, %dma_wait3A_304] : memref<4x1x128xf32, #tpu.memory_space<vmem>> -> memref<1x1x128xf32, #tpu.memory_space<vmem>>
            %dma_wait3A_306 = tpu.memref_squeeze %dma_wait3A_305 : memref<1x1x128xf32, #tpu.memory_space<vmem>> -> memref<1x128xf32, #tpu.memory_space<vmem>>
            %dma_wait3A_307 = arith.constant 0 : i32
            %dma_wait3A_308 = arith.constant 0 : i32
            %dma_wait3A_309 = tpu.memref_slice %arg6[%dma_wait3A_293, %dma_wait3A_307, %dma_wait3A_308] : memref<2560x1x128xf32, #tpu.memory_space<hbm>> -> memref<1x1x128xf32, #tpu.memory_space<hbm>>
            %dma_wait3A_310 = tpu.memref_squeeze %dma_wait3A_309 : memref<1x1x128xf32, #tpu.memory_space<hbm>> -> memref<1x128xf32, #tpu.memory_space<hbm>>
            tpu.wait_dma2 semaphore(%arg35 : memref<!tpu.dma_semaphore, #tpu.memory_space<semaphore_mem>>) src(%dma_wait3A_310 : memref<1x128xf32, #tpu.memory_space<hbm>>) dst(%dma_wait3A_306 : memref<1x128xf32, #tpu.memory_space<vmem>>)
            %dma_wait3A_311 = arith.constant 0 : i32
            %dma_wait3A_312 = arith.constant 0 : i32
            %dma_wait3A_313 = arith.constant 0 : i32
            %dma_wait3A_314 = arith.constant 0 : i32
            %dma_wait3A_315 = tpu.memref_slice %arg18[%dma_wait3A_312, %dma_wait3A_313, %dma_wait3A_314] : memref<4x1x128xf32, #tpu.memory_space<vmem>> -> memref<1x1x128xf32, #tpu.memory_space<vmem>>
            %dma_wait3A_316 = tpu.memref_squeeze %dma_wait3A_315 : memref<1x1x128xf32, #tpu.memory_space<vmem>> -> memref<1x128xf32, #tpu.memory_space<vmem>>
            %dma_wait3A_317 = arith.constant 0 : i32
            %dma_wait3A_318 = arith.constant 0 : i32
            %dma_wait3A_319 = tpu.memref_slice %arg6[%dma_wait3A_311, %dma_wait3A_317, %dma_wait3A_318] : memref<2560x1x128xf32, #tpu.memory_space<hbm>> -> memref<1x1x128xf32, #tpu.memory_space<hbm>>
            %dma_wait3A_320 = tpu.memref_squeeze %dma_wait3A_319 : memref<1x1x128xf32, #tpu.memory_space<hbm>> -> memref<1x128xf32, #tpu.memory_space<hbm>>
            %dma_wait3A_321 = arith.constant 0 : i32
            %dma_wait3A_322 = arith.constant 0 : i32
            %dma_wait3A_323 = tpu.memref_slice %arg18[%dma_wait3A_312, %dma_wait3A_321, %dma_wait3A_322] : memref<4x1x128xf32, #tpu.memory_space<vmem>> -> memref<1x1x128xf32, #tpu.memory_space<vmem>>
            %dma_wait3A_324 = tpu.memref_squeeze %dma_wait3A_323 : memref<1x1x128xf32, #tpu.memory_space<vmem>> -> memref<1x128xf32, #tpu.memory_space<vmem>>
            %dma_wait3A_325 = arith.constant 0 : i32
            %dma_wait3A_326 = arith.constant 0 : i32
            %dma_wait3A_327 = tpu.memref_slice %arg6[%dma_wait3A_311, %dma_wait3A_325, %dma_wait3A_326] : memref<2560x1x128xf32, #tpu.memory_space<hbm>> -> memref<1x1x128xf32, #tpu.memory_space<hbm>>
            %dma_wait3A_328 = tpu.memref_squeeze %dma_wait3A_327 : memref<1x1x128xf32, #tpu.memory_space<hbm>> -> memref<1x128xf32, #tpu.memory_space<hbm>>
            tpu.wait_dma2 semaphore(%arg35 : memref<!tpu.dma_semaphore, #tpu.memory_space<semaphore_mem>>) src(%dma_wait3A_328 : memref<1x128xf32, #tpu.memory_space<hbm>>) dst(%dma_wait3A_324 : memref<1x128xf32, #tpu.memory_space<vmem>>)
          } else {
          }
          %eq3A_288 = arith.constant 1 : i32
          %eq3A_289 = arith.cmpi eq, %arg0, %eq3A_288 : i32
          %convert_element_type3A_290 = arith.extui %eq3A_289 : i1 to i32
          %cond3A_291 = arith.constant 0 : i32
          %cond3A_292 = arith.cmpi ne, %convert_element_type3A_290, %cond3A_291 : i32
          scf.if %cond3A_292 {
            %dma_wait3A_293 = arith.constant 0 : i32
            %dma_wait3A_294 = arith.constant 0 : i32
            %dma_wait3A_295 = arith.constant 0 : i32
            %dma_wait3A_296 = arith.constant 0 : i32
            %dma_wait3A_297 = tpu.memref_slice %arg19[%dma_wait3A_294, %dma_wait3A_295, %dma_wait3A_296] : memref<2x1x128xf32, #tpu.memory_space<vmem>> -> memref<1x1x128xf32, #tpu.memory_space<vmem>>
            %dma_wait3A_298 = tpu.memref_squeeze %dma_wait3A_297 : memref<1x1x128xf32, #tpu.memory_space<vmem>> -> memref<1x128xf32, #tpu.memory_space<vmem>>
            %dma_wait3A_299 = arith.constant 0 : i32
            %dma_wait3A_300 = arith.constant 0 : i32
            %dma_wait3A_301 = tpu.memref_slice %arg6[%dma_wait3A_293, %dma_wait3A_299, %dma_wait3A_300] : memref<2560x1x128xf32, #tpu.memory_space<hbm>> -> memref<1x1x128xf32, #tpu.memory_space<hbm>>
            %dma_wait3A_302 = tpu.memref_squeeze %dma_wait3A_301 : memref<1x1x128xf32, #tpu.memory_space<hbm>> -> memref<1x128xf32, #tpu.memory_space<hbm>>
            %dma_wait3A_303 = arith.constant 0 : i32
            %dma_wait3A_304 = arith.constant 0 : i32
            %dma_wait3A_305 = tpu.memref_slice %arg19[%dma_wait3A_294, %dma_wait3A_303, %dma_wait3A_304] : memref<2x1x128xf32, #tpu.memory_space<vmem>> -> memref<1x1x128xf32, #tpu.memory_space<vmem>>
            %dma_wait3A_306 = tpu.memref_squeeze %dma_wait3A_305 : memref<1x1x128xf32, #tpu.memory_space<vmem>> -> memref<1x128xf32, #tpu.memory_space<vmem>>
            %dma_wait3A_307 = arith.constant 0 : i32
            %dma_wait3A_308 = arith.constant 0 : i32
            %dma_wait3A_309 = tpu.memref_slice %arg6[%dma_wait3A_293, %dma_wait3A_307, %dma_wait3A_308] : memref<2560x1x128xf32, #tpu.memory_space<hbm>> -> memref<1x1x128xf32, #tpu.memory_space<hbm>>
            %dma_wait3A_310 = tpu.memref_squeeze %dma_wait3A_309 : memref<1x1x128xf32, #tpu.memory_space<hbm>> -> memref<1x128xf32, #tpu.memory_space<hbm>>
            tpu.wait_dma2 semaphore(%arg35 : memref<!tpu.dma_semaphore, #tpu.memory_space<semaphore_mem>>) src(%dma_wait3A_310 : memref<1x128xf32, #tpu.memory_space<hbm>>) dst(%dma_wait3A_306 : memref<1x128xf32, #tpu.memory_space<vmem>>)
          } else {
          }
        } else {
        }
        %dma_start3A_258 = arith.constant 0 : i32
        %dma_start3A_259 = arith.constant 0 : i32
        %dma_start3A_260 = tpu.memref_slice %arg16[%rem3A_198, %dma_start3A_258, %dma_start3A_259] : memref<4x1x128xi32, #tpu.memory_space<vmem>> -> memref<1x1x128xi32, #tpu.memory_space<vmem>>
        %dma_start3A_261 = tpu.memref_squeeze %dma_start3A_260 : memref<1x1x128xi32, #tpu.memory_space<vmem>> -> memref<128xi32, #tpu.memory_space<vmem>>
        %dma_start3A_262 = arith.constant 0 : i32
        %dma_start3A_263 = arith.constant 0 : i32
        %dma_start3A_264 = tpu.memref_slice %arg2[%dma_start3A_262, %dma_start3A_263] : memref<20480x128xf32, #tpu.memory_space<hbm>> -> memref<20480x128xf32, #tpu.memory_space<hbm>>
        tpu.enqueue_indirect_dma source(%dma_start3A_264 : memref<20480x128xf32, #tpu.memory_space<hbm>>) target(%arg21 : memref<128x128xf32, #tpu.memory_space<vmem>>) offsets(%dma_start3A_261 : memref<128xi32, #tpu.memory_space<vmem>>) semaphore(%arg33 : memref<!tpu.dma_semaphore, #tpu.memory_space<semaphore_mem>>)
        %eq3A_265 = arith.constant 1 : i32
        %eq3A_266 = arith.cmpi eq, %arg0, %eq3A_265 : i32
        %convert_element_type3A_267 = arith.extui %eq3A_266 : i1 to i32
        %cond3A_268 = arith.constant 0 : i32
        %cond3A_269 = arith.cmpi ne, %convert_element_type3A_267, %cond3A_268 : i32
        scf.if %cond3A_269 {
          %dma_start3A_277 = arith.constant 0 : i32
          %dma_start3A_278 = arith.constant 1 : i32
          %dma_start3A_279 = arith.constant 0 : i32
          %dma_start3A_280 = arith.constant 0 : i32
          %dma_start3A_281 = tpu.memref_slice %arg19[%dma_start3A_278, %dma_start3A_279, %dma_start3A_280] : memref<2x1x128xf32, #tpu.memory_space<vmem>> -> memref<1x1x128xf32, #tpu.memory_space<vmem>>
          %dma_start3A_282 = tpu.memref_squeeze %dma_start3A_281 : memref<1x1x128xf32, #tpu.memory_space<vmem>> -> memref<128xf32, #tpu.memory_space<vmem>>
          %dma_start3A_283 = arith.constant 0 : i32
          %dma_start3A_284 = tpu.memref_slice %arg16[%rem3A_198, %dma_start3A_277, %dma_start3A_283] : memref<4x1x128xi32, #tpu.memory_space<vmem>> -> memref<1x1x128xi32, #tpu.memory_space<vmem>>
          %dma_start3A_285 = tpu.memref_squeeze %dma_start3A_284 : memref<1x1x128xi32, #tpu.memory_space<vmem>> -> memref<128xi32, #tpu.memory_space<vmem>>
          %dma_start3A_286 = arith.constant 0 : i32
          %dma_start3A_287 = tpu.memref_slice %arg3[%dma_start3A_286] : memref<20480xf32, #tpu.memory_space<hbm>> -> memref<20480xf32, #tpu.memory_space<hbm>>
          tpu.enqueue_indirect_dma source(%dma_start3A_287 : memref<20480xf32, #tpu.memory_space<hbm>>) target(%dma_start3A_282 : memref<128xf32, #tpu.memory_space<vmem>>) offsets(%dma_start3A_285 : memref<128xi32, #tpu.memory_space<vmem>>) semaphore(%arg33 : memref<!tpu.dma_semaphore, #tpu.memory_space<semaphore_mem>>)
        } else {
        }
        %add3A_270 = arith.constant 2 : i32
        %add3A_271 = arith.addi %add3A_196, %add3A_270 : i32
        %lt3A_272 = arith.constant 160 : i32
        %lt3A_273 = arith.cmpi slt, %add3A_271, %lt3A_272 : i32
        %convert_element_type3A_274 = arith.extui %lt3A_273 : i1 to i32
        %cond3A_275 = arith.constant 0 : i32
        %cond3A_276 = arith.cmpi ne, %convert_element_type3A_274, %cond3A_275 : i32
        scf.if %cond3A_276 {
          %add3A_277 = arith.constant 2 : i32
          %add3A_278 = arith.addi %add3A_196, %add3A_277 : i32
          %rem3A_279 = arith.constant 4 : i32
          %rem3A_280 = arith.remsi %add3A_278, %rem3A_279 : i32
          %add3A_281 = arith.addi %add3A, %add3A_278 : i32
          %dma_start3A_282 = arith.constant 0 : i32
          %dma_start3A_283 = arith.constant 0 : i32
          %dma_start3A_284 = tpu.memref_slice %arg16[%rem3A_280, %dma_start3A_282, %dma_start3A_283] : memref<4x1x128xi32, #tpu.memory_space<vmem>> -> memref<1x1x128xi32, #tpu.memory_space<vmem>>
          %dma_start3A_285 = tpu.memref_squeeze %dma_start3A_284 : memref<1x1x128xi32, #tpu.memory_space<vmem>> -> memref<1x128xi32, #tpu.memory_space<vmem>>
          %dma_start3A_286 = arith.constant 0 : i32
          %dma_start3A_287 = arith.constant 0 : i32
          %dma_start3A_288 = tpu.memref_slice %arg4[%add3A_281, %dma_start3A_286, %dma_start3A_287] : memref<5120x1x128xi32, #tpu.memory_space<hbm>> -> memref<1x1x128xi32, #tpu.memory_space<hbm>>
          %dma_start3A_289 = tpu.memref_squeeze %dma_start3A_288 : memref<1x1x128xi32, #tpu.memory_space<hbm>> -> memref<1x128xi32, #tpu.memory_space<hbm>>
          %dma_start3A_290 = arith.constant 0 : i32
          %dma_start3A_291 = arith.constant 0 : i32
          %dma_start3A_292 = tpu.memref_slice %arg16[%rem3A_280, %dma_start3A_290, %dma_start3A_291] : memref<4x1x128xi32, #tpu.memory_space<vmem>> -> memref<1x1x128xi32, #tpu.memory_space<vmem>>
          %dma_start3A_293 = tpu.memref_squeeze %dma_start3A_292 : memref<1x1x128xi32, #tpu.memory_space<vmem>> -> memref<1x128xi32, #tpu.memory_space<vmem>>
          %dma_start3A_294 = arith.constant 0 : i32
          %dma_start3A_295 = arith.constant 0 : i32
          %dma_start3A_296 = tpu.memref_slice %arg4[%add3A_281, %dma_start3A_294, %dma_start3A_295] : memref<5120x1x128xi32, #tpu.memory_space<hbm>> -> memref<1x1x128xi32, #tpu.memory_space<hbm>>
          %dma_start3A_297 = tpu.memref_squeeze %dma_start3A_296 : memref<1x1x128xi32, #tpu.memory_space<hbm>> -> memref<1x128xi32, #tpu.memory_space<hbm>>
          tpu.enqueue_dma source(%dma_start3A_297 : memref<1x128xi32, #tpu.memory_space<hbm>>) target(%dma_start3A_293 : memref<1x128xi32, #tpu.memory_space<vmem>>) target_semaphore(%arg31 : memref<!tpu.dma_semaphore, #tpu.memory_space<semaphore_mem>>)
          %add3A_298 = arith.addi %mul3A_0, %add3A_278 : i32
          %dma_start3A_299 = arith.constant 0 : i32
          %dma_start3A_300 = arith.constant 0 : i32
          %dma_start3A_301 = tpu.memref_slice %arg17[%rem3A_280, %dma_start3A_299, %dma_start3A_300] : memref<4x1x128xi32, #tpu.memory_space<vmem>> -> memref<1x1x128xi32, #tpu.memory_space<vmem>>
          %dma_start3A_302 = tpu.memref_squeeze %dma_start3A_301 : memref<1x1x128xi32, #tpu.memory_space<vmem>> -> memref<1x128xi32, #tpu.memory_space<vmem>>
          %dma_start3A_303 = arith.constant 0 : i32
          %dma_start3A_304 = arith.constant 0 : i32
          %dma_start3A_305 = tpu.memref_slice %arg5[%add3A_298, %dma_start3A_303, %dma_start3A_304] : memref<2560x1x128xi32, #tpu.memory_space<hbm>> -> memref<1x1x128xi32, #tpu.memory_space<hbm>>
          %dma_start3A_306 = tpu.memref_squeeze %dma_start3A_305 : memref<1x1x128xi32, #tpu.memory_space<hbm>> -> memref<1x128xi32, #tpu.memory_space<hbm>>
          %dma_start3A_307 = arith.constant 0 : i32
          %dma_start3A_308 = arith.constant 0 : i32
          %dma_start3A_309 = tpu.memref_slice %arg17[%rem3A_280, %dma_start3A_307, %dma_start3A_308] : memref<4x1x128xi32, #tpu.memory_space<vmem>> -> memref<1x1x128xi32, #tpu.memory_space<vmem>>
          %dma_start3A_310 = tpu.memref_squeeze %dma_start3A_309 : memref<1x1x128xi32, #tpu.memory_space<vmem>> -> memref<1x128xi32, #tpu.memory_space<vmem>>
          %dma_start3A_311 = arith.constant 0 : i32
          %dma_start3A_312 = arith.constant 0 : i32
          %dma_start3A_313 = tpu.memref_slice %arg5[%add3A_298, %dma_start3A_311, %dma_start3A_312] : memref<2560x1x128xi32, #tpu.memory_space<hbm>> -> memref<1x1x128xi32, #tpu.memory_space<hbm>>
          %dma_start3A_314 = tpu.memref_squeeze %dma_start3A_313 : memref<1x1x128xi32, #tpu.memory_space<hbm>> -> memref<1x128xi32, #tpu.memory_space<hbm>>
          tpu.enqueue_dma source(%dma_start3A_314 : memref<1x128xi32, #tpu.memory_space<hbm>>) target(%dma_start3A_310 : memref<1x128xi32, #tpu.memory_space<vmem>>) target_semaphore(%arg31 : memref<!tpu.dma_semaphore, #tpu.memory_space<semaphore_mem>>)
          %eq3A_315 = arith.constant 0 : i32
          %eq3A_316 = arith.cmpi eq, %arg0, %eq3A_315 : i32
          %convert_element_type3A_317 = arith.extui %eq3A_316 : i1 to i32
          %cond3A_318 = arith.constant 0 : i32
          %cond3A_319 = arith.cmpi ne, %convert_element_type3A_317, %cond3A_318 : i32
          scf.if %cond3A_319 {
            %add3A_320 = arith.addi %mul3A_0, %add3A_278 : i32
            %dma_start3A_321 = arith.constant 0 : i32
            %dma_start3A_322 = arith.constant 0 : i32
            %dma_start3A_323 = tpu.memref_slice %arg18[%rem3A_280, %dma_start3A_321, %dma_start3A_322] : memref<4x1x128xf32, #tpu.memory_space<vmem>> -> memref<1x1x128xf32, #tpu.memory_space<vmem>>
            %dma_start3A_324 = tpu.memref_squeeze %dma_start3A_323 : memref<1x1x128xf32, #tpu.memory_space<vmem>> -> memref<1x128xf32, #tpu.memory_space<vmem>>
            %dma_start3A_325 = arith.constant 0 : i32
            %dma_start3A_326 = arith.constant 0 : i32
            %dma_start3A_327 = tpu.memref_slice %arg6[%add3A_320, %dma_start3A_325, %dma_start3A_326] : memref<2560x1x128xf32, #tpu.memory_space<hbm>> -> memref<1x1x128xf32, #tpu.memory_space<hbm>>
            %dma_start3A_328 = tpu.memref_squeeze %dma_start3A_327 : memref<1x1x128xf32, #tpu.memory_space<hbm>> -> memref<1x128xf32, #tpu.memory_space<hbm>>
            %dma_start3A_329 = arith.constant 0 : i32
            %dma_start3A_330 = arith.constant 0 : i32
            %dma_start3A_331 = tpu.memref_slice %arg18[%rem3A_280, %dma_start3A_329, %dma_start3A_330] : memref<4x1x128xf32, #tpu.memory_space<vmem>> -> memref<1x1x128xf32, #tpu.memory_space<vmem>>
            %dma_start3A_332 = tpu.memref_squeeze %dma_start3A_331 : memref<1x1x128xf32, #tpu.memory_space<vmem>> -> memref<1x128xf32, #tpu.memory_space<vmem>>
            %dma_start3A_333 = arith.constant 0 : i32
            %dma_start3A_334 = arith.constant 0 : i32
            %dma_start3A_335 = tpu.memref_slice %arg6[%add3A_320, %dma_start3A_333, %dma_start3A_334] : memref<2560x1x128xf32, #tpu.memory_space<hbm>> -> memref<1x1x128xf32, #tpu.memory_space<hbm>>
            %dma_start3A_336 = tpu.memref_squeeze %dma_start3A_335 : memref<1x1x128xf32, #tpu.memory_space<hbm>> -> memref<1x128xf32, #tpu.memory_space<hbm>>
            tpu.enqueue_dma source(%dma_start3A_336 : memref<1x128xf32, #tpu.memory_space<hbm>>) target(%dma_start3A_332 : memref<1x128xf32, #tpu.memory_space<vmem>>) target_semaphore(%arg31 : memref<!tpu.dma_semaphore, #tpu.memory_space<semaphore_mem>>)
          } else {
          }
        } else {
        }
      } else {
      }
      %ge3A_204 = arith.constant 1 : i32
      %ge3A_205 = arith.cmpi sge, %add3A_196, %ge3A_204 : i32
      %le3A_206 = arith.constant 160 : i32
      %le3A_207 = arith.cmpi sle, %add3A_196, %le3A_206 : i32
      %and3A_208 = arith.andi %ge3A_205, %le3A_207 : i1
      %convert_element_type3A_209 = arith.extui %and3A_208 : i1 to i32
      %cond3A_210 = arith.constant 0 : i32
      %cond3A_211 = arith.cmpi ne, %convert_element_type3A_209, %cond3A_210 : i32
      scf.if %cond3A_211 {
        %sub3A = arith.constant 1 : i32
        %sub3A_212 = arith.subi %add3A_196, %sub3A : i32
        %rem3A_213 = arith.constant 4 : i32
        %rem3A_214 = arith.remsi %sub3A_212, %rem3A_213 : i32
        %dma_wait3A_215 = arith.constant 0 : i32
        %dma_wait3A_216 = arith.constant 0 : i32
        %dma_wait3A_217 = tpu.memref_slice %arg2[%dma_wait3A_215, %dma_wait3A_216] : memref<20480x128xf32, #tpu.memory_space<hbm>> -> memref<128x128xf32, #tpu.memory_space<hbm>>
        %dma_wait3A_218 = arith.constant 0 : i32
        %dma_wait3A_219 = arith.constant 0 : i32
        %dma_wait3A_220 = tpu.memref_slice %arg2[%dma_wait3A_218, %dma_wait3A_219] : memref<20480x128xf32, #tpu.memory_space<hbm>> -> memref<128x128xf32, #tpu.memory_space<hbm>>
        tpu.wait_dma2 semaphore(%arg32 : memref<!tpu.dma_semaphore, #tpu.memory_space<semaphore_mem>>) src(%dma_wait3A_220 : memref<128x128xf32, #tpu.memory_space<hbm>>) dst(%arg20 : memref<128x128xf32, #tpu.memory_space<vmem>>)
        %eq3A_221 = arith.constant 1 : i32
        %eq3A_222 = arith.cmpi eq, %arg0, %eq3A_221 : i32
        %convert_element_type3A_223 = arith.extui %eq3A_222 : i1 to i32
        %cond3A_224 = arith.constant 0 : i32
        %cond3A_225 = arith.cmpi ne, %convert_element_type3A_223, %cond3A_224 : i32
        scf.if %cond3A_225 {
          %dma_wait3A_243 = arith.constant 0 : i32
          %dma_wait3A_244 = arith.constant 0 : i32
          %dma_wait3A_245 = arith.constant 0 : i32
          %dma_wait3A_246 = arith.constant 0 : i32
          %dma_wait3A_247 = tpu.memref_slice %arg19[%dma_wait3A_244, %dma_wait3A_245, %dma_wait3A_246] : memref<2x1x128xf32, #tpu.memory_space<vmem>> -> memref<1x1x128xf32, #tpu.memory_space<vmem>>
          %dma_wait3A_248 = tpu.memref_squeeze %dma_wait3A_247 : memref<1x1x128xf32, #tpu.memory_space<vmem>> -> memref<1x128xf32, #tpu.memory_space<vmem>>
          %dma_wait3A_249 = arith.constant 0 : i32
          %dma_wait3A_250 = arith.constant 0 : i32
          %dma_wait3A_251 = tpu.memref_slice %arg6[%dma_wait3A_243, %dma_wait3A_249, %dma_wait3A_250] : memref<2560x1x128xf32, #tpu.memory_space<hbm>> -> memref<1x1x128xf32, #tpu.memory_space<hbm>>
          %dma_wait3A_252 = tpu.memref_squeeze %dma_wait3A_251 : memref<1x1x128xf32, #tpu.memory_space<hbm>> -> memref<1x128xf32, #tpu.memory_space<hbm>>
          %dma_wait3A_253 = arith.constant 0 : i32
          %dma_wait3A_254 = arith.constant 0 : i32
          %dma_wait3A_255 = tpu.memref_slice %arg19[%dma_wait3A_244, %dma_wait3A_253, %dma_wait3A_254] : memref<2x1x128xf32, #tpu.memory_space<vmem>> -> memref<1x1x128xf32, #tpu.memory_space<vmem>>
          %dma_wait3A_256 = tpu.memref_squeeze %dma_wait3A_255 : memref<1x1x128xf32, #tpu.memory_space<vmem>> -> memref<1x128xf32, #tpu.memory_space<vmem>>
          %dma_wait3A_257 = arith.constant 0 : i32
          %dma_wait3A_258 = arith.constant 0 : i32
          %dma_wait3A_259 = tpu.memref_slice %arg6[%dma_wait3A_243, %dma_wait3A_257, %dma_wait3A_258] : memref<2560x1x128xf32, #tpu.memory_space<hbm>> -> memref<1x1x128xf32, #tpu.memory_space<hbm>>
          %dma_wait3A_260 = tpu.memref_squeeze %dma_wait3A_259 : memref<1x1x128xf32, #tpu.memory_space<hbm>> -> memref<1x128xf32, #tpu.memory_space<hbm>>
          tpu.wait_dma2 semaphore(%arg32 : memref<!tpu.dma_semaphore, #tpu.memory_space<semaphore_mem>>) src(%dma_wait3A_260 : memref<1x128xf32, #tpu.memory_space<hbm>>) dst(%dma_wait3A_256 : memref<1x128xf32, #tpu.memory_space<vmem>>)
        } else {
        }
        %dma_start3A_226 = arith.constant 0 : i32
        %dma_start3A_227 = arith.constant 0 : i32
        %dma_start3A_228 = tpu.memref_slice %arg17[%rem3A_214, %dma_start3A_226, %dma_start3A_227] : memref<4x1x128xi32, #tpu.memory_space<vmem>> -> memref<1x1x128xi32, #tpu.memory_space<vmem>>
        %dma_start3A_229 = tpu.memref_squeeze %dma_start3A_228 : memref<1x1x128xi32, #tpu.memory_space<vmem>> -> memref<128xi32, #tpu.memory_space<vmem>>
        %dma_start3A_230 = arith.constant 0 : i32
        %dma_start3A_231 = arith.constant 0 : i32
        %dma_start3A_232 = tpu.memref_slice %arg25[%dma_start3A_230, %dma_start3A_231] : memref<10240x128xf32, #tpu.memory_space<vmem_shared>> -> memref<10240x128xf32, #tpu.memory_space<vmem_shared>>
        tpu.enqueue_indirect_dma source(%arg20 : memref<128x128xf32, #tpu.memory_space<vmem>>) target(%dma_start3A_232 : memref<10240x128xf32, #tpu.memory_space<vmem_shared>>) offsets(%dma_start3A_229 : memref<128xi32, #tpu.memory_space<vmem>>) semaphore(%arg34 : memref<!tpu.dma_semaphore, #tpu.memory_space<semaphore_mem>>) {add = true}
        %eq3A_233 = arith.constant 0 : i32
        %eq3A_234 = arith.cmpi eq, %arg0, %eq3A_233 : i32
        %convert_element_type3A_235 = arith.extui %eq3A_234 : i1 to i32
        %cond3A_236 = arith.constant 0 : i32
        %cond3A_237 = arith.cmpi ne, %convert_element_type3A_235, %cond3A_236 : i32
        scf.if %cond3A_237 {
          %dma_start3A_243 = arith.constant 0 : i32
          %dma_start3A_244 = arith.constant 0 : i32
          %dma_start3A_245 = arith.constant 0 : i32
          %dma_start3A_246 = tpu.memref_slice %arg18[%rem3A_214, %dma_start3A_243, %dma_start3A_245] : memref<4x1x128xf32, #tpu.memory_space<vmem>> -> memref<1x1x128xf32, #tpu.memory_space<vmem>>
          %dma_start3A_247 = tpu.memref_squeeze %dma_start3A_246 : memref<1x1x128xf32, #tpu.memory_space<vmem>> -> memref<128xf32, #tpu.memory_space<vmem>>
          %dma_start3A_248 = arith.constant 0 : i32
          %dma_start3A_249 = tpu.memref_slice %arg17[%rem3A_214, %dma_start3A_244, %dma_start3A_248] : memref<4x1x128xi32, #tpu.memory_space<vmem>> -> memref<1x1x128xi32, #tpu.memory_space<vmem>>
          %dma_start3A_250 = tpu.memref_squeeze %dma_start3A_249 : memref<1x1x128xi32, #tpu.memory_space<vmem>> -> memref<128xi32, #tpu.memory_space<vmem>>
          %dma_start3A_251 = arith.constant 0 : i32
          %dma_start3A_252 = tpu.memref_slice %arg26[%dma_start3A_251] : memref<10240xf32, #tpu.memory_space<vmem_shared>> -> memref<10240xf32, #tpu.memory_space<vmem_shared>>
          tpu.enqueue_indirect_dma source(%dma_start3A_247 : memref<128xf32, #tpu.memory_space<vmem>>) target(%dma_start3A_252 : memref<10240xf32, #tpu.memory_space<vmem_shared>>) offsets(%dma_start3A_250 : memref<128xi32, #tpu.memory_space<vmem>>) semaphore(%arg34 : memref<!tpu.dma_semaphore, #tpu.memory_space<semaphore_mem>>) {add = true}
          %dma_start3A_253 = arith.constant 0 : i32
          %dma_start3A_254 = arith.constant 0 : i32
          %dma_start3A_255 = arith.constant 0 : i32
          %dma_start3A_256 = tpu.memref_slice %arg23[%dma_start3A_253, %dma_start3A_255] : memref<1x128xf32, #tpu.memory_space<vmem>> -> memref<1x128xf32, #tpu.memory_space<vmem>>
          %dma_start3A_257 = tpu.memref_squeeze %dma_start3A_256 : memref<1x128xf32, #tpu.memory_space<vmem>> -> memref<128xf32, #tpu.memory_space<vmem>>
          %dma_start3A_258 = arith.constant 0 : i32
          %dma_start3A_259 = tpu.memref_slice %arg17[%rem3A_214, %dma_start3A_254, %dma_start3A_258] : memref<4x1x128xi32, #tpu.memory_space<vmem>> -> memref<1x1x128xi32, #tpu.memory_space<vmem>>
          %dma_start3A_260 = tpu.memref_squeeze %dma_start3A_259 : memref<1x1x128xi32, #tpu.memory_space<vmem>> -> memref<128xi32, #tpu.memory_space<vmem>>
          %dma_start3A_261 = arith.constant 0 : i32
          %dma_start3A_262 = tpu.memref_slice %arg27[%dma_start3A_261] : memref<10240xf32, #tpu.memory_space<vmem_shared>> -> memref<10240xf32, #tpu.memory_space<vmem_shared>>
          tpu.enqueue_indirect_dma source(%dma_start3A_257 : memref<128xf32, #tpu.memory_space<vmem>>) target(%dma_start3A_262 : memref<10240xf32, #tpu.memory_space<vmem_shared>>) offsets(%dma_start3A_260 : memref<128xi32, #tpu.memory_space<vmem>>) semaphore(%arg34 : memref<!tpu.dma_semaphore, #tpu.memory_space<semaphore_mem>>) {add = true}
        } else {
        }
        %eq3A_238 = arith.constant 1 : i32
        %eq3A_239 = arith.cmpi eq, %arg0, %eq3A_238 : i32
        %convert_element_type3A_240 = arith.extui %eq3A_239 : i1 to i32
        %cond3A_241 = arith.constant 0 : i32
        %cond3A_242 = arith.cmpi ne, %convert_element_type3A_240, %cond3A_241 : i32
        scf.if %cond3A_242 {
          %dma_start3A_243 = arith.constant 0 : i32
          %dma_start3A_244 = arith.constant 0 : i32
          %dma_start3A_245 = arith.constant 0 : i32
          %dma_start3A_246 = arith.constant 0 : i32
          %dma_start3A_247 = tpu.memref_slice %arg19[%dma_start3A_243, %dma_start3A_244, %dma_start3A_246] : memref<2x1x128xf32, #tpu.memory_space<vmem>> -> memref<1x1x128xf32, #tpu.memory_space<vmem>>
          %dma_start3A_248 = tpu.memref_squeeze %dma_start3A_247 : memref<1x1x128xf32, #tpu.memory_space<vmem>> -> memref<128xf32, #tpu.memory_space<vmem>>
          %dma_start3A_249 = arith.constant 0 : i32
          %dma_start3A_250 = tpu.memref_slice %arg17[%rem3A_214, %dma_start3A_245, %dma_start3A_249] : memref<4x1x128xi32, #tpu.memory_space<vmem>> -> memref<1x1x128xi32, #tpu.memory_space<vmem>>
          %dma_start3A_251 = tpu.memref_squeeze %dma_start3A_250 : memref<1x1x128xi32, #tpu.memory_space<vmem>> -> memref<128xi32, #tpu.memory_space<vmem>>
          %dma_start3A_252 = arith.constant 0 : i32
          %dma_start3A_253 = tpu.memref_slice %arg28[%dma_start3A_252] : memref<10240xf32, #tpu.memory_space<vmem_shared>> -> memref<10240xf32, #tpu.memory_space<vmem_shared>>
          tpu.enqueue_indirect_dma source(%dma_start3A_248 : memref<128xf32, #tpu.memory_space<vmem>>) target(%dma_start3A_253 : memref<10240xf32, #tpu.memory_space<vmem_shared>>) offsets(%dma_start3A_251 : memref<128xi32, #tpu.memory_space<vmem>>) semaphore(%arg34 : memref<!tpu.dma_semaphore, #tpu.memory_space<semaphore_mem>>) {add = true}
        } else {
        }
      } else {
      }
    }
    %dma_wait3A = arith.constant 0 : i32
    %dma_wait3A_115 = arith.constant 0 : i32
    %dma_wait3A_116 = tpu.memref_slice %arg2[%dma_wait3A, %dma_wait3A_115] : memref<20480x128xf32, #tpu.memory_space<hbm>> -> memref<128x128xf32, #tpu.memory_space<hbm>>
    %dma_wait3A_117 = arith.constant 0 : i32
    %dma_wait3A_118 = arith.constant 0 : i32
    %dma_wait3A_119 = tpu.memref_slice %arg2[%dma_wait3A_117, %dma_wait3A_118] : memref<20480x128xf32, #tpu.memory_space<hbm>> -> memref<128x128xf32, #tpu.memory_space<hbm>>
    tpu.wait_dma2 semaphore(%arg34 : memref<!tpu.dma_semaphore, #tpu.memory_space<semaphore_mem>>) src(%dma_wait3A_119 : memref<128x128xf32, #tpu.memory_space<hbm>>) dst(%arg20 : memref<128x128xf32, #tpu.memory_space<vmem>>)
    %eq3A_120 = arith.constant 0 : i32
    %eq3A_121 = arith.cmpi eq, %arg0, %eq3A_120 : i32
    %convert_element_type3A_122 = arith.extui %eq3A_121 : i1 to i32
    %cond3A_123 = arith.constant 0 : i32
    %cond3A_124 = arith.cmpi ne, %convert_element_type3A_122, %cond3A_123 : i32
    scf.if %cond3A_124 {
      %dma_wait3A_176 = arith.constant 0 : i32
      %dma_wait3A_177 = arith.constant 0 : i32
      %dma_wait3A_178 = arith.constant 0 : i32
      %dma_wait3A_179 = arith.constant 0 : i32
      %dma_wait3A_180 = tpu.memref_slice %arg18[%dma_wait3A_177, %dma_wait3A_178, %dma_wait3A_179] : memref<4x1x128xf32, #tpu.memory_space<vmem>> -> memref<1x1x128xf32, #tpu.memory_space<vmem>>
      %dma_wait3A_181 = tpu.memref_squeeze %dma_wait3A_180 : memref<1x1x128xf32, #tpu.memory_space<vmem>> -> memref<1x128xf32, #tpu.memory_space<vmem>>
      %dma_wait3A_182 = arith.constant 0 : i32
      %dma_wait3A_183 = arith.constant 0 : i32
      %dma_wait3A_184 = tpu.memref_slice %arg6[%dma_wait3A_176, %dma_wait3A_182, %dma_wait3A_183] : memref<2560x1x128xf32, #tpu.memory_space<hbm>> -> memref<1x1x128xf32, #tpu.memory_space<hbm>>
      %dma_wait3A_185 = tpu.memref_squeeze %dma_wait3A_184 : memref<1x1x128xf32, #tpu.memory_space<hbm>> -> memref<1x128xf32, #tpu.memory_space<hbm>>
      %dma_wait3A_186 = arith.constant 0 : i32
      %dma_wait3A_187 = arith.constant 0 : i32
      %dma_wait3A_188 = tpu.memref_slice %arg18[%dma_wait3A_177, %dma_wait3A_186, %dma_wait3A_187] : memref<4x1x128xf32, #tpu.memory_space<vmem>> -> memref<1x1x128xf32, #tpu.memory_space<vmem>>
      %dma_wait3A_189 = tpu.memref_squeeze %dma_wait3A_188 : memref<1x1x128xf32, #tpu.memory_space<vmem>> -> memref<1x128xf32, #tpu.memory_space<vmem>>
      %dma_wait3A_190 = arith.constant 0 : i32
      %dma_wait3A_191 = arith.constant 0 : i32
      %dma_wait3A_192 = tpu.memref_slice %arg6[%dma_wait3A_176, %dma_wait3A_190, %dma_wait3A_191] : memref<2560x1x128xf32, #tpu.memory_space<hbm>> -> memref<1x1x128xf32, #tpu.memory_space<hbm>>
      %dma_wait3A_193 = tpu.memref_squeeze %dma_wait3A_192 : memref<1x1x128xf32, #tpu.memory_space<hbm>> -> memref<1x128xf32, #tpu.memory_space<hbm>>
      tpu.wait_dma2 semaphore(%arg34 : memref<!tpu.dma_semaphore, #tpu.memory_space<semaphore_mem>>) src(%dma_wait3A_193 : memref<1x128xf32, #tpu.memory_space<hbm>>) dst(%dma_wait3A_189 : memref<1x128xf32, #tpu.memory_space<vmem>>)
      %dma_wait3A_194 = arith.constant 0 : i32
      %dma_wait3A_195 = arith.constant 0 : i32
      %dma_wait3A_196 = arith.constant 0 : i32
      %dma_wait3A_197 = arith.constant 0 : i32
      %dma_wait3A_198 = tpu.memref_slice %arg18[%dma_wait3A_195, %dma_wait3A_196, %dma_wait3A_197] : memref<4x1x128xf32, #tpu.memory_space<vmem>> -> memref<1x1x128xf32, #tpu.memory_space<vmem>>
      %dma_wait3A_199 = tpu.memref_squeeze %dma_wait3A_198 : memref<1x1x128xf32, #tpu.memory_space<vmem>> -> memref<1x128xf32, #tpu.memory_space<vmem>>
      %dma_wait3A_200 = arith.constant 0 : i32
      %dma_wait3A_201 = arith.constant 0 : i32
      %dma_wait3A_202 = tpu.memref_slice %arg6[%dma_wait3A_194, %dma_wait3A_200, %dma_wait3A_201] : memref<2560x1x128xf32, #tpu.memory_space<hbm>> -> memref<1x1x128xf32, #tpu.memory_space<hbm>>
      %dma_wait3A_203 = tpu.memref_squeeze %dma_wait3A_202 : memref<1x1x128xf32, #tpu.memory_space<hbm>> -> memref<1x128xf32, #tpu.memory_space<hbm>>
      %dma_wait3A_204 = arith.constant 0 : i32
      %dma_wait3A_205 = arith.constant 0 : i32
      %dma_wait3A_206 = tpu.memref_slice %arg18[%dma_wait3A_195, %dma_wait3A_204, %dma_wait3A_205] : memref<4x1x128xf32, #tpu.memory_space<vmem>> -> memref<1x1x128xf32, #tpu.memory_space<vmem>>
      %dma_wait3A_207 = tpu.memref_squeeze %dma_wait3A_206 : memref<1x1x128xf32, #tpu.memory_space<vmem>> -> memref<1x128xf32, #tpu.memory_space<vmem>>
      %dma_wait3A_208 = arith.constant 0 : i32
      %dma_wait3A_209 = arith.constant 0 : i32
      %dma_wait3A_210 = tpu.memref_slice %arg6[%dma_wait3A_194, %dma_wait3A_208, %dma_wait3A_209] : memref<2560x1x128xf32, #tpu.memory_space<hbm>> -> memref<1x1x128xf32, #tpu.memory_space<hbm>>
      %dma_wait3A_211 = tpu.memref_squeeze %dma_wait3A_210 : memref<1x1x128xf32, #tpu.memory_space<hbm>> -> memref<1x128xf32, #tpu.memory_space<hbm>>
      tpu.wait_dma2 semaphore(%arg34 : memref<!tpu.dma_semaphore, #tpu.memory_space<semaphore_mem>>) src(%dma_wait3A_211 : memref<1x128xf32, #tpu.memory_space<hbm>>) dst(%dma_wait3A_207 : memref<1x128xf32, #tpu.memory_space<vmem>>)
    } else {
    }
    %eq3A_125 = arith.constant 1 : i32
    %eq3A_126 = arith.cmpi eq, %arg0, %eq3A_125 : i32
    %convert_element_type3A_127 = arith.extui %eq3A_126 : i1 to i32
    %cond3A_128 = arith.constant 0 : i32
    %cond3A_129 = arith.cmpi ne, %convert_element_type3A_127, %cond3A_128 : i32
    scf.if %cond3A_129 {
      %dma_wait3A_176 = arith.constant 0 : i32
      %dma_wait3A_177 = arith.constant 0 : i32
      %dma_wait3A_178 = arith.constant 0 : i32
      %dma_wait3A_179 = arith.constant 0 : i32
      %dma_wait3A_180 = tpu.memref_slice %arg19[%dma_wait3A_177, %dma_wait3A_178, %dma_wait3A_179] : memref<2x1x128xf32, #tpu.memory_space<vmem>> -> memref<1x1x128xf32, #tpu.memory_space<vmem>>
      %dma_wait3A_181 = tpu.memref_squeeze %dma_wait3A_180 : memref<1x1x128xf32, #tpu.memory_space<vmem>> -> memref<1x128xf32, #tpu.memory_space<vmem>>
      %dma_wait3A_182 = arith.constant 0 : i32
      %dma_wait3A_183 = arith.constant 0 : i32
      %dma_wait3A_184 = tpu.memref_slice %arg6[%dma_wait3A_176, %dma_wait3A_182, %dma_wait3A_183] : memref<2560x1x128xf32, #tpu.memory_space<hbm>> -> memref<1x1x128xf32, #tpu.memory_space<hbm>>
      %dma_wait3A_185 = tpu.memref_squeeze %dma_wait3A_184 : memref<1x1x128xf32, #tpu.memory_space<hbm>> -> memref<1x128xf32, #tpu.memory_space<hbm>>
      %dma_wait3A_186 = arith.constant 0 : i32
      %dma_wait3A_187 = arith.constant 0 : i32
      %dma_wait3A_188 = tpu.memref_slice %arg19[%dma_wait3A_177, %dma_wait3A_186, %dma_wait3A_187] : memref<2x1x128xf32, #tpu.memory_space<vmem>> -> memref<1x1x128xf32, #tpu.memory_space<vmem>>
      %dma_wait3A_189 = tpu.memref_squeeze %dma_wait3A_188 : memref<1x1x128xf32, #tpu.memory_space<vmem>> -> memref<1x128xf32, #tpu.memory_space<vmem>>
      %dma_wait3A_190 = arith.constant 0 : i32
      %dma_wait3A_191 = arith.constant 0 : i32
      %dma_wait3A_192 = tpu.memref_slice %arg6[%dma_wait3A_176, %dma_wait3A_190, %dma_wait3A_191] : memref<2560x1x128xf32, #tpu.memory_space<hbm>> -> memref<1x1x128xf32, #tpu.memory_space<hbm>>
      %dma_wait3A_193 = tpu.memref_squeeze %dma_wait3A_192 : memref<1x1x128xf32, #tpu.memory_space<hbm>> -> memref<1x128xf32, #tpu.memory_space<hbm>>
      tpu.wait_dma2 semaphore(%arg34 : memref<!tpu.dma_semaphore, #tpu.memory_space<semaphore_mem>>) src(%dma_wait3A_193 : memref<1x128xf32, #tpu.memory_space<hbm>>) dst(%dma_wait3A_189 : memref<1x128xf32, #tpu.memory_space<vmem>>)
    } else {
    }
    %dma_wait3A_130 = arith.constant 0 : i32
    %dma_wait3A_131 = arith.constant 0 : i32
    %dma_wait3A_132 = tpu.memref_slice %arg2[%dma_wait3A_130, %dma_wait3A_131] : memref<20480x128xf32, #tpu.memory_space<hbm>> -> memref<128x128xf32, #tpu.memory_space<hbm>>
    %dma_wait3A_133 = arith.constant 0 : i32
    %dma_wait3A_134 = arith.constant 0 : i32
    %dma_wait3A_135 = tpu.memref_slice %arg2[%dma_wait3A_133, %dma_wait3A_134] : memref<20480x128xf32, #tpu.memory_space<hbm>> -> memref<128x128xf32, #tpu.memory_space<hbm>>
    tpu.wait_dma2 semaphore(%arg35 : memref<!tpu.dma_semaphore, #tpu.memory_space<semaphore_mem>>) src(%dma_wait3A_135 : memref<128x128xf32, #tpu.memory_space<hbm>>) dst(%arg21 : memref<128x128xf32, #tpu.memory_space<vmem>>)
    %eq3A_136 = arith.constant 0 : i32
    %eq3A_137 = arith.cmpi eq, %arg0, %eq3A_136 : i32
    %convert_element_type3A_138 = arith.extui %eq3A_137 : i1 to i32
    %cond3A_139 = arith.constant 0 : i32
    %cond3A_140 = arith.cmpi ne, %convert_element_type3A_138, %cond3A_139 : i32
    scf.if %cond3A_140 {
      %dma_wait3A_176 = arith.constant 0 : i32
      %dma_wait3A_177 = arith.constant 0 : i32
      %dma_wait3A_178 = arith.constant 0 : i32
      %dma_wait3A_179 = arith.constant 0 : i32
      %dma_wait3A_180 = tpu.memref_slice %arg18[%dma_wait3A_177, %dma_wait3A_178, %dma_wait3A_179] : memref<4x1x128xf32, #tpu.memory_space<vmem>> -> memref<1x1x128xf32, #tpu.memory_space<vmem>>
      %dma_wait3A_181 = tpu.memref_squeeze %dma_wait3A_180 : memref<1x1x128xf32, #tpu.memory_space<vmem>> -> memref<1x128xf32, #tpu.memory_space<vmem>>
      %dma_wait3A_182 = arith.constant 0 : i32
      %dma_wait3A_183 = arith.constant 0 : i32
      %dma_wait3A_184 = tpu.memref_slice %arg6[%dma_wait3A_176, %dma_wait3A_182, %dma_wait3A_183] : memref<2560x1x128xf32, #tpu.memory_space<hbm>> -> memref<1x1x128xf32, #tpu.memory_space<hbm>>
      %dma_wait3A_185 = tpu.memref_squeeze %dma_wait3A_184 : memref<1x1x128xf32, #tpu.memory_space<hbm>> -> memref<1x128xf32, #tpu.memory_space<hbm>>
      %dma_wait3A_186 = arith.constant 0 : i32
      %dma_wait3A_187 = arith.constant 0 : i32
      %dma_wait3A_188 = tpu.memref_slice %arg18[%dma_wait3A_177, %dma_wait3A_186, %dma_wait3A_187] : memref<4x1x128xf32, #tpu.memory_space<vmem>> -> memref<1x1x128xf32, #tpu.memory_space<vmem>>
      %dma_wait3A_189 = tpu.memref_squeeze %dma_wait3A_188 : memref<1x1x128xf32, #tpu.memory_space<vmem>> -> memref<1x128xf32, #tpu.memory_space<vmem>>
      %dma_wait3A_190 = arith.constant 0 : i32
      %dma_wait3A_191 = arith.constant 0 : i32
      %dma_wait3A_192 = tpu.memref_slice %arg6[%dma_wait3A_176, %dma_wait3A_190, %dma_wait3A_191] : memref<2560x1x128xf32, #tpu.memory_space<hbm>> -> memref<1x1x128xf32, #tpu.memory_space<hbm>>
      %dma_wait3A_193 = tpu.memref_squeeze %dma_wait3A_192 : memref<1x1x128xf32, #tpu.memory_space<hbm>> -> memref<1x128xf32, #tpu.memory_space<hbm>>
      tpu.wait_dma2 semaphore(%arg35 : memref<!tpu.dma_semaphore, #tpu.memory_space<semaphore_mem>>) src(%dma_wait3A_193 : memref<1x128xf32, #tpu.memory_space<hbm>>) dst(%dma_wait3A_189 : memref<1x128xf32, #tpu.memory_space<vmem>>)
      %dma_wait3A_194 = arith.constant 0 : i32
      %dma_wait3A_195 = arith.constant 0 : i32
      %dma_wait3A_196 = arith.constant 0 : i32
      %dma_wait3A_197 = arith.constant 0 : i32
      %dma_wait3A_198 = tpu.memref_slice %arg18[%dma_wait3A_195, %dma_wait3A_196, %dma_wait3A_197] : memref<4x1x128xf32, #tpu.memory_space<vmem>> -> memref<1x1x128xf32, #tpu.memory_space<vmem>>
      %dma_wait3A_199 = tpu.memref_squeeze %dma_wait3A_198 : memref<1x1x128xf32, #tpu.memory_space<vmem>> -> memref<1x128xf32, #tpu.memory_space<vmem>>
      %dma_wait3A_200 = arith.constant 0 : i32
      %dma_wait3A_201 = arith.constant 0 : i32
      %dma_wait3A_202 = tpu.memref_slice %arg6[%dma_wait3A_194, %dma_wait3A_200, %dma_wait3A_201] : memref<2560x1x128xf32, #tpu.memory_space<hbm>> -> memref<1x1x128xf32, #tpu.memory_space<hbm>>
      %dma_wait3A_203 = tpu.memref_squeeze %dma_wait3A_202 : memref<1x1x128xf32, #tpu.memory_space<hbm>> -> memref<1x128xf32, #tpu.memory_space<hbm>>
      %dma_wait3A_204 = arith.constant 0 : i32
      %dma_wait3A_205 = arith.constant 0 : i32
      %dma_wait3A_206 = tpu.memref_slice %arg18[%dma_wait3A_195, %dma_wait3A_204, %dma_wait3A_205] : memref<4x1x128xf32, #tpu.memory_space<vmem>> -> memref<1x1x128xf32, #tpu.memory_space<vmem>>
      %dma_wait3A_207 = tpu.memref_squeeze %dma_wait3A_206 : memref<1x1x128xf32, #tpu.memory_space<vmem>> -> memref<1x128xf32, #tpu.memory_space<vmem>>
      %dma_wait3A_208 = arith.constant 0 : i32
      %dma_wait3A_209 = arith.constant 0 : i32
      %dma_wait3A_210 = tpu.memref_slice %arg6[%dma_wait3A_194, %dma_wait3A_208, %dma_wait3A_209] : memref<2560x1x128xf32, #tpu.memory_space<hbm>> -> memref<1x1x128xf32, #tpu.memory_space<hbm>>
      %dma_wait3A_211 = tpu.memref_squeeze %dma_wait3A_210 : memref<1x1x128xf32, #tpu.memory_space<hbm>> -> memref<1x128xf32, #tpu.memory_space<hbm>>
      tpu.wait_dma2 semaphore(%arg35 : memref<!tpu.dma_semaphore, #tpu.memory_space<semaphore_mem>>) src(%dma_wait3A_211 : memref<1x128xf32, #tpu.memory_space<hbm>>) dst(%dma_wait3A_207 : memref<1x128xf32, #tpu.memory_space<vmem>>)
    } else {
    }
    %eq3A_141 = arith.constant 1 : i32
    %eq3A_142 = arith.cmpi eq, %arg0, %eq3A_141 : i32
    %convert_element_type3A_143 = arith.extui %eq3A_142 : i1 to i32
    %cond3A_144 = arith.constant 0 : i32
    %cond3A_145 = arith.cmpi ne, %convert_element_type3A_143, %cond3A_144 : i32
    scf.if %cond3A_145 {
      %dma_wait3A_176 = arith.constant 0 : i32
      %dma_wait3A_177 = arith.constant 0 : i32
      %dma_wait3A_178 = arith.constant 0 : i32
      %dma_wait3A_179 = arith.constant 0 : i32
      %dma_wait3A_180 = tpu.memref_slice %arg19[%dma_wait3A_177, %dma_wait3A_178, %dma_wait3A_179] : memref<2x1x128xf32, #tpu.memory_space<vmem>> -> memref<1x1x128xf32, #tpu.memory_space<vmem>>
      %dma_wait3A_181 = tpu.memref_squeeze %dma_wait3A_180 : memref<1x1x128xf32, #tpu.memory_space<vmem>> -> memref<1x128xf32, #tpu.memory_space<vmem>>
      %dma_wait3A_182 = arith.constant 0 : i32
      %dma_wait3A_183 = arith.constant 0 : i32
      %dma_wait3A_184 = tpu.memref_slice %arg6[%dma_wait3A_176, %dma_wait3A_182, %dma_wait3A_183] : memref<2560x1x128xf32, #tpu.memory_space<hbm>> -> memref<1x1x128xf32, #tpu.memory_space<hbm>>
      %dma_wait3A_185 = tpu.memref_squeeze %dma_wait3A_184 : memref<1x1x128xf32, #tpu.memory_space<hbm>> -> memref<1x128xf32, #tpu.memory_space<hbm>>
      %dma_wait3A_186 = arith.constant 0 : i32
      %dma_wait3A_187 = arith.constant 0 : i32
      %dma_wait3A_188 = tpu.memref_slice %arg19[%dma_wait3A_177, %dma_wait3A_186, %dma_wait3A_187] : memref<2x1x128xf32, #tpu.memory_space<vmem>> -> memref<1x1x128xf32, #tpu.memory_space<vmem>>
      %dma_wait3A_189 = tpu.memref_squeeze %dma_wait3A_188 : memref<1x1x128xf32, #tpu.memory_space<vmem>> -> memref<1x128xf32, #tpu.memory_space<vmem>>
      %dma_wait3A_190 = arith.constant 0 : i32
      %dma_wait3A_191 = arith.constant 0 : i32
      %dma_wait3A_192 = tpu.memref_slice %arg6[%dma_wait3A_176, %dma_wait3A_190, %dma_wait3A_191] : memref<2560x1x128xf32, #tpu.memory_space<hbm>> -> memref<1x1x128xf32, #tpu.memory_space<hbm>>
      %dma_wait3A_193 = tpu.memref_squeeze %dma_wait3A_192 : memref<1x1x128xf32, #tpu.memory_space<hbm>> -> memref<1x128xf32, #tpu.memory_space<hbm>>
      tpu.wait_dma2 semaphore(%arg35 : memref<!tpu.dma_semaphore, #tpu.memory_space<semaphore_mem>>) src(%dma_wait3A_193 : memref<1x128xf32, #tpu.memory_space<hbm>>) dst(%dma_wait3A_189 : memref<1x128xf32, #tpu.memory_space<vmem>>)
    } else {
    }
    %eq3A_146 = arith.constant 0 : i32
    %eq3A_147 = arith.cmpi eq, %arg0, %eq3A_146 : i32
    %eq3A_148 = arith.constant 0 : i32
    %eq3A_149 = arith.cmpi eq, %arg1, %eq3A_148 : i32
    %and3A_150 = arith.andi %eq3A_147, %eq3A_149 : i1
    %convert_element_type3A_151 = arith.extui %and3A_150 : i1 to i32
    %cond3A_152 = arith.constant 0 : i32
    %cond3A_153 = arith.cmpi ne, %convert_element_type3A_151, %cond3A_152 : i32
    scf.if %cond3A_153 {
      tpu.wait_dma2 semaphore(%arg36 : memref<!tpu.dma_semaphore, #tpu.memory_space<semaphore_mem>>) src(%arg7 : memref<40x1x128xi32, #tpu.memory_space<hbm>>) dst(%arg22 : memref<40x1x128xi32, #tpu.memory_space<vmem>>)
    } else {
    }
    %barrier3A_154 = arith.constant 0 : index
    tpu.barrier barrier_id(%barrier3A_154)
    %while3A_155 = arith.constant 0 : i32
    %while3A_156 = arith.constant 0 : i32
    %while3A_157 = arith.constant 5 : i32
    %while3A_158 = arith.subi %while3A_157, %while3A_156 : i32
    %while3A_159 = arith.addi %while3A_156, %while3A_158 : i32
    %while3A_160 = arith.constant 1 : i32
    %while3A_161 = arith.divsi %while3A_158, %while3A_160 : i32
    %while3A_162 = arith.muli %while3A_161, %while3A_160 : i32
    %while3A_163 = arith.addi %while3A_156, %while3A_162 : i32
    %while3A_164 = arith.constant 1 : i32
    scf.for %while3A_176 = %while3A_156 to %while3A_163 step %while3A_164  : i32 {
      %mul3A_177 = arith.constant 640 : i32
      %mul3A_178 = arith.muli %arg1, %mul3A_177 : i32
      %mul3A_179 = arith.constant 128 : i32
      %mul3A_180 = arith.muli %while3A_176, %mul3A_179 : i32
      %add3A_181 = arith.addi %mul3A_178, %mul3A_180 : i32
      %multiple_of3A = tpu.assume_multiple %add3A_181, 128 : i32
      "tpu.region"() ({
        %run_scoped3A_182 = tpu.sem_alloc : memref<!tpu.dma_semaphore, #tpu.memory_space<semaphore_mem>>
        %dma_start3A_183 = arith.constant 0 : i32
        %dma_start3A_184 = tpu.memref_slice %arg25[%multiple_of3A, %dma_start3A_183] : memref<10240x128xf32, #tpu.memory_space<vmem_shared>> -> memref<128x128xf32, #tpu.memory_space<vmem_shared>>
        %dma_start3A_185 = arith.constant 0 : i32
        %dma_start3A_186 = tpu.memref_slice %arg25[%multiple_of3A, %dma_start3A_185] : memref<10240x128xf32, #tpu.memory_space<vmem_shared>> -> memref<128x128xf32, #tpu.memory_space<vmem_shared>>
        tpu.enqueue_dma source(%dma_start3A_186 : memref<128x128xf32, #tpu.memory_space<vmem_shared>>) target(%arg20 : memref<128x128xf32, #tpu.memory_space<vmem>>) target_semaphore(%run_scoped3A_182 : memref<!tpu.dma_semaphore, #tpu.memory_space<semaphore_mem>>)
        %dma_wait3A_187 = arith.constant 0 : i32
        %dma_wait3A_188 = tpu.memref_slice %arg25[%multiple_of3A, %dma_wait3A_187] : memref<10240x128xf32, #tpu.memory_space<vmem_shared>> -> memref<128x128xf32, #tpu.memory_space<vmem_shared>>
        %dma_wait3A_189 = arith.constant 0 : i32
        %dma_wait3A_190 = tpu.memref_slice %arg25[%multiple_of3A, %dma_wait3A_189] : memref<10240x128xf32, #tpu.memory_space<vmem_shared>> -> memref<128x128xf32, #tpu.memory_space<vmem_shared>>
        tpu.wait_dma2 semaphore(%run_scoped3A_182 : memref<!tpu.dma_semaphore, #tpu.memory_space<semaphore_mem>>) src(%dma_wait3A_190 : memref<128x128xf32, #tpu.memory_space<vmem_shared>>) dst(%arg20 : memref<128x128xf32, #tpu.memory_space<vmem>>)
        tpu.yield
      }) : () -> ()
      "tpu.region"() ({
        %run_scoped3A_182 = tpu.sem_alloc : memref<!tpu.dma_semaphore, #tpu.memory_space<semaphore_mem>>
        %dma_start3A_183 = arith.constant 0 : i32
        %dma_start3A_184 = tpu.memref_slice %arg11[%arg0, %multiple_of3A, %dma_start3A_183] : memref<2x10240x128xf32, #tpu.memory_space<hbm>> -> memref<1x128x128xf32, #tpu.memory_space<hbm>>
        %dma_start3A_185 = tpu.memref_squeeze %dma_start3A_184 : memref<1x128x128xf32, #tpu.memory_space<hbm>> -> memref<128x128xf32, #tpu.memory_space<hbm>>
        %dma_start3A_186 = arith.constant 0 : i32
        %dma_start3A_187 = tpu.memref_slice %arg11[%arg0, %multiple_of3A, %dma_start3A_186] : memref<2x10240x128xf32, #tpu.memory_space<hbm>> -> memref<1x128x128xf32, #tpu.memory_space<hbm>>
        %dma_start3A_188 = tpu.memref_squeeze %dma_start3A_187 : memref<1x128x128xf32, #tpu.memory_space<hbm>> -> memref<128x128xf32, #tpu.memory_space<hbm>>
        tpu.enqueue_dma source(%arg20 : memref<128x128xf32, #tpu.memory_space<vmem>>) target(%dma_start3A_188 : memref<128x128xf32, #tpu.memory_space<hbm>>) target_semaphore(%run_scoped3A_182 : memref<!tpu.dma_semaphore, #tpu.memory_space<semaphore_mem>>)
        %dma_wait3A_189 = arith.constant 0 : i32
        %dma_wait3A_190 = tpu.memref_slice %arg11[%arg0, %multiple_of3A, %dma_wait3A_189] : memref<2x10240x128xf32, #tpu.memory_space<hbm>> -> memref<1x128x128xf32, #tpu.memory_space<hbm>>
        %dma_wait3A_191 = tpu.memref_squeeze %dma_wait3A_190 : memref<1x128x128xf32, #tpu.memory_space<hbm>> -> memref<128x128xf32, #tpu.memory_space<hbm>>
        %dma_wait3A_192 = arith.constant 0 : i32
        %dma_wait3A_193 = tpu.memref_slice %arg11[%arg0, %multiple_of3A, %dma_wait3A_192] : memref<2x10240x128xf32, #tpu.memory_space<hbm>> -> memref<1x128x128xf32, #tpu.memory_space<hbm>>
        %dma_wait3A_194 = tpu.memref_squeeze %dma_wait3A_193 : memref<1x128x128xf32, #tpu.memory_space<hbm>> -> memref<128x128xf32, #tpu.memory_space<hbm>>
        tpu.wait_dma2 semaphore(%run_scoped3A_182 : memref<!tpu.dma_semaphore, #tpu.memory_space<semaphore_mem>>) src(%arg20 : memref<128x128xf32, #tpu.memory_space<vmem>>) dst(%dma_wait3A_194 : memref<128x128xf32, #tpu.memory_space<hbm>>)
        tpu.yield
      }) : () -> ()
    }
    %while3A_165 = arith.constant 1 : i32
    scf.for %while3A_176 = %while3A_163 to %while3A_159 step %while3A_165  : i32 {
      %mul3A_177 = arith.constant 640 : i32
      %mul3A_178 = arith.muli %arg1, %mul3A_177 : i32
      %mul3A_179 = arith.constant 128 : i32
      %mul3A_180 = arith.muli %while3A_176, %mul3A_179 : i32
      %add3A_181 = arith.addi %mul3A_178, %mul3A_180 : i32
      %multiple_of3A = tpu.assume_multiple %add3A_181, 128 : i32
      "tpu.region"() ({
        %run_scoped3A_182 = tpu.sem_alloc : memref<!tpu.dma_semaphore, #tpu.memory_space<semaphore_mem>>
        %dma_start3A_183 = arith.constant 0 : i32
        %dma_start3A_184 = tpu.memref_slice %arg25[%multiple_of3A, %dma_start3A_183] : memref<10240x128xf32, #tpu.memory_space<vmem_shared>> -> memref<128x128xf32, #tpu.memory_space<vmem_shared>>
        %dma_start3A_185 = arith.constant 0 : i32
        %dma_start3A_186 = tpu.memref_slice %arg25[%multiple_of3A, %dma_start3A_185] : memref<10240x128xf32, #tpu.memory_space<vmem_shared>> -> memref<128x128xf32, #tpu.memory_space<vmem_shared>>
        tpu.enqueue_dma source(%dma_start3A_186 : memref<128x128xf32, #tpu.memory_space<vmem_shared>>) target(%arg20 : memref<128x128xf32, #tpu.memory_space<vmem>>) target_semaphore(%run_scoped3A_182 : memref<!tpu.dma_semaphore, #tpu.memory_space<semaphore_mem>>)
        %dma_wait3A_187 = arith.constant 0 : i32
        %dma_wait3A_188 = tpu.memref_slice %arg25[%multiple_of3A, %dma_wait3A_187] : memref<10240x128xf32, #tpu.memory_space<vmem_shared>> -> memref<128x128xf32, #tpu.memory_space<vmem_shared>>
        %dma_wait3A_189 = arith.constant 0 : i32
        %dma_wait3A_190 = tpu.memref_slice %arg25[%multiple_of3A, %dma_wait3A_189] : memref<10240x128xf32, #tpu.memory_space<vmem_shared>> -> memref<128x128xf32, #tpu.memory_space<vmem_shared>>
        tpu.wait_dma2 semaphore(%run_scoped3A_182 : memref<!tpu.dma_semaphore, #tpu.memory_space<semaphore_mem>>) src(%dma_wait3A_190 : memref<128x128xf32, #tpu.memory_space<vmem_shared>>) dst(%arg20 : memref<128x128xf32, #tpu.memory_space<vmem>>)
        tpu.yield
      }) : () -> ()
      "tpu.region"() ({
        %run_scoped3A_182 = tpu.sem_alloc : memref<!tpu.dma_semaphore, #tpu.memory_space<semaphore_mem>>
        %dma_start3A_183 = arith.constant 0 : i32
        %dma_start3A_184 = tpu.memref_slice %arg11[%arg0, %multiple_of3A, %dma_start3A_183] : memref<2x10240x128xf32, #tpu.memory_space<hbm>> -> memref<1x128x128xf32, #tpu.memory_space<hbm>>
        %dma_start3A_185 = tpu.memref_squeeze %dma_start3A_184 : memref<1x128x128xf32, #tpu.memory_space<hbm>> -> memref<128x128xf32, #tpu.memory_space<hbm>>
        %dma_start3A_186 = arith.constant 0 : i32
        %dma_start3A_187 = tpu.memref_slice %arg11[%arg0, %multiple_of3A, %dma_start3A_186] : memref<2x10240x128xf32, #tpu.memory_space<hbm>> -> memref<1x128x128xf32, #tpu.memory_space<hbm>>
        %dma_start3A_188 = tpu.memref_squeeze %dma_start3A_187 : memref<1x128x128xf32, #tpu.memory_space<hbm>> -> memref<128x128xf32, #tpu.memory_space<hbm>>
        tpu.enqueue_dma source(%arg20 : memref<128x128xf32, #tpu.memory_space<vmem>>) target(%dma_start3A_188 : memref<128x128xf32, #tpu.memory_space<hbm>>) target_semaphore(%run_scoped3A_182 : memref<!tpu.dma_semaphore, #tpu.memory_space<semaphore_mem>>)
        %dma_wait3A_189 = arith.constant 0 : i32
        %dma_wait3A_190 = tpu.memref_slice %arg11[%arg0, %multiple_of3A, %dma_wait3A_189] : memref<2x10240x128xf32, #tpu.memory_space<hbm>> -> memref<1x128x128xf32, #tpu.memory_space<hbm>>
        %dma_wait3A_191 = tpu.memref_squeeze %dma_wait3A_190 : memref<1x128x128xf32, #tpu.memory_space<hbm>> -> memref<128x128xf32, #tpu.memory_space<hbm>>
        %dma_wait3A_192 = arith.constant 0 : i32
        %dma_wait3A_193 = tpu.memref_slice %arg11[%arg0, %multiple_of3A, %dma_wait3A_192] : memref<2x10240x128xf32, #tpu.memory_space<hbm>> -> memref<1x128x128xf32, #tpu.memory_space<hbm>>
        %dma_wait3A_194 = tpu.memref_squeeze %dma_wait3A_193 : memref<1x128x128xf32, #tpu.memory_space<hbm>> -> memref<128x128xf32, #tpu.memory_space<hbm>>
        tpu.wait_dma2 semaphore(%run_scoped3A_182 : memref<!tpu.dma_semaphore, #tpu.memory_space<semaphore_mem>>) src(%arg20 : memref<128x128xf32, #tpu.memory_space<vmem>>) dst(%dma_wait3A_194 : memref<128x128xf32, #tpu.memory_space<hbm>>)
        tpu.yield
      }) : () -> ()
    }
    %eq3A_166 = arith.constant 0 : i32
    %eq3A_167 = arith.cmpi eq, %arg0, %eq3A_166 : i32
    %convert_element_type3A_168 = arith.extui %eq3A_167 : i1 to i32
    %cond3A_169 = arith.constant 0 : i32
    %cond3A_170 = arith.cmpi ne, %convert_element_type3A_168, %cond3A_169 : i32
    scf.if %cond3A_170 {
      "tpu.region"() ({
        %run_scoped3A_176 = tpu.sem_alloc : memref<!tpu.dma_semaphore, #tpu.memory_space<semaphore_mem>>
        %dma_start3A_177 = tpu.memref_slice %arg26[%mul3A_8] : memref<10240xf32, #tpu.memory_space<vmem_shared>> -> memref<640xf32, #tpu.memory_space<vmem_shared>>
        %dma_start3A_178 = tpu.memref_slice %arg26[%mul3A_8] : memref<10240xf32, #tpu.memory_space<vmem_shared>> -> memref<640xf32, #tpu.memory_space<vmem_shared>>
        tpu.enqueue_dma source(%dma_start3A_178 : memref<640xf32, #tpu.memory_space<vmem_shared>>) target(%arg24 : memref<640xf32, #tpu.memory_space<vmem>>) target_semaphore(%run_scoped3A_176 : memref<!tpu.dma_semaphore, #tpu.memory_space<semaphore_mem>>)
        %dma_wait3A_179 = tpu.memref_slice %arg26[%mul3A_8] : memref<10240xf32, #tpu.memory_space<vmem_shared>> -> memref<640xf32, #tpu.memory_space<vmem_shared>>
        %dma_wait3A_180 = tpu.memref_slice %arg26[%mul3A_8] : memref<10240xf32, #tpu.memory_space<vmem_shared>> -> memref<640xf32, #tpu.memory_space<vmem_shared>>
        tpu.wait_dma2 semaphore(%run_scoped3A_176 : memref<!tpu.dma_semaphore, #tpu.memory_space<semaphore_mem>>) src(%dma_wait3A_180 : memref<640xf32, #tpu.memory_space<vmem_shared>>) dst(%arg24 : memref<640xf32, #tpu.memory_space<vmem>>)
        tpu.yield
      }) : () -> ()
      "tpu.region"() ({
        %run_scoped3A_176 = tpu.sem_alloc : memref<!tpu.dma_semaphore, #tpu.memory_space<semaphore_mem>>
        %dma_start3A_177 = tpu.memref_slice %arg12[%mul3A_8] : memref<10240xf32, #tpu.memory_space<hbm>> -> memref<640xf32, #tpu.memory_space<hbm>>
        %dma_start3A_178 = tpu.memref_slice %arg12[%mul3A_8] : memref<10240xf32, #tpu.memory_space<hbm>> -> memref<640xf32, #tpu.memory_space<hbm>>
        tpu.enqueue_dma source(%arg24 : memref<640xf32, #tpu.memory_space<vmem>>) target(%dma_start3A_178 : memref<640xf32, #tpu.memory_space<hbm>>) target_semaphore(%run_scoped3A_176 : memref<!tpu.dma_semaphore, #tpu.memory_space<semaphore_mem>>)
        %dma_wait3A_179 = tpu.memref_slice %arg12[%mul3A_8] : memref<10240xf32, #tpu.memory_space<hbm>> -> memref<640xf32, #tpu.memory_space<hbm>>
        %dma_wait3A_180 = tpu.memref_slice %arg12[%mul3A_8] : memref<10240xf32, #tpu.memory_space<hbm>> -> memref<640xf32, #tpu.memory_space<hbm>>
        tpu.wait_dma2 semaphore(%run_scoped3A_176 : memref<!tpu.dma_semaphore, #tpu.memory_space<semaphore_mem>>) src(%arg24 : memref<640xf32, #tpu.memory_space<vmem>>) dst(%dma_wait3A_180 : memref<640xf32, #tpu.memory_space<hbm>>)
        tpu.yield
      }) : () -> ()
      "tpu.region"() ({
        %run_scoped3A_176 = tpu.sem_alloc : memref<!tpu.dma_semaphore, #tpu.memory_space<semaphore_mem>>
        %dma_start3A_177 = tpu.memref_slice %arg27[%mul3A_8] : memref<10240xf32, #tpu.memory_space<vmem_shared>> -> memref<640xf32, #tpu.memory_space<vmem_shared>>
        %dma_start3A_178 = tpu.memref_slice %arg27[%mul3A_8] : memref<10240xf32, #tpu.memory_space<vmem_shared>> -> memref<640xf32, #tpu.memory_space<vmem_shared>>
        tpu.enqueue_dma source(%dma_start3A_178 : memref<640xf32, #tpu.memory_space<vmem_shared>>) target(%arg24 : memref<640xf32, #tpu.memory_space<vmem>>) target_semaphore(%run_scoped3A_176 : memref<!tpu.dma_semaphore, #tpu.memory_space<semaphore_mem>>)
        %dma_wait3A_179 = tpu.memref_slice %arg27[%mul3A_8] : memref<10240xf32, #tpu.memory_space<vmem_shared>> -> memref<640xf32, #tpu.memory_space<vmem_shared>>
        %dma_wait3A_180 = tpu.memref_slice %arg27[%mul3A_8] : memref<10240xf32, #tpu.memory_space<vmem_shared>> -> memref<640xf32, #tpu.memory_space<vmem_shared>>
        tpu.wait_dma2 semaphore(%run_scoped3A_176 : memref<!tpu.dma_semaphore, #tpu.memory_space<semaphore_mem>>) src(%dma_wait3A_180 : memref<640xf32, #tpu.memory_space<vmem_shared>>) dst(%arg24 : memref<640xf32, #tpu.memory_space<vmem>>)
        tpu.yield
      }) : () -> ()
      "tpu.region"() ({
        %run_scoped3A_176 = tpu.sem_alloc : memref<!tpu.dma_semaphore, #tpu.memory_space<semaphore_mem>>
        %dma_start3A_177 = tpu.memref_slice %arg13[%mul3A_8] : memref<10240xf32, #tpu.memory_space<hbm>> -> memref<640xf32, #tpu.memory_space<hbm>>
        %dma_start3A_178 = tpu.memref_slice %arg13[%mul3A_8] : memref<10240xf32, #tpu.memory_space<hbm>> -> memref<640xf32, #tpu.memory_space<hbm>>
        tpu.enqueue_dma source(%arg24 : memref<640xf32, #tpu.memory_space<vmem>>) target(%dma_start3A_178 : memref<640xf32, #tpu.memory_space<hbm>>) target_semaphore(%run_scoped3A_176 : memref<!tpu.dma_semaphore, #tpu.memory_space<semaphore_mem>>)
        %dma_wait3A_179 = tpu.memref_slice %arg13[%mul3A_8] : memref<10240xf32, #tpu.memory_space<hbm>> -> memref<640xf32, #tpu.memory_space<hbm>>
        %dma_wait3A_180 = tpu.memref_slice %arg13[%mul3A_8] : memref<10240xf32, #tpu.memory_space<hbm>> -> memref<640xf32, #tpu.memory_space<hbm>>
        tpu.wait_dma2 semaphore(%run_scoped3A_176 : memref<!tpu.dma_semaphore, #tpu.memory_space<semaphore_mem>>) src(%arg24 : memref<640xf32, #tpu.memory_space<vmem>>) dst(%dma_wait3A_180 : memref<640xf32, #tpu.memory_space<hbm>>)
        tpu.yield
      }) : () -> ()
      "tpu.region"() ({
        %run_scoped3A_176 = tpu.sem_alloc : memref<!tpu.dma_semaphore, #tpu.memory_space<semaphore_mem>>
        %dma_start3A_177 = tpu.memref_slice %arg29[%mul3A_8] : memref<10240xf32, #tpu.memory_space<vmem_shared>> -> memref<640xf32, #tpu.memory_space<vmem_shared>>
        %dma_start3A_178 = tpu.memref_slice %arg29[%mul3A_8] : memref<10240xf32, #tpu.memory_space<vmem_shared>> -> memref<640xf32, #tpu.memory_space<vmem_shared>>
        tpu.enqueue_dma source(%dma_start3A_178 : memref<640xf32, #tpu.memory_space<vmem_shared>>) target(%arg24 : memref<640xf32, #tpu.memory_space<vmem>>) target_semaphore(%run_scoped3A_176 : memref<!tpu.dma_semaphore, #tpu.memory_space<semaphore_mem>>)
        %dma_wait3A_179 = tpu.memref_slice %arg29[%mul3A_8] : memref<10240xf32, #tpu.memory_space<vmem_shared>> -> memref<640xf32, #tpu.memory_space<vmem_shared>>
        %dma_wait3A_180 = tpu.memref_slice %arg29[%mul3A_8] : memref<10240xf32, #tpu.memory_space<vmem_shared>> -> memref<640xf32, #tpu.memory_space<vmem_shared>>
        tpu.wait_dma2 semaphore(%run_scoped3A_176 : memref<!tpu.dma_semaphore, #tpu.memory_space<semaphore_mem>>) src(%dma_wait3A_180 : memref<640xf32, #tpu.memory_space<vmem_shared>>) dst(%arg24 : memref<640xf32, #tpu.memory_space<vmem>>)
        tpu.yield
      }) : () -> ()
      "tpu.region"() ({
        %run_scoped3A_176 = tpu.sem_alloc : memref<!tpu.dma_semaphore, #tpu.memory_space<semaphore_mem>>
        %dma_start3A_177 = tpu.memref_slice %arg15[%mul3A_8] : memref<10240xf32, #tpu.memory_space<hbm>> -> memref<640xf32, #tpu.memory_space<hbm>>
        %dma_start3A_178 = tpu.memref_slice %arg15[%mul3A_8] : memref<10240xf32, #tpu.memory_space<hbm>> -> memref<640xf32, #tpu.memory_space<hbm>>
        tpu.enqueue_dma source(%arg24 : memref<640xf32, #tpu.memory_space<vmem>>) target(%dma_start3A_178 : memref<640xf32, #tpu.memory_space<hbm>>) target_semaphore(%run_scoped3A_176 : memref<!tpu.dma_semaphore, #tpu.memory_space<semaphore_mem>>)
        %dma_wait3A_179 = tpu.memref_slice %arg15[%mul3A_8] : memref<10240xf32, #tpu.memory_space<hbm>> -> memref<640xf32, #tpu.memory_space<hbm>>
        %dma_wait3A_180 = tpu.memref_slice %arg15[%mul3A_8] : memref<10240xf32, #tpu.memory_space<hbm>> -> memref<640xf32, #tpu.memory_space<hbm>>
        tpu.wait_dma2 semaphore(%run_scoped3A_176 : memref<!tpu.dma_semaphore, #tpu.memory_space<semaphore_mem>>) src(%arg24 : memref<640xf32, #tpu.memory_space<vmem>>) dst(%dma_wait3A_180 : memref<640xf32, #tpu.memory_space<hbm>>)
        tpu.yield
      }) : () -> ()
    } else {
    }
    %eq3A_171 = arith.constant 1 : i32
    %eq3A_172 = arith.cmpi eq, %arg0, %eq3A_171 : i32
    %convert_element_type3A_173 = arith.extui %eq3A_172 : i1 to i32
    %cond3A_174 = arith.constant 0 : i32
    %cond3A_175 = arith.cmpi ne, %convert_element_type3A_173, %cond3A_174 : i32
    scf.if %cond3A_175 {
      "tpu.region"() ({
        %run_scoped3A_176 = tpu.sem_alloc : memref<!tpu.dma_semaphore, #tpu.memory_space<semaphore_mem>>
        %dma_start3A_177 = tpu.memref_slice %arg28[%mul3A_8] : memref<10240xf32, #tpu.memory_space<vmem_shared>> -> memref<640xf32, #tpu.memory_space<vmem_shared>>
        %dma_start3A_178 = tpu.memref_slice %arg28[%mul3A_8] : memref<10240xf32, #tpu.memory_space<vmem_shared>> -> memref<640xf32, #tpu.memory_space<vmem_shared>>
        tpu.enqueue_dma source(%dma_start3A_178 : memref<640xf32, #tpu.memory_space<vmem_shared>>) target(%arg24 : memref<640xf32, #tpu.memory_space<vmem>>) target_semaphore(%run_scoped3A_176 : memref<!tpu.dma_semaphore, #tpu.memory_space<semaphore_mem>>)
        %dma_wait3A_179 = tpu.memref_slice %arg28[%mul3A_8] : memref<10240xf32, #tpu.memory_space<vmem_shared>> -> memref<640xf32, #tpu.memory_space<vmem_shared>>
        %dma_wait3A_180 = tpu.memref_slice %arg28[%mul3A_8] : memref<10240xf32, #tpu.memory_space<vmem_shared>> -> memref<640xf32, #tpu.memory_space<vmem_shared>>
        tpu.wait_dma2 semaphore(%run_scoped3A_176 : memref<!tpu.dma_semaphore, #tpu.memory_space<semaphore_mem>>) src(%dma_wait3A_180 : memref<640xf32, #tpu.memory_space<vmem_shared>>) dst(%arg24 : memref<640xf32, #tpu.memory_space<vmem>>)
        tpu.yield
      }) : () -> ()
      "tpu.region"() ({
        %run_scoped3A_176 = tpu.sem_alloc : memref<!tpu.dma_semaphore, #tpu.memory_space<semaphore_mem>>
        %dma_start3A_177 = tpu.memref_slice %arg14[%mul3A_8] : memref<10240xf32, #tpu.memory_space<hbm>> -> memref<640xf32, #tpu.memory_space<hbm>>
        %dma_start3A_178 = tpu.memref_slice %arg14[%mul3A_8] : memref<10240xf32, #tpu.memory_space<hbm>> -> memref<640xf32, #tpu.memory_space<hbm>>
        tpu.enqueue_dma source(%arg24 : memref<640xf32, #tpu.memory_space<vmem>>) target(%dma_start3A_178 : memref<640xf32, #tpu.memory_space<hbm>>) target_semaphore(%run_scoped3A_176 : memref<!tpu.dma_semaphore, #tpu.memory_space<semaphore_mem>>)
        %dma_wait3A_179 = tpu.memref_slice %arg14[%mul3A_8] : memref<10240xf32, #tpu.memory_space<hbm>> -> memref<640xf32, #tpu.memory_space<hbm>>
        %dma_wait3A_180 = tpu.memref_slice %arg14[%mul3A_8] : memref<10240xf32, #tpu.memory_space<hbm>> -> memref<640xf32, #tpu.memory_space<hbm>>
        tpu.wait_dma2 semaphore(%run_scoped3A_176 : memref<!tpu.dma_semaphore, #tpu.memory_space<semaphore_mem>>) src(%arg24 : memref<640xf32, #tpu.memory_space<vmem>>) dst(%dma_wait3A_180 : memref<640xf32, #tpu.memory_space<hbm>>)
        tpu.yield
      }) : () -> ()
    } else {
    }
    return
  }
}

module attributes {stable_mosaic.version = 14 : i64} {
  func.func @_dense_body(%arg0: i32, %arg1: memref<1280x128xf32, #tpu.memory_space<vmem>>, %arg2: memref<1280x128xf32, #tpu.memory_space<vmem>>, %arg3: memref<2x1280x128xf32, #tpu.memory_space<vmem>>, %arg4: memref<1280x128xf32, #tpu.memory_space<vmem>>, %arg5: memref<1280x128xf32, #tpu.memory_space<vmem>>, %arg6: memref<1280x1xf32, #tpu.memory_space<vmem>>) attributes {dimension_semantics = [#tpu.dimension_semantics<arbitrary>], iteration_bounds = array<i64: 8>, scalar_prefetch = 0 : i64, scratch_operands = 0 : i64, tpu.core_type = #tpu.core_type<tc>, window_params = [{transform_indices = @transform_0, window_bounds = array<i64: 1280, 128>}, {transform_indices = @transform_1, window_bounds = array<i64: 1280, 128>}, {transform_indices = @transform_2, window_bounds = array<i64: 2, 1280, 128>}, {transform_indices = @transform_3, window_bounds = array<i64: 1280, 128>}, {transform_indices = @transform_4, window_bounds = array<i64: 1280, 128>}, {transform_indices = @transform_5, window_bounds = array<i64: 1280, 1>}]} {
    %get3A = arith.constant 0 : index
    %get3A_0 = arith.constant 0 : index
    %get3A_1 = vector.load %arg1[%get3A, %get3A_0] : memref<1280x128xf32, #tpu.memory_space<vmem>>, vector<1280x128xf32>
    %reduce_max3A = arith.constant dense<0xFF800000> : vector<1280xf32>
    %reduce_max3A_2 = vector.multi_reduction <maximumf>, %get3A_1, %reduce_max3A [1] : vector<1280x128xf32> to vector<1280xf32>
    %broadcast_in_dim3A = vector.shape_cast %reduce_max3A_2 : vector<1280xf32> to vector<1280x1xf32>
    %sub3A = vector.broadcast %broadcast_in_dim3A : vector<1280x1xf32> to vector<1280x128xf32>
    %sub3A_3 = arith.subf %get3A_1, %sub3A : vector<1280x128xf32>
    %exp3A = math.exp %sub3A_3 : vector<1280x128xf32>
    %reduce_sum3A = arith.constant dense<0.000000e+00> : vector<1280xf32>
    %reduce_sum3A_4 = vector.multi_reduction <add>, %exp3A, %reduce_sum3A [1] : vector<1280x128xf32> to vector<1280xf32>
    %broadcast_in_dim3A_5 = vector.shape_cast %reduce_sum3A_4 : vector<1280xf32> to vector<1280x1xf32>
    %div3A = vector.broadcast %broadcast_in_dim3A_5 : vector<1280x1xf32> to vector<1280x128xf32>
    %div3A_6 = arith.divf %exp3A, %div3A : vector<1280x128xf32>
    %sub3A_7 = vector.broadcast %broadcast_in_dim3A : vector<1280x1xf32> to vector<1280x128xf32>
    %sub3A_8 = arith.subf %get3A_1, %sub3A_7 : vector<1280x128xf32>
    %log3A = math.log %broadcast_in_dim3A_5 : vector<1280x1xf32>
    %sub3A_9 = vector.broadcast %log3A : vector<1280x1xf32> to vector<1280x128xf32>
    %sub3A_10 = arith.subf %sub3A_8, %sub3A_9 : vector<1280x128xf32>
    %get3A_11 = arith.constant 0 : index
    %get3A_12 = arith.constant 0 : index
    %get3A_13 = vector.load %arg2[%get3A_11, %get3A_12] : memref<1280x128xf32, #tpu.memory_space<vmem>>, vector<1280x128xf32>
    %reduce_max3A_14 = arith.constant dense<0xFF800000> : vector<1280xf32>
    %reduce_max3A_15 = vector.multi_reduction <maximumf>, %get3A_13, %reduce_max3A_14 [1] : vector<1280x128xf32> to vector<1280xf32>
    %broadcast_in_dim3A_16 = vector.shape_cast %reduce_max3A_15 : vector<1280xf32> to vector<1280x1xf32>
    %sub3A_17 = vector.broadcast %broadcast_in_dim3A_16 : vector<1280x1xf32> to vector<1280x128xf32>
    %sub3A_18 = arith.subf %get3A_13, %sub3A_17 : vector<1280x128xf32>
    %exp3A_19 = math.exp %sub3A_18 : vector<1280x128xf32>
    %reduce_sum3A_20 = arith.constant dense<0.000000e+00> : vector<1280xf32>
    %reduce_sum3A_21 = vector.multi_reduction <add>, %exp3A_19, %reduce_sum3A_20 [1] : vector<1280x128xf32> to vector<1280xf32>
    %broadcast_in_dim3A_22 = vector.shape_cast %reduce_sum3A_21 : vector<1280xf32> to vector<1280x1xf32>
    %div3A_23 = vector.broadcast %broadcast_in_dim3A_22 : vector<1280x1xf32> to vector<1280x128xf32>
    %div3A_24 = arith.divf %exp3A_19, %div3A_23 : vector<1280x128xf32>
    %sub3A_25 = vector.broadcast %broadcast_in_dim3A_16 : vector<1280x1xf32> to vector<1280x128xf32>
    %sub3A_26 = arith.subf %get3A_13, %sub3A_25 : vector<1280x128xf32>
    %log3A_27 = math.log %broadcast_in_dim3A_22 : vector<1280x1xf32>
    %sub3A_28 = vector.broadcast %log3A_27 : vector<1280x1xf32> to vector<1280x128xf32>
    %sub3A_29 = arith.subf %sub3A_26, %sub3A_28 : vector<1280x128xf32>
    %swap3A = arith.constant 0 : index
    %swap3A_30 = arith.constant 0 : index
    %swap3A_31 = vector.load %arg4[%swap3A, %swap3A_30] : memref<1280x128xf32, #tpu.memory_space<vmem>>, vector<1280x128xf32>
    tpu.vector_store %arg4[%swap3A, %swap3A_30], %sub3A_10 {strides = array<i32>} : memref<1280x128xf32, #tpu.memory_space<vmem>>, vector<1280x128xf32>,
    %swap3A_32 = arith.constant 0 : index
    %swap3A_33 = arith.constant 0 : index
    %swap3A_34 = vector.load %arg5[%swap3A_32, %swap3A_33] : memref<1280x128xf32, #tpu.memory_space<vmem>>, vector<1280x128xf32>
    tpu.vector_store %arg5[%swap3A_32, %swap3A_33], %sub3A_29 {strides = array<i32>} : memref<1280x128xf32, #tpu.memory_space<vmem>>, vector<1280x128xf32>,
    %swap3A_35 = arith.constant 0 : index
    %swap3A_36 = arith.constant 0 : index
    %swap3A_37 = arith.constant 0 : index
    %swap3A_38 = vector.load %arg3[%swap3A_35, %swap3A_36, %swap3A_37] : memref<2x1280x128xf32, #tpu.memory_space<vmem>>, vector<1x1280x128xf32>
    %swap3A_39 = vector.shape_cast %swap3A_38 : vector<1x1280x128xf32> to vector<1280x128xf32>
    %swap3A_40 = vector.shape_cast %div3A_6 : vector<1280x128xf32> to vector<1x1280x128xf32>
    tpu.vector_store %arg3[%swap3A_35, %swap3A_36, %swap3A_37], %swap3A_40 {strides = array<i32>} : memref<2x1280x128xf32, #tpu.memory_space<vmem>>, vector<1x1280x128xf32>,
    %swap3A_41 = arith.constant 1 : index
    %swap3A_42 = arith.constant 0 : index
    %swap3A_43 = arith.constant 0 : index
    %swap3A_44 = vector.load %arg3[%swap3A_41, %swap3A_42, %swap3A_43] : memref<2x1280x128xf32, #tpu.memory_space<vmem>>, vector<1x1280x128xf32>
    %swap3A_45 = vector.shape_cast %swap3A_44 : vector<1x1280x128xf32> to vector<1280x128xf32>
    %swap3A_46 = vector.shape_cast %div3A_24 : vector<1280x128xf32> to vector<1x1280x128xf32>
    tpu.vector_store %arg3[%swap3A_41, %swap3A_42, %swap3A_43], %swap3A_46 {strides = array<i32>} : memref<2x1280x128xf32, #tpu.memory_space<vmem>>, vector<1x1280x128xf32>,
    %mul3A = arith.mulf %div3A_6, %sub3A_10 : vector<1280x128xf32>
    %reduce_sum3A_47 = arith.constant dense<0.000000e+00> : vector<1280xf32>
    %reduce_sum3A_48 = vector.multi_reduction <add>, %mul3A, %reduce_sum3A_47 [1] : vector<1280x128xf32> to vector<1280xf32>
    %broadcast_in_dim3A_49 = vector.shape_cast %reduce_sum3A_48 : vector<1280xf32> to vector<1280x1xf32>
    %mul3A_50 = arith.mulf %div3A_24, %sub3A_29 : vector<1280x128xf32>
    %reduce_sum3A_51 = arith.constant dense<0.000000e+00> : vector<1280xf32>
    %reduce_sum3A_52 = vector.multi_reduction <add>, %mul3A_50, %reduce_sum3A_51 [1] : vector<1280x128xf32> to vector<1280xf32>
    %broadcast_in_dim3A_53 = vector.shape_cast %reduce_sum3A_52 : vector<1280xf32> to vector<1280x1xf32>
    %add3A = arith.addf %broadcast_in_dim3A_49, %broadcast_in_dim3A_53 : vector<1280x1xf32>
    %swap3A_54 = arith.constant 0 : index
    %swap3A_55 = arith.constant 0 : index
    %swap3A_56 = vector.load %arg6[%swap3A_54, %swap3A_55] : memref<1280x1xf32, #tpu.memory_space<vmem>>, vector<1280x1xf32>
    tpu.vector_store %arg6[%swap3A_54, %swap3A_55], %add3A {strides = array<i32>} : memref<1280x1xf32, #tpu.memory_space<vmem>>, vector<1280x1xf32>,
    return
  }
  func.func @transform_0(%arg0: i32) -> (i32, i32) {
    %c0_i32 = arith.constant 0 : i32
    %c0_i32_0 = arith.constant 0 : i32
    return %arg0, %c0_i32 : i32, i32
  }
  func.func @transform_1(%arg0: i32) -> (i32, i32) {
    %c0_i32 = arith.constant 0 : i32
    %c0_i32_0 = arith.constant 0 : i32
    return %arg0, %c0_i32 : i32, i32
  }
  func.func @transform_2(%arg0: i32) -> (i32, i32, i32) {
    %c0_i32 = arith.constant 0 : i32
    %c0_i32_0 = arith.constant 0 : i32
    %c0_i32_1 = arith.constant 0 : i32
    return %c0_i32, %arg0, %c0_i32_0 : i32, i32, i32
  }
  func.func @transform_3(%arg0: i32) -> (i32, i32) {
    %c0_i32 = arith.constant 0 : i32
    %c0_i32_0 = arith.constant 0 : i32
    return %arg0, %c0_i32 : i32, i32
  }
  func.func @transform_4(%arg0: i32) -> (i32, i32) {
    %c0_i32 = arith.constant 0 : i32
    %c0_i32_0 = arith.constant 0 : i32
    return %arg0, %c0_i32 : i32, i32
  }
  func.func @transform_5(%arg0: i32) -> (i32, i32) {
    %c0_i32 = arith.constant 0 : i32
    %c0_i32_0 = arith.constant 0 : i32
    return %arg0, %c0_i32 : i32, i32
  }
}

module attributes {stable_mosaic.version = 14 : i64} {
  func.func @_combine_body(%arg0: memref<2x10240x128xf32, #tpu.memory_space<vmem>>, %arg1: memref<10240x128xf32, #tpu.memory_space<vmem>>, %arg2: memref<10240x128xf32, #tpu.memory_space<vmem>>, %arg3: memref<10240x1xf32, #tpu.memory_space<vmem>>, %arg4: memref<10240x1xf32, #tpu.memory_space<vmem>>, %arg5: memref<10240x1xf32, #tpu.memory_space<vmem>>, %arg6: memref<10240x1xf32, #tpu.memory_space<vmem>>, %arg7: memref<1x1xf32, #tpu.memory_space<vmem>>) attributes {dimension_semantics = [], scalar_prefetch = 0 : i64, scratch_operands = 0 : i64, tpu.core_type = #tpu.core_type<tc>} {
    %get3A = arith.constant 0 : index
    %get3A_0 = arith.constant 0 : index
    %get3A_1 = vector.load %arg3[%get3A, %get3A_0] : memref<10240x1xf32, #tpu.memory_space<vmem>>, vector<10240x1xf32>
    %get3A_2 = arith.constant 0 : index
    %get3A_3 = arith.constant 0 : index
    %get3A_4 = arith.constant 0 : index
    %get3A_5 = vector.load %arg0[%get3A_2, %get3A_3, %get3A_4] : memref<2x10240x128xf32, #tpu.memory_space<vmem>>, vector<1x10240x128xf32>
    %get3A_6 = vector.shape_cast %get3A_5 : vector<1x10240x128xf32> to vector<10240x128xf32>
    %get3A_7 = arith.constant 0 : index
    %get3A_8 = arith.constant 0 : index
    %get3A_9 = vector.load %arg1[%get3A_7, %get3A_8] : memref<10240x128xf32, #tpu.memory_space<vmem>>, vector<10240x128xf32>
    %mul3A = arith.mulf %get3A_6, %get3A_9 : vector<10240x128xf32>
    %reduce_sum3A = arith.constant dense<0.000000e+00> : vector<10240xf32>
    %reduce_sum3A_10 = vector.multi_reduction <add>, %mul3A, %reduce_sum3A [1] : vector<10240x128xf32> to vector<10240xf32>
    %broadcast_in_dim3A = vector.shape_cast %reduce_sum3A_10 : vector<10240xf32> to vector<10240x1xf32>
    %sub3A = arith.subf %get3A_1, %broadcast_in_dim3A : vector<10240x1xf32>
    %get3A_11 = arith.constant 1 : index
    %get3A_12 = arith.constant 0 : index
    %get3A_13 = arith.constant 0 : index
    %get3A_14 = vector.load %arg0[%get3A_11, %get3A_12, %get3A_13] : memref<2x10240x128xf32, #tpu.memory_space<vmem>>, vector<1x10240x128xf32>
    %get3A_15 = vector.shape_cast %get3A_14 : vector<1x10240x128xf32> to vector<10240x128xf32>
    %get3A_16 = arith.constant 0 : index
    %get3A_17 = arith.constant 0 : index
    %get3A_18 = vector.load %arg2[%get3A_16, %get3A_17] : memref<10240x128xf32, #tpu.memory_space<vmem>>, vector<10240x128xf32>
    %mul3A_19 = arith.mulf %get3A_15, %get3A_18 : vector<10240x128xf32>
    %reduce_sum3A_20 = arith.constant dense<0.000000e+00> : vector<10240xf32>
    %reduce_sum3A_21 = vector.multi_reduction <add>, %mul3A_19, %reduce_sum3A_20 [1] : vector<10240x128xf32> to vector<10240xf32>
    %broadcast_in_dim3A_22 = vector.shape_cast %reduce_sum3A_21 : vector<10240xf32> to vector<10240x1xf32>
    %sub3A_23 = arith.subf %sub3A, %broadcast_in_dim3A_22 : vector<10240x1xf32>
    %get3A_24 = arith.constant 0 : index
    %get3A_25 = arith.constant 0 : index
    %get3A_26 = vector.load %arg6[%get3A_24, %get3A_25] : memref<10240x1xf32, #tpu.memory_space<vmem>>, vector<10240x1xf32>
    %gt3A = arith.constant 0.000000e+00 : f32
    %gt3A_27 = vector.broadcast %gt3A : f32 to vector<10240x1xf32>
    %gt3A_28 = arith.cmpf ogt, %get3A_26, %gt3A_27 : vector<10240x1xf32>
    %convert_element_type3A = arith.extui %gt3A_28 : vector<10240x1xi1> to vector<10240x1xi32>
    %convert_element_type3A_29 = arith.sitofp %convert_element_type3A : vector<10240x1xi32> to vector<10240x1xf32>
    %mul3A_30 = arith.mulf %convert_element_type3A_29, %sub3A_23 : vector<10240x1xf32>
    %reduce_sum3A_31 = vector.shape_cast %mul3A_30 : vector<10240x1xf32> to vector<1x10240x1xf32>
    %reduce_sum3A_32 = arith.constant dense<0.000000e+00> : vector<1xf32>
    %reduce_sum3A_33 = vector.multi_reduction <add>, %reduce_sum3A_31, %reduce_sum3A_32 [1, 2] : vector<1x10240x1xf32> to vector<1xf32>
    %reduce_sum3A_34 = vector.shape_cast %reduce_sum3A_33 : vector<1xf32> to vector<1x1x1xf32>
    %reduce_sum3A_35 = vector.extract %reduce_sum3A_34[0, 0, 0] : f32 from vector<1x1x1xf32>
    %get3A_36 = arith.constant 0 : index
    %get3A_37 = arith.constant 0 : index
    %get3A_38 = vector.load %arg4[%get3A_36, %get3A_37] : memref<10240x1xf32, #tpu.memory_space<vmem>>, vector<10240x1xf32>
    %mul3A_39 = arith.mulf %convert_element_type3A_29, %get3A_38 : vector<10240x1xf32>
    %reduce_sum3A_40 = vector.shape_cast %mul3A_39 : vector<10240x1xf32> to vector<1x10240x1xf32>
    %reduce_sum3A_41 = arith.constant dense<0.000000e+00> : vector<1xf32>
    %reduce_sum3A_42 = vector.multi_reduction <add>, %reduce_sum3A_40, %reduce_sum3A_41 [1, 2] : vector<1x10240x1xf32> to vector<1xf32>
    %reduce_sum3A_43 = vector.shape_cast %reduce_sum3A_42 : vector<1xf32> to vector<1x1x1xf32>
    %reduce_sum3A_44 = vector.extract %reduce_sum3A_43[0, 0, 0] : f32 from vector<1x1x1xf32>
    %get3A_45 = arith.constant 0 : index
    %get3A_46 = arith.constant 0 : index
    %get3A_47 = vector.load %arg5[%get3A_45, %get3A_46] : memref<10240x1xf32, #tpu.memory_space<vmem>>, vector<10240x1xf32>
    %gt3A_48 = arith.constant 0.000000e+00 : f32
    %gt3A_49 = vector.broadcast %gt3A_48 : f32 to vector<10240x1xf32>
    %gt3A_50 = arith.cmpf ogt, %get3A_47, %gt3A_49 : vector<10240x1xf32>
    %convert_element_type3A_51 = arith.extui %gt3A_50 : vector<10240x1xi1> to vector<10240x1xi32>
    %convert_element_type3A_52 = arith.sitofp %convert_element_type3A_51 : vector<10240x1xi32> to vector<10240x1xf32>
    %mul3A_53 = arith.mulf %convert_element_type3A_29, %convert_element_type3A_52 : vector<10240x1xf32>
    %reduce_sum3A_54 = vector.shape_cast %mul3A_53 : vector<10240x1xf32> to vector<1x10240x1xf32>
    %reduce_sum3A_55 = arith.constant dense<0.000000e+00> : vector<1xf32>
    %reduce_sum3A_56 = vector.multi_reduction <add>, %reduce_sum3A_54, %reduce_sum3A_55 [1, 2] : vector<1x10240x1xf32> to vector<1xf32>
    %reduce_sum3A_57 = vector.shape_cast %reduce_sum3A_56 : vector<1xf32> to vector<1x1x1xf32>
    %reduce_sum3A_58 = vector.extract %reduce_sum3A_57[0, 0, 0] : f32 from vector<1x1x1xf32>
    %max3A = arith.constant 1.000000e+00 : f32
    %max3A_59 = arith.maximumf %reduce_sum3A_44, %max3A : f32
    %gt3A_60 = arith.constant 0.000000e+00 : f32
    %gt3A_61 = arith.cmpf ogt, %reduce_sum3A_44, %gt3A_60 : f32
    %div3A = arith.divf %reduce_sum3A_35, %max3A_59 : f32
    %mul3A_62 = arith.mulf %div3A, %reduce_sum3A_58 : f32
    %div3A_63 = arith.constant 5.000000e+03 : f32
    %div3A_64 = arith.divf %mul3A_62, %div3A_63 : f32
    %jit3A = arith.constant 0.000000e+00 : f64
    %convert_element_type3A_65 = arith.truncf %jit3A : f64 to f32
    %select_n3A = arith.select %gt3A_61, %div3A_64, %convert_element_type3A_65 : f32
    %reshape3A = vector.broadcast %select_n3A : f32 to vector<1x1xf32>
    %swap3A = arith.constant 0 : index
    %swap3A_66 = arith.constant 0 : index
    %swap3A_67 = vector.load %arg7[%swap3A, %swap3A_66] : memref<1x1xf32, #tpu.memory_space<vmem>>, vector<1x1xf32>
    tpu.vector_store %arg7[%swap3A, %swap3A_66], %reshape3A {strides = array<i32>} : memref<1x1xf32, #tpu.memory_space<vmem>>, vector<1x1xf32>,
    return
  }
}

</mosaic_0001>

<sc_bundles>
// kernel: kernel.5.cloned.1.call-start
scs
__scs_entry_jumppad:
0x0: {  	(pc) =	sbr.rel $0x88, $3  }
0x1: {  	(tag) =	ssettag $0x0;
	lr =	simm.s32 $0x1  }
0x2: {  	[smem:$0x3F9C] =	sst lr;
	_ =	strace $0xD0000000  }
0x3: {  	_ = 	snop  }
0x4: {  	_ = 	snop  }
0x5: {  	_ = 	snop  }
0x6: {  	_ = 	snop  }
0x7: {  	_ = 	snop  }
__scs_overlays_trampoline_lowered:
0x8: {  	[smem:$0x3FAB] =	sst s0  }
0x9: {  	[smem:$0x3FAC] =	sst s1  }
0xa: {  	[smem:$0x3FAD] =	sst s2  }
0xb: {  	[smem:$0x3FAE] =	sst s3  }
0xc: {  	[smem:$0x3FAF] =	sst s4  }
0xd: {  	[smem:$0x3FB0] =	sst s5  }
0xe: {  	[smem:$0x3FB1] =	sst s6  }
0xf: {  	[smem:$0x3FB2] =	sst s7  }
0x10: {  	[smem:$0x3FB3] =	sst s8  }
0x11: {  	[smem:$0x3FB4] =	sst s9;
	s0 =	simm.s32 @!p0 $0x0  }
0x12: {  	s1 =	sld [smem:$0x3F9A];
	s0 =	simm.s32 @p0 $0x1  }
0x13: {  	[smem:$0x3FB5] =	sst s0;
	s0 =	simm.s32 @!p1 $0x0  }
0x14: {  	s2 =	sld [smem:$0x3F99];
	s0 =	simm.s32 @p1 $0x1  }
0x15: {  	[smem:$0x3FB6] =	sst s0;
	s0 =	simm.s32 @!p2 $0x0  }
0x16: {  	s3 =	sld [smem:$0x3FDB];
	s0 =	simm.s32 @p2 $0x1  }
0x17: {  	s4 =	simm.s32 $0x1BF5;
	[smem:$0x3FB8] =	sst s0  }
0x18: {  	s0 =	sld [smem:$0x3F9B];
	_ =	swait.ge [sflag:s4], $0x0  }
0x19: {  	s7 =	sld [smem:$0x3F9C]  }
0x1a: {  	s8 =	sadd.s32 $0xFFFFE003, lr  }
0x1b: {  	s9 =	sadd.s32 $0xFFFFFEF7, lr;
	s5 =	simm.s32 $0xFFFFFFFF;
	p2 =	slt.u32 s8, $0xFFFFF086  }
0x1c: {  	p1 =	slt.u32 s9, $0xF7A;
	s5 =	simm.s32 @!p2 $0x0  }
0x1d: {  	s5 =	simm.s32 @p1 $0x1;
	p0 =	seq.s32 s7, s2  }
0x1e: {  	s7 =	smul.u32 @!p0 $0xF7A, s2;
	p2 =	seq.s32 @!p0 s5, $0x0  }
0x1f: {  	s9 =	smul.u32 $0xF7A, s1;
	s8 =	simm.s32 @!p0 $0x1BF5;
	p2 =	por !p2, p0  }
0x20: {  	[sflag:s8] =	ssyncset.s32 @!p0 $0xFFFFF086;
	s6 =	sadd.s32 @!p0 s3, s7;
	s7 =	simm.s32 @!p0 $0x108  }
0x21: {  	s3 =	sadd.s32 s3, s9;
	s6 =	sadd.s32 @!p0 $0x88, s6;
	s7 =	simm.s32 @p2 $0x1082  }
0x22: {  	[simem:s7], [sflag:s8] =	dma.local @!p0 [hbm:s6], $0xF7A  }
0x23: {  	s9 =	sor.u32 $0xD0000000, s2;
	s6 =	simm.s32 $0x108;
	_ =	swait.ge @!p0 [sflag:s8], $0x0  }
0x24: {  	s3 =	sadd.s32 $0x88, s3;
	s6 =	simm.s32 @!p1 $0x1082;
	[sflag:s4] =	ssyncset.s32 $0xFFFFF086  }
0x25: {  	[simem:s6], [sflag:s4] =	dma.local [hbm:s3], $0xF7A  }
0x26: {  	[smem:$0x3F9C] =	sst s1;
	(tag) =	ssettag s2;
	_ =	strace s9  }
0x27: {  	s1 =	sld [smem:$0x3FAC]  }
0x28: {  	s2 =	sld [smem:$0x3FAD]  }
0x29: {  	s4 =	sld [smem:$0x3FAF]  }
0x2a: {  	p0 =	seq.s32 s5, $0x0;
	s5 =	sld [smem:$0x3FB0]  }
0x2b: {  	s6 =	sld [smem:$0x3FB1]  }
0x2c: {  	s7 =	sld [smem:$0x3FB2]  }
0x2d: {  	s3 =	simm.s32 $0x108;
	s8 =	sld [smem:$0x3FB3]  }
0x2e: {  	s3 =	simm.s32 @!p0 $0x1082;
	s9 =	sld [smem:$0x3FB4]  }
0x2f: {  	lr =	sadd.s32 s0, s3;
	s0 =	sld [smem:$0x3FAB]  }
0x30: {  	s3 =	sld [smem:$0x3FAE]  }
0x31: {  	[smem:$0x3FB7] =	sst s10  }
0x32: {  	s10 =	sld [smem:$0x3FB5];
	_ =	sdelay $0x3  }
0x33: {  	p0 =	seq.s32 s10, $0x1;
	s10 =	sld [smem:$0x3FB7];
	_ =	sdelay $0x3  }
0x34: {  	[smem:$0x3FB7] =	sst s10  }
0x35: {  	s10 =	sld [smem:$0x3FB6];
	_ =	sdelay $0x3  }
0x36: {  	p1 =	seq.s32 s10, $0x1;
	s10 =	sld [smem:$0x3FB7];
	_ =	sdelay $0x3  }
0x37: {  	[smem:$0x3FB7] =	sst s10  }
0x38: {  	s10 =	sld [smem:$0x3FB8]  }
0x39: {  	_ = 	snop;
	(pc) =	sbr.ind lr, $3  }
0x3a: {  	_ = 	snop  }
0x3b: {  	_ = 	snop  }
0x3c: {  	p2 =	seq.s32 s10, $0x1;
	s10 =	sld [smem:$0x3FB7]  }
0x3d: {  	_ =	shalt  }
0x3e: {  	_ =	shalt  }
0x3f: {  	_ =	shalt  }
0x40: {  	_ =	shalt  }
0x41: {  	_ =	shalt  }
0x42: {  	_ =	shalt  }
0x43: {  	_ =	shalt  }
0x44: {  	_ =	shalt  }
0x45: {  	_ =	shalt  }
0x46: {  	_ =	shalt  }
0x47: {  	_ =	shalt  }
0x48: {  	_ =	shalt  }
0x49: {  	_ =	shalt  }
0x4a: {  	_ =	shalt  }
0x4b: {  	_ =	shalt  }
0x4c: {  	_ =	shalt  }
0x4d: {  	_ =	shalt  }
0x4e: {  	_ =	shalt  }
0x4f: {  	_ =	shalt  }
0x50: {  	_ =	shalt  }
0x51: {  	_ =	shalt  }
0x52: {  	_ =	shalt  }
0x53: {  	_ =	shalt  }
0x54: {  	_ =	shalt  }
0x55: {  	_ =	shalt  }
0x56: {  	_ =	shalt  }
0x57: {  	_ =	shalt  }
0x58: {  	_ =	shalt  }
0x59: {  	_ =	shalt  }
0x5a: {  	_ =	shalt  }
0x5b: {  	_ =	shalt  }
0x5c: {  	_ =	shalt  }
0x5d: {  	_ =	shalt  }
0x5e: {  	_ =	shalt  }
0x5f: {  	_ =	shalt  }
0x60: {  	_ =	shalt  }
0x61: {  	_ =	shalt  }
0x62: {  	_ =	shalt  }
0x63: {  	_ =	shalt  }
0x64: {  	_ =	shalt  }
0x65: {  	_ =	shalt  }
0x66: {  	_ =	shalt  }
0x67: {  	_ =	shalt  }
0x68: {  	_ =	shalt  }
0x69: {  	_ =	shalt  }
0x6a: {  	_ =	shalt  }
0x6b: {  	_ =	shalt  }
0x6c: {  	_ =	shalt  }
0x6d: {  	_ =	shalt  }
0x6e: {  	_ =	shalt  }
0x6f: {  	_ =	shalt  }
0x70: {  	_ =	shalt  }
0x71: {  	_ =	shalt  }
0x72: {  	_ =	shalt  }
0x73: {  	_ =	shalt  }
0x74: {  	_ =	shalt  }
0x75: {  	_ =	shalt  }
0x76: {  	_ =	shalt  }
0x77: {  	_ =	shalt  }
0x78: {  	_ =	shalt  }
0x79: {  	_ =	shalt  }
0x7a: {  	_ =	shalt  }
0x7b: {  	_ =	shalt  }
0x7c: {  	_ =	shalt  }
0x7d: {  	_ =	shalt  }
0x7e: {  	_ =	shalt  }
0x7f: {  	_ =	shalt  }
0x80: {  	_ =	shalt  }
0x81: {  	_ =	shalt  }
0x82: {  	_ =	shalt  }
0x83: {  	_ =	shalt  }
0x84: {  	_ =	shalt  }
0x85: {  	_ =	shalt  }
0x86: {  	_ =	shalt  }
0x87: {  	_ =	shalt  }
.Lfunc_end0:
.L_simem_size_0:
called_computation_lowered:
.L_overlay_start_0:
0x88: {  	s2 =	sld [smem:$0x3FD9]  }
0x89: {  	s3 =	sld [smem:$0x3FFE];
	_ =	sdelay $0x1  }
0x8a: {  	s1 =	srdreg.scid  }
0x8b: {  	s0 =	sand.u32 $0x1, s1  }
0x8c: {  	s17 =	sshll.u32 s0, $0xA;
	s2 =	sadd.s32 s3, s2  }
0x8d: {  	s2 =	sadd.s32 s2, s17  }
0x8e: {  	[smem:$0x3FC3] =	sst s2  }
0x8f: {  	_ = 	snop  }
0x90: {  	s2 =	sld [smem:$0x3FD0];
	(tm) =	ssettm $0x1  }
0x91: {  	s18 =	sld [smem:$0x3FFB];
	_ =	sdelay $0x3  }
0x92: {  	_ =	strace s18  }
0x93: {  	s3 =	sld [smem:$0x3FFC];
	_ =	sdelay $0x3  }
0x94: {  	_ =	strace s3  }
0x95: {  	s3 =	sld [smem:$0x3FFD];
	_ =	sdelay $0x3  }
0x96: {  	_ =	strace s3  }
0x97: {  	_ =	strace $0x8FFFFFFF  }
0x98: {  	s19 =	sld [smem:$0x3FDB];
	_ =	sdelay $0x1  }
0x99: {  	s4 =	simm.s32 $_scs_section_size  }
0x9a: {  	s5 =	simm.s32 $_size__tile_overlayer_lowered;
	s6 =	simm.s32 $_tile_overlayer_lowered  }
0x9b: {  	s22 =	simm.s32 $0x1BFF;
	s21 =	sshll.u32 s6, $0x1;
	s3 =	sadd.s32 s4, s19  }
0x9c: {  	s7 =	simm.s32 $0x0;
	s20 =	sshll.u32 s5, $0x1;
	s5 =	sadd.s32 s21, s3  }
0x9d: {  	[timem:s7], [sflag:s22] =	dma.local [hbm:s5], s20  }
0x9e: {  	_ =	swait.ge [sflag:s22], s20  }
0x9f: {  	s4 =	ssub.s32 $0x0, s20;
	[sflag:s22] =	ssyncset.done $0x0  }
0xa0: {  	[sflag:s22] =	ssyncadd.s32 s4;
	_ =	sdelay $0x1  }
0xa1: {  	s23 =	simm.s32 $0x1B8B  }
0xa2: {  	_ =	swait.ge [sflag:s23], $0x1  }
0xa3: {  	[sflag:s23] =	ssyncset.done $0x0  }
0xa4: {  	s25 =	simm.s32 $0x1B8E;
	s24 =	sld [smem:$0x3FFE];
	[sflag:s23] =	ssyncadd.s32 $0xFFFFFFFF  }
0xa5: {  	s26 =	simm.s32 $execute0_lowered;
	[smem:$0x3FD2] =	sst s25  }
0xa6: {  	s5 =	sshll.u32 s26, $0x1;
	_ =	strace $0x80000046;
	[dreg:$0x1] =	wrdreg $0xFFFFFFFF  }
0xa7: {  	s28 =	simm.s32 $_size_execute0_lowered;
	s3 =	sadd.s32 s3, s5;
	[dreg:$0x0] =	wrdreg $0x0  }
0xa8: {  	s5 =	sshll.u32 s28, $0x1;
	[dreg:$0x2] =	wrdreg s3  }
0xa9: {  	[dreg:$0x3] =	wrdreg s5  }
0xaa: {  	[dreg:$0x4] =	wrdreg $0xC0  }
0xab: {  	_ =	task [dreg:s7], $0x5FFFF  }
0xac: {  	[dreg:$0x1] =	wrdreg $0xFFFFFFFF  }
0xad: {  	[dreg:$0x0] =	wrdreg $0x60  }
0xae: {  	[dreg:$0x2] =	wrdreg s24  }
0xaf: {  	[dreg:$0x3] =	wrdreg s2  }
0xb0: {  	[dreg:$0x4] =	wrdreg $0x9E000  }
0xb1: {  	[dreg:$0x5] =	wrdreg $0x1DE000  }
0xb2: {  	[dreg:$0x6] =	wrdreg $0x1E0800  }
0xb3: {  	[dreg:$0x7] =	wrdreg $0x1E3000  }
0xb4: {  	[dreg:$0x8] =	wrdreg $0x1E5800  }
0xb5: {  	[dreg:$0x9] =	wrdreg $0x9  }
0xb6: {  	_ =	task.clear_ibuf [dreg:s7], $0xAFFFF;
	_ =	strace $0x90000046  }
0xb7: {  	s29 =	simm.s32 $0x9;
	_ =	strace $0x80000048  }
0xb8: {  	_ =	swait.ge [sflag:s29], $0x1  }
0xb9: {  	[sflag:s29] =	ssyncadd.s32 $0xFFFFFFFF  }
0xba: {  	_ =	strace $0x90000048  }
0xbb: {  	_ =	sfence  }
0xbc: {  	s30 =	sld [smem:$0x0];
	_ =	sdelay $0x2  }
0xbd: {  	s31 =	sshll.u32 s1, $0xD;
	s1 =	sshrl.u32 s1, $0x2  }
0xbe: {  	s3 =	sand.u32 $0x4000, s31;
	s1 =	sadd.s32 s1, s30  }
0xbf: {  	s0 =	sor.u32 s3, s0;
	s1 =	sshll.u32 s1, $0x11  }
0xc0: {  	s0 =	sor.u32 s1, s0  }
0xc1: {  	s0 =	sadd.s32 $0x8F2B, s0  }
0xc2: {  	[sflag:s0] =	ssyncadd.remote.s32 $0x1  }
0xc3: {  	_ =	sfence.sel $0xFFFF  }
0xc4: {  	[dreg:$0x0] =	wrdreg $0xFFFFFFFF;
	(pc) =	sbr.abs _section_cstart, $3  }
0xc5: {  	[dreg:$0x1] =	wrdreg $0xFFFFFFFF  }
0xc6: {  	_ =	task.clear_ibuf [dreg:s7], $0x2FFFF;
	_ =	strace $0x9FFFFFFF  }
0xc7: {  	(tm) =	ssettm $0x7FFFFFFF  }
tec
execute0_lowered:
.L_overlay_start_1:
0x0: {  	(tag) =	ssettag $0x1  }
0x1: {  	s0 =	rddreg [dreg:$0x0]  }
0x2: {  	s2 =	rddreg [dreg:$0x2];
	s20 =	stileid.u32  }
0x3: {  	s1 =	srdreg.scid;
	s8 =	smul.u32 $0xA0, s20  }
0x4: {  	s3 =	rddreg [dreg:$0x3];
	s6 =	sand.u32 $0x1, s1;
	s1 =	smul.u32 $0x280, s20  }
0x5: {  	s4 =	rddreg [dreg:$0x4];
	s15 =	smul.u32 $0x14000, s20  }
0x6: {  	s5 =	rddreg [dreg:$0x5];
	s18 =	smul.u32 $0xA00, s20  }
0x7: {  	s7 =	sadd.s32 $0x1200, s0;
	s9 =	sadd.s32 $0x78800, s0;
	s11 =	smul.u32 $0xA00, s6  }
0x8: {  	s10 =	sadd.s32 $0x15200, s0;
	s13 =	ssub.s32 $0x2, s6;
	s22 =	smul.u32 $0x140000, s6  }
0x9: {  	s12 =	sadd.s32 $0x82800, s0;
	s17 =	smul.u32 $0xA000, s6;
	s14 =	sshrl.u32 s13, $0x1  }
0xa: {  	s16 =	sshll.u32 s1, $0x7;
	s19 =	sor.u32 $0x10, s18;
	s8 =	sadd.s32 s8, s11  }
0xb: {  	s14 =	ssub.s32 s13, s14;
	s23 =	sadd.s32 s22, s15;
	s8 =	sshll.u32 s8, $0x4  }
0xc: {  	s21 =	sadd.s32 $0x8000, s16;
	s13 =	sshrl.u32 s23, $0x3;
	s25 =	sadd.s32 s7, s8  }
0xd: {  	s8 =	sadd.s32 $0x4000, s16;
	s13 =	sadd.s32 s12, s13;
	s7 =	sadd.s32 s17, s7  }
0xe: {  	s17 =	simm.s32 $0x0;
	s24 =	sadd.s32 s22, s8;
	[dreg:$0x9] =	wrdreg s13  }
0xf: {  	[smem:$0x7FF] =	sst s17;
	s15 =	sshrl.u32 s24, $0x3;
	s24 =	sadd.s32 $0x10000, s16  }
0x10: {  	s26 =	sadd.s32 s12, s15;
	s15 =	sadd.s32 s22, s21;
	s11 =	sadd.s32 s22, s24  }
0x11: {  	[dreg:$0xa] =	wrdreg s26;
	s13 =	sshrl.u32 s15, $0x3;
	s15 =	sadd.s32 $0xC000, s16  }
0x12: {  	s11 =	sshrl.u32 s11, $0x3;
	s26 =	sadd.s32 $0x1F200, s0;
	s13 =	sadd.s32 s12, s13  }
0x13: {  	s16 =	sadd.s32 s22, s15;
	s11 =	sadd.s32 s12, s11;
	[dreg:$0xb] =	wrdreg s13  }
0x14: {  	s13 =	sshrl.u32 s16, $0x3;
	[dreg:$0xd] =	wrdreg s11;
	s11 =	sadd.s32 s10, s19  }
0x15: {  	s16 =	sadd.s32 s10, s18;
	s10 =	rddreg [dreg:$0x6];
	s13 =	sadd.s32 s12, s13  }
0x16: {  	s12 =	sadd.s32 s9, s19;
	s31 =	sadd.s32 s1, s10;
	[dreg:$0xc] =	wrdreg s13  }
0x17: {  	s10 =	smax.u32 s14, $0x1;
	_ =	strace $0x80000047;
	[dreg:$0x11] =	wrdreg s26  }
0x18: {  	s19 =	sadd.s32 s18, s7;
	s14 =	sadd.s32 s8, s2;
	[dreg:$0x1b] =	wrdreg s10  }
0x19: {  	s13 =	sadd.s32 s9, s18;
	s18 =	sadd.s32 s21, s2;
	[dreg:$0x1c] =	wrdreg s14  }
0x1a: {  	s28 =	simm.s32 $0x0;
	s21 =	sadd.s32 s15, s2;
	[dreg:$0x1d] =	wrdreg s18  }
0x1b: {  	p1 =	sne.s32 s6, $0x0;
	s24 =	sadd.s32 s24, s2;
	[dreg:$0x1e] =	wrdreg s21  }
0x1c: {  	s29 =	sadd.s32 s1, s4;
	s30 =	sadd.s32 s1, s5;
	[dreg:$0x1f] =	wrdreg s24  }
0x1d: {  	s22 =	sor.u32 s20, s6;
	s11 =	smov.u32 @p1 s12;
	[dreg:$0xe] =	wrdreg s12  }
0x1e: {  	s23 =	sshrl.u32 s1, $0x3;
	p0 =	sne.s32 s22, $0x0;
	[dreg:$0xf] =	wrdreg s11  }
0x1f: {  	s22 =	sadd.s32 $0x28800, s0;
	s7 =	sadd.s32 $0x22400, s0;
	[dreg:$0x8] =	wrdreg s25  }
0x20: {  	s9 =	sadd.s32 $0x23600, s0;
	s15 =	simm.s32 $0x700;
	[dreg:$0x16] =	wrdreg s29  }
0x21: {  	s9 =	smov.u32 @p1 s7;
	s7 =	sadd.s32 s23, s0;
	[dreg:$0x17] =	wrdreg s30  }
0x22: {  	s25 =	sadd.s32 $0x10, s25;
	s21 =	simm.s32 $0x9B00;
	[dreg:$0x18] =	wrdreg s31  }
0x23: {  	s14 =	simm.s32 $0x8;
	s9 =	sadd.s32 s9, s23;
	[smem:$0x7FD] =	sst s25  }
0x24: {  	[dreg:$0x10] =	wrdreg s9;
	s9 =	smul.u32 $0x50000, s20;
	s20 =	sadd.s32 $0x1F600, s0  }
0x25: {  	s23 =	sadd.s32 $0x800, s0;
	s0 =	sadd.s32 $0x21E00, s0;
	[dreg:$0x12] =	wrdreg s20  }
0x26: {  	s24 =	simm.s32 $0x80;
	[dreg:$0x13] =	wrdreg s0;
	s26 =	sshrl.u32 s9, $0x2  }
.Ltmp0:
0x27: {  	s9 =	sadd.s32 $0x22A00, s7;
	s20 =	sadd.s32 s26, s2;
	(pc) =	sbr.rel .LBB2_1-.Ltmp0, $4  }
0x28: {  	s26 =	sadd.s32 s1, s3;
	s1 =	sadd.s32 $0x23000, s7;
	[dreg:$0x1a] =	wrdreg s9  }
0x29: {  	s10 =	simm.s32 $0x4700;
	s11 =	simm.s32 $0x1;
	[dreg:$0x19] =	wrdreg s1  }
0x2a: {  	s25 =	simm.s32 $0x4;
	s0 =	simm.s32 $0x5;
	[dreg:$0x14] =	wrdreg s20  }
0x2b: {  	s9 =	simm.s32 $0x2;
	s1 =	simm.s32 $0x6;
	[dreg:$0x15] =	wrdreg s26  }
.LBB2_22:
0x2c: {  	_ =	swait.ge [sflag:s0], $0x4000  }
0x2d: {  	[sflag:s0] =	ssyncset.done $0x0  }
0x2e: {  	[sflag:s0] =	ssyncadd.s32 $0xFFFFC000  }
0x2f: {  	_ =	swait.ge [sflag:s0], $0x80  }
0x30: {  	[sflag:s0] =	ssyncset.done $0x0  }
0x31: {  	s7 =	simm.s32 @p1 $0x6;
	[sflag:s0] =	ssyncadd.s32 $0xFFFFFF80  }
0x32: {  	_ =	swait.ge @p1 [sflag:s7], $0x4000  }
0x33: {  	[sflag:s7] =	ssyncset.done @p1 $0x0  }
0x34: {  	[sflag:s7] =	ssyncadd.s32 @p1 $0xFFFFC000;
	s7 =	simm.s32 @!p1 $0x5  }
0x35: {  	_ =	swait.ge @!p1 [sflag:s7], $0x80  }
0x36: {  	[sflag:s7] =	ssyncset.done @!p1 $0x0  }
0x37: {  	[sflag:s7] =	ssyncadd.s32 @!p1 $0xFFFFFF80;
	s7 =	simm.s32 @!p1 $0x6  }
0x38: {  	_ =	swait.ge @!p1 [sflag:s7], $0x4000  }
0x39: {  	[sflag:s7] =	ssyncset.done @!p1 $0x0  }
0x3a: {  	[sflag:s7] =	ssyncadd.s32 @!p1 $0xFFFFC000  }
0x3b: {  	_ =	swait.ge @!p1 [sflag:s7], $0x80  }
0x3c: {  	[sflag:s7] =	ssyncset.done @!p1 $0x0  }
0x3d: {  	[sflag:s7] =	ssyncadd.s32 @!p1 $0xFFFFFF80  }
0x3e: {  	_ =	swait.ge [sflag:s1], $0x80  }
0x3f: {  	[sflag:s1] =	ssyncset.done $0x0  }
0x40: {  	s7 =	simm.s32 @!p0 $0x7;
	[sflag:s1] =	ssyncadd.s32 $0xFFFFFF80  }
0x41: {  	_ =	swait.ge @!p0 [sflag:s7], $0x1400  }
0x42: {  	[sflag:s7] =	ssyncset.done @!p0 $0x0  }
0x43: {  	[sflag:s7] =	ssyncadd.s32 @!p0 $0xFFFFEC00  }
0x44: {  	[bflag:$0x0] =	sbarrier.arrive $0xFFFF  }
0x45: {  	s20 =	rddreg [dreg:$0x14]  }
0x46: {  	[tilespmem:s15], [sflag:$0x8] =	stream.linear.gather [spmem:s20], $0x4000, $0x38;
	[tilespmem:$0x1E800] =	vst v63  }
0x47: {  	_ =	swait.ge [sflag:s14], $0x4000  }
0x48: {  	[sflag:s14] =	ssyncset.done $0x0  }
0x49: {  	s12 =	rddreg [dreg:$0x9];
	[sflag:s14] =	ssyncadd.s32 $0xFFFFC000  }
0x4a: {  	[hbm4b:s12+s17] =	stream.linear.scatter [tilespmem:s15], [sflag:$0x8], $0x4000, $0x38;
	[tilespmem:$0x1E800] =	vst v63  }
0x4b: {  	_ =	swait.ge [sflag:s14], $0x4000  }
0x4c: {  	[sflag:s14] =	ssyncset.done $0x0  }
0x4d: {  	s18 =	rddreg [dreg:$0x1c];
	[sflag:s14] =	ssyncadd.s32 $0xFFFFC000  }
0x4e: {  	[tilespmem:s15], [sflag:$0x8] =	stream.linear.gather [spmem:s18], $0x4000, $0x38;
	[tilespmem:$0x1E800] =	vst v63  }
0x4f: {  	_ =	swait.ge [sflag:s14], $0x4000  }
0x50: {  	[sflag:s14] =	ssyncset.done $0x0  }
0x51: {  	s26 =	rddreg [dreg:$0xa];
	[sflag:s14] =	ssyncadd.s32 $0xFFFFC000  }
0x52: {  	[hbm4b:s26+s17] =	stream.linear.scatter [tilespmem:s15], [sflag:$0x8], $0x4000, $0x38;
	[tilespmem:$0x1E800] =	vst v63  }
0x53: {  	_ =	swait.ge [sflag:s14], $0x4000  }
0x54: {  	[sflag:s14] =	ssyncset.done $0x0  }
0x55: {  	s8 =	rddreg [dreg:$0x1d];
	[sflag:s14] =	ssyncadd.s32 $0xFFFFC000  }
0x56: {  	[tilespmem:s15], [sflag:$0x8] =	stream.linear.gather [spmem:s8], $0x4000, $0x38;
	[tilespmem:$0x1E800] =	vst v63  }
0x57: {  	_ =	swait.ge [sflag:s14], $0x4000  }
0x58: {  	[sflag:s14] =	ssyncset.done $0x0  }
0x59: {  	s12 =	rddreg [dreg:$0xb];
	[sflag:s14] =	ssyncadd.s32 $0xFFFFC000  }
0x5a: {  	[hbm4b:s12+s17] =	stream.linear.scatter [tilespmem:s15], [sflag:$0x8], $0x4000, $0x38;
	[tilespmem:$0x1E800] =	vst v63  }
0x5b: {  	_ =	swait.ge [sflag:s14], $0x4000  }
0x5c: {  	[sflag:s14] =	ssyncset.done $0x0  }
0x5d: {  	s18 =	rddreg [dreg:$0x1e];
	[sflag:s14] =	ssyncadd.s32 $0xFFFFC000  }
0x5e: {  	[tilespmem:s15], [sflag:$0x8] =	stream.linear.gather [spmem:s18], $0x4000, $0x38;
	[tilespmem:$0x1E800] =	vst v63  }
0x5f: {  	_ =	swait.ge [sflag:s14], $0x4000  }
0x60: {  	[sflag:s14] =	ssyncset.done $0x0  }
0x61: {  	s26 =	rddreg [dreg:$0xc];
	[sflag:s14] =	ssyncadd.s32 $0xFFFFC000  }
0x62: {  	[hbm4b:s26+s17] =	stream.linear.scatter [tilespmem:s15], [sflag:$0x8], $0x4000, $0x38;
	[tilespmem:$0x1E800] =	vst v63  }
0x63: {  	_ =	swait.ge [sflag:s14], $0x4000  }
0x64: {  	[sflag:s14] =	ssyncset.done $0x0  }
0x65: {  	s8 =	rddreg [dreg:$0x1f];
	[sflag:s14] =	ssyncadd.s32 $0xFFFFC000  }
0x66: {  	[tilespmem:s15], [sflag:$0x8] =	stream.linear.gather [spmem:s8], $0x4000, $0x38;
	[tilespmem:$0x1E800] =	vst v63  }
0x67: {  	_ =	swait.ge [sflag:s14], $0x4000  }
0x68: {  	[sflag:s14] =	ssyncset.done $0x0  }
0x69: {  	s12 =	rddreg [dreg:$0xd];
	[sflag:s14] =	ssyncadd.s32 $0xFFFFC000  }
0x6a: {  	[hbm4b:s12+s17] =	stream.linear.scatter [tilespmem:s15], [sflag:$0x8], $0x4000, $0x38;
	[tilespmem:$0x1E800] =	vst v63  }
0x6b: {  	_ =	swait.ge [sflag:s14], $0x4000  }
0x6c: {  	s7 =	simm.s32 @!p1 $0x9B80;
	[sflag:s14] =	ssyncset.done $0x0  }
0x6d: {  	s8 =	simm.s32 @!p1 $0x8;
	s26 =	rddreg [dreg:$0x15];
	[sflag:s14] =	ssyncadd.s32 $0xFFFFC000  }
0x6e: {  	[tilespmem:s7], [sflag:$0x8] =	stream.linear.gather @!p1 [spmem:s26], $0x280, $0x38;
	[tilespmem:$0x1E800] =	vst v63  }
0x6f: {  	_ =	swait.ge @!p1 [sflag:s8], $0x280  }
0x70: {  	[sflag:s8] =	ssyncset.done @!p1 $0x0  }
0x71: {  	s12 =	simm.s32 @!p1 $0x0;
	s18 =	rddreg [dreg:$0x19];
	[sflag:s8] =	ssyncadd.s32 @!p1 $0xFFFFFD80  }
0x72: {  	[hbm4b:s18+s12] =	stream.linear.scatter @!p1 [tilespmem:s7], [sflag:$0x8], $0x280, $0x38;
	[tilespmem:$0x1E800] =	vst v63  }
0x73: {  	_ =	swait.ge @!p1 [sflag:s8], $0x280  }
0x74: {  	[sflag:s8] =	ssyncset.done @!p1 $0x0  }
0x75: {  	s29 =	rddreg [dreg:$0x16];
	[sflag:s8] =	ssyncadd.s32 @!p1 $0xFFFFFD80  }
0x76: {  	[tilespmem:s7], [sflag:$0x8] =	stream.linear.gather @!p1 [spmem:s29], $0x280, $0x38;
	[tilespmem:$0x1E800] =	vst v63  }
0x77: {  	_ =	swait.ge @!p1 [sflag:s8], $0x280  }
0x78: {  	[sflag:s8] =	ssyncset.done @!p1 $0x0  }
0x79: {  	s18 =	rddreg [dreg:$0x1a];
	[sflag:s8] =	ssyncadd.s32 @!p1 $0xFFFFFD80  }
0x7a: {  	[hbm4b:s18+s12] =	stream.linear.scatter @!p1 [tilespmem:s7], [sflag:$0x8], $0x280, $0x38;
	[tilespmem:$0x1E800] =	vst v63  }
0x7b: {  	_ =	swait.ge @!p1 [sflag:s8], $0x280  }
0x7c: {  	s31 =	rddreg [dreg:$0x18]  }
0x7d: {  	[sflag:s8] =	ssyncset.done @!p1 $0x0;
	s30 =	rddreg [dreg:$0x17];
	s7 =	smov.u32 s31  }
0x7e: {  	s18 =	simm.s32 $0x9B80;
	[sflag:s8] =	ssyncadd.s32 @!p1 $0xFFFFFD80;
	s7 =	smov.u32 @p1 s30  }
0x7f: {  	[tilespmem:s18], [sflag:$0x8] =	stream.linear.gather [spmem:s7], $0x280, $0x38;
	[tilespmem:$0x1E800] =	vst v63  }
0x80: {  	_ =	swait.ge [sflag:s14], $0x280  }
0x81: {  	[sflag:s14] =	ssyncset.done $0x0  }
0x82: {  	s12 =	rddreg [dreg:$0x10];
	[sflag:s14] =	ssyncadd.s32 $0xFFFFFD80  }
0x83: {  	[hbm4b:s12+s17] =	stream.linear.scatter [tilespmem:s18], [sflag:$0x8], $0x280, $0x38;
	[tilespmem:$0x1E800] =	vst v63  }
0x84: {  	_ =	swait.ge [sflag:s14], $0x280  }
0x85: {  	s28 =	sadd.s32 $0x1, s28;
	s18 =	rddreg [dreg:$0x1b]  }
0x86: {  	p2 =	sne.s32 s28, s18  }
.Ltmp1:
0x87: {  	_ = 	snop;
	(pc) =	sbr.rel @!p2 .LBB2_23-.Ltmp1, $3  }
0x88: {  	_ =	sdelay $0x1  }
0x89: {  	[sflag:s14] =	ssyncset.done $0x0  }
0x8a: {  	[sflag:s14] =	ssyncadd.s32 $0xFFFFFD80  }
.LBB2_1:
0x8b: {  	s7 =	rddreg [dreg:$0x1]  }
0x8c: {  	[tilespmem:s21], [sflag:$0x8] =	stream.linear.gather [hbm4b:s7+s17], $0x80, $0x38;
	[tilespmem:$0x1E800] =	vst v63  }
0x8d: {  	_ =	swait.ge [sflag:s14], $0x80  }
0x8e: {  	s12 =	simm.s32 @!p0 $0x0;
	[sflag:s14] =	ssyncset.done $0x0  }
0x8f: {  	s18 =	simm.s32 @!p0 $0x8700;
	s7 =	rddreg [dreg:$0x11];
	[sflag:s14] =	ssyncadd.s32 $0xFFFFFF80  }
0x90: {  	[tilespmem:s18], [sflag:$0x8] =	stream.linear.gather @!p0 [hbm4b:s7+s12], $0x1400, $0x38;
	[tilespmem:$0x1E800] =	vst v63  }
0x91: {  	s12 =	simm.s32 @!p0 $0x8  }
0x92: {  	s18 =	stileid.u32;
	_ =	swait.ge @!p0 [sflag:s12], $0x1400  }
0x93: {  	s7 =	sshrl.u32 s20, $0x3;
	s8 =	sshll.u32 s18, $0x6;
	[sflag:s12] =	ssyncset.done @!p0 $0x0  }
0x94: {  	[sflag:s12] =	ssyncadd.s32 @!p0 $0xFFFFEC00;
	s12 =	sor.u32 $0x1C08, s8;
	s8 =	rddreg [dreg:$0x12]  }
0x95: {  	[spmem:s7], [sflag:s12] =	dma.local [hbm:s8], $0x2800  }
0x96: {  	_ =	swait.ge [sflag:s14], $0x2800  }
0x97: {  	[sflag:s14] =	ssyncset.done $0x0  }
0x98: {  	s20 =	sshrl.u32 s26, $0x3;
	s26 =	rddreg [dreg:$0x13];
	[sflag:s14] =	ssyncadd.s32 $0xFFFFD800  }
0x99: {  	[spmem:s20], [sflag:s12] =	dma.local [hbm:s26], $0x50  }
0x9a: {  	_ =	swait.ge [sflag:s14], $0x50  }
0x9b: {  	[sflag:s14] =	ssyncset.done $0x0  }
0x9c: {  	s29 =	sshrl.u32 s29, $0x3;
	[sflag:s14] =	ssyncadd.s32 $0xFFFFFFB0  }
0x9d: {  	[spmem:s29], [sflag:s12] =	dma.local [hbm:s26], $0x50  }
0x9e: {  	_ =	swait.ge [sflag:s14], $0x50  }
0x9f: {  	[sflag:s14] =	ssyncset.done $0x0  }
0xa0: {  	s30 =	sshrl.u32 s30, $0x3;
	[sflag:s14] =	ssyncadd.s32 $0xFFFFFFB0  }
0xa1: {  	[spmem:s30], [sflag:s12] =	dma.local [hbm:s26], $0x50  }
0xa2: {  	_ =	swait.ge [sflag:s14], $0x50  }
0xa3: {  	[sflag:s14] =	ssyncset.done $0x0  }
0xa4: {  	s31 =	sshrl.u32 s31, $0x3;
	[sflag:s14] =	ssyncadd.s32 $0xFFFFFFB0  }
0xa5: {  	[spmem:s31], [sflag:s12] =	dma.local [hbm:s26], $0x50  }
.Ltmp2:
0xa6: {  	_ =	swait.ge [sflag:s14], $0x50;
	(pc) =	sbr.rel @p0 .LBB2_3-.Ltmp2, $3  }
0xa7: {  	[sflag:s14] =	ssyncset.done $0x0  }
0xa8: {  	[sflag:s14] =	ssyncadd.s32 $0xFFFFFFB0  }
0xa9: {  	[bflag:$0x0] =	sbarrier.arrive $0xFFFF;
	_ =	sdelay $0x1  }
0xaa: {  	s7 =	rddreg [dreg:$0x6];
	s8 =	simm.s32 $0x8700  }
0xab: {  	[spmem:s7] =	stream.indirect.scatter.add.f32 [tilespmem:s21], [sflag:$0x7], $0x1, s8, s24, $0xb8;
	[tilespmem:$0x1E800] =	vst v63  }
0xac: {  	s26 =	simm.s32 $0x8780  }
0xad: {  	[spmem:s7] =	stream.indirect.scatter.add.f32 [tilespmem:s21], [sflag:$0x7], $0x1, s26, s24, $0xb8;
	[tilespmem:$0x1E800] =	vst v63  }
0xae: {  	s29 =	simm.s32 $0x8800  }
0xaf: {  	[spmem:s7] =	stream.indirect.scatter.add.f32 [tilespmem:s21], [sflag:$0x7], $0x1, s29, s24, $0xb8;
	[tilespmem:$0x1E800] =	vst v63  }
0xb0: {  	s30 =	simm.s32 $0x8880  }
0xb1: {  	[spmem:s7] =	stream.indirect.scatter.add.f32 [tilespmem:s21], [sflag:$0x7], $0x1, s30, s24, $0xb8;
	[tilespmem:$0x1E800] =	vst v63  }
0xb2: {  	s31 =	simm.s32 $0x8900  }
0xb3: {  	[spmem:s7] =	stream.indirect.scatter.add.f32 [tilespmem:s21], [sflag:$0x7], $0x1, s31, s24, $0xb8;
	[tilespmem:$0x1E800] =	vst v63  }
0xb4: {  	s12 =	simm.s32 $0x8980  }
0xb5: {  	[spmem:s7] =	stream.indirect.scatter.add.f32 [tilespmem:s21], [sflag:$0x7], $0x1, s12, s24, $0xb8;
	[tilespmem:$0x1E800] =	vst v63  }
0xb6: {  	s18 =	simm.s32 $0x8A00  }
0xb7: {  	[spmem:s7] =	stream.indirect.scatter.add.f32 [tilespmem:s21], [sflag:$0x7], $0x1, s18, s24, $0xb8;
	[tilespmem:$0x1E800] =	vst v63  }
0xb8: {  	s20 =	simm.s32 $0x8A80  }
0xb9: {  	[spmem:s7] =	stream.indirect.scatter.add.f32 [tilespmem:s21], [sflag:$0x7], $0x1, s20, s24, $0xb8;
	[tilespmem:$0x1E800] =	vst v63  }
0xba: {  	s26 =	simm.s32 $0x8B00  }
0xbb: {  	[spmem:s7] =	stream.indirect.scatter.add.f32 [tilespmem:s21], [sflag:$0x7], $0x1, s26, s24, $0xb8;
	[tilespmem:$0x1E800] =	vst v63  }
0xbc: {  	s29 =	simm.s32 $0x8B80  }
0xbd: {  	[spmem:s7] =	stream.indirect.scatter.add.f32 [tilespmem:s21], [sflag:$0x7], $0x1, s29, s24, $0xb8;
	[tilespmem:$0x1E800] =	vst v63  }
0xbe: {  	s30 =	simm.s32 $0x8C00  }
0xbf: {  	[spmem:s7] =	stream.indirect.scatter.add.f32 [tilespmem:s21], [sflag:$0x7], $0x1, s30, s24, $0xb8;
	[tilespmem:$0x1E800] =	vst v63  }
0xc0: {  	s31 =	simm.s32 $0x8C80  }
0xc1: {  	[spmem:s7] =	stream.indirect.scatter.add.f32 [tilespmem:s21], [sflag:$0x7], $0x1, s31, s24, $0xb8;
	[tilespmem:$0x1E800] =	vst v63  }
0xc2: {  	s12 =	simm.s32 $0x8D00  }
0xc3: {  	[spmem:s7] =	stream.indirect.scatter.add.f32 [tilespmem:s21], [sflag:$0x7], $0x1, s12, s24, $0xb8;
	[tilespmem:$0x1E800] =	vst v63  }
0xc4: {  	s18 =	simm.s32 $0x8D80  }
0xc5: {  	[spmem:s7] =	stream.indirect.scatter.add.f32 [tilespmem:s21], [sflag:$0x7], $0x1, s18, s24, $0xb8;
	[tilespmem:$0x1E800] =	vst v63  }
0xc6: {  	s20 =	simm.s32 $0x8E00  }
0xc7: {  	[spmem:s7] =	stream.indirect.scatter.add.f32 [tilespmem:s21], [sflag:$0x7], $0x1, s20, s24, $0xb8;
	[tilespmem:$0x1E800] =	vst v63  }
0xc8: {  	s26 =	simm.s32 $0x8E80  }
0xc9: {  	[spmem:s7] =	stream.indirect.scatter.add.f32 [tilespmem:s21], [sflag:$0x7], $0x1, s26, s24, $0xb8;
	[tilespmem:$0x1E800] =	vst v63  }
0xca: {  	s29 =	simm.s32 $0x8F00  }
0xcb: {  	[spmem:s7] =	stream.indirect.scatter.add.f32 [tilespmem:s21], [sflag:$0x7], $0x1, s29, s24, $0xb8;
	[tilespmem:$0x1E800] =	vst v63  }
0xcc: {  	s30 =	simm.s32 $0x8F80  }
0xcd: {  	[spmem:s7] =	stream.indirect.scatter.add.f32 [tilespmem:s21], [sflag:$0x7], $0x1, s30, s24, $0xb8;
	[tilespmem:$0x1E800] =	vst v63  }
0xce: {  	s31 =	simm.s32 $0x9000  }
0xcf: {  	[spmem:s7] =	stream.indirect.scatter.add.f32 [tilespmem:s21], [sflag:$0x7], $0x1, s31, s24, $0xb8;
	[tilespmem:$0x1E800] =	vst v63  }
0xd0: {  	s12 =	simm.s32 $0x9080  }
0xd1: {  	[spmem:s7] =	stream.indirect.scatter.add.f32 [tilespmem:s21], [sflag:$0x7], $0x1, s12, s24, $0xb8;
	[tilespmem:$0x1E800] =	vst v63  }
0xd2: {  	s18 =	simm.s32 $0x9100  }
0xd3: {  	[spmem:s7] =	stream.indirect.scatter.add.f32 [tilespmem:s21], [sflag:$0x7], $0x1, s18, s24, $0xb8;
	[tilespmem:$0x1E800] =	vst v63  }
0xd4: {  	s20 =	simm.s32 $0x9180  }
0xd5: {  	[spmem:s7] =	stream.indirect.scatter.add.f32 [tilespmem:s21], [sflag:$0x7], $0x1, s20, s24, $0xb8;
	[tilespmem:$0x1E800] =	vst v63  }
0xd6: {  	s26 =	simm.s32 $0x9200  }
0xd7: {  	[spmem:s7] =	stream.indirect.scatter.add.f32 [tilespmem:s21], [sflag:$0x7], $0x1, s26, s24, $0xb8;
	[tilespmem:$0x1E800] =	vst v63  }
0xd8: {  	s29 =	simm.s32 $0x9280  }
0xd9: {  	[spmem:s7] =	stream.indirect.scatter.add.f32 [tilespmem:s21], [sflag:$0x7], $0x1, s29, s24, $0xb8;
	[tilespmem:$0x1E800] =	vst v63  }
0xda: {  	s30 =	simm.s32 $0x9300  }
0xdb: {  	[spmem:s7] =	stream.indirect.scatter.add.f32 [tilespmem:s21], [sflag:$0x7], $0x1, s30, s24, $0xb8;
	[tilespmem:$0x1E800] =	vst v63  }
0xdc: {  	s31 =	simm.s32 $0x9380  }
0xdd: {  	[spmem:s7] =	stream.indirect.scatter.add.f32 [tilespmem:s21], [sflag:$0x7], $0x1, s31, s24, $0xb8;
	[tilespmem:$0x1E800] =	vst v63  }
0xde: {  	s12 =	simm.s32 $0x9400  }
0xdf: {  	[spmem:s7] =	stream.indirect.scatter.add.f32 [tilespmem:s21], [sflag:$0x7], $0x1, s12, s24, $0xb8;
	[tilespmem:$0x1E800] =	vst v63  }
0xe0: {  	s18 =	simm.s32 $0x9480  }
0xe1: {  	[spmem:s7] =	stream.indirect.scatter.add.f32 [tilespmem:s21], [sflag:$0x7], $0x1, s18, s24, $0xb8;
	[tilespmem:$0x1E800] =	vst v63  }
0xe2: {  	s20 =	simm.s32 $0x9500  }
0xe3: {  	[spmem:s7] =	stream.indirect.scatter.add.f32 [tilespmem:s21], [sflag:$0x7], $0x1, s20, s24, $0xb8;
	[tilespmem:$0x1E800] =	vst v63  }
0xe4: {  	s26 =	simm.s32 $0x9580  }
0xe5: {  	[spmem:s7] =	stream.indirect.scatter.add.f32 [tilespmem:s21], [sflag:$0x7], $0x1, s26, s24, $0xb8;
	[tilespmem:$0x1E800] =	vst v63  }
0xe6: {  	s29 =	simm.s32 $0x9600  }
0xe7: {  	[spmem:s7] =	stream.indirect.scatter.add.f32 [tilespmem:s21], [sflag:$0x7], $0x1, s29, s24, $0xb8;
	[tilespmem:$0x1E800] =	vst v63  }
0xe8: {  	s30 =	simm.s32 $0x9680  }
0xe9: {  	[spmem:s7] =	stream.indirect.scatter.add.f32 [tilespmem:s21], [sflag:$0x7], $0x1, s30, s24, $0xb8;
	[tilespmem:$0x1E800] =	vst v63  }
0xea: {  	s31 =	simm.s32 $0x9700  }
0xeb: {  	[spmem:s7] =	stream.indirect.scatter.add.f32 [tilespmem:s21], [sflag:$0x7], $0x1, s31, s24, $0xb8;
	[tilespmem:$0x1E800] =	vst v63  }
0xec: {  	s12 =	simm.s32 $0x9780  }
0xed: {  	[spmem:s7] =	stream.indirect.scatter.add.f32 [tilespmem:s21], [sflag:$0x7], $0x1, s12, s24, $0xb8;
	[tilespmem:$0x1E800] =	vst v63  }
0xee: {  	s18 =	simm.s32 $0x9800  }
0xef: {  	[spmem:s7] =	stream.indirect.scatter.add.f32 [tilespmem:s21], [sflag:$0x7], $0x1, s18, s24, $0xb8;
	[tilespmem:$0x1E800] =	vst v63  }
0xf0: {  	s20 =	simm.s32 $0x9880  }
0xf1: {  	[spmem:s7] =	stream.indirect.scatter.add.f32 [tilespmem:s21], [sflag:$0x7], $0x1, s20, s24, $0xb8;
	[tilespmem:$0x1E800] =	vst v63  }
0xf2: {  	s26 =	simm.s32 $0x9900  }
0xf3: {  	[spmem:s7] =	stream.indirect.scatter.add.f32 [tilespmem:s21], [sflag:$0x7], $0x1, s26, s24, $0xb8;
	[tilespmem:$0x1E800] =	vst v63  }
0xf4: {  	s29 =	simm.s32 $0x9980  }
0xf5: {  	[spmem:s7] =	stream.indirect.scatter.add.f32 [tilespmem:s21], [sflag:$0x7], $0x1, s29, s24, $0xb8;
	[tilespmem:$0x1E800] =	vst v63  }
0xf6: {  	s30 =	simm.s32 $0x9A00  }
0xf7: {  	[spmem:s7] =	stream.indirect.scatter.add.f32 [tilespmem:s21], [sflag:$0x7], $0x1, s30, s24, $0xb8;
	[tilespmem:$0x1E800] =	vst v63  }
0xf8: {  	s31 =	simm.s32 $0x9A80  }
0xf9: {  	[spmem:s7] =	stream.indirect.scatter.add.f32 [tilespmem:s21], [sflag:$0x7], $0x1, s31, s24, $0xb8;
	[tilespmem:$0x1E800] =	vst v63  }
.LBB2_3:
0xfa: {  	s7 =	rddreg [dreg:$0x8]  }
0xfb: {  	[tilespmem:s17], [sflag:$0x1] =	stream.linear.gather [hbm4b:s7+s17], $0x80, $0x38;
	[tilespmem:$0x1E800] =	vst v63  }
0xfc: {  	s20 =	simm.s32 $0x200;
	s26 =	rddreg [dreg:$0xe]  }
0xfd: {  	[tilespmem:s20], [sflag:$0x1] =	stream.linear.gather [hbm4b:s13+s17], $0x80, $0x38;
	[tilespmem:$0x1E800] =	vst v63  }
0xfe: {  	s12 =	simm.s32 @!p1 $0x0;
	s18 =	simm.s32 @!p1 $0x400;
	s7 =	sld [smem:$0x7FD]  }
0xff: {  	[tilespmem:s18], [sflag:$0x1] =	stream.linear.gather @!p1 [hbm4b:s16+s12], $0x80, $0x38;
	[tilespmem:$0x1E800] =	vst v63  }
0x100: {  	s29 =	simm.s32 $0x0;
	s30 =	simm.s32 $0x3;
	s18 =	simm.s32 @!p1 $0x80  }
0x101: {  	[tilespmem:s18], [sflag:$0x2] =	stream.linear.gather @!p1 [hbm4b:s7+s12], $0x80, $0x38;
	[tilespmem:$0x1E800] =	vst v63  }
.Ltmp3:
0x102: {  	s31 =	simm.s32 $0x180;
	s18 =	simm.s32 @!p1 $0x280;
	(pc) =	sbr.rel .LBB2_4-.Ltmp3, $4  }
0x103: {  	s26 =	smov.u32 @p1 s7;
	s12 =	simm.s32 @!p1 $0x480;
	s18 =	simm.s32 @p1 $0x80  }
0x104: {  	[tilespmem:s18], [sflag:$0x2] =	stream.linear.gather [hbm4b:s26+s29], $0x80, $0x38;
	[tilespmem:$0x1E800] =	vst v63  }
0x105: {  	s12 =	simm.s32 @p1 $0x280;
	s26 =	rddreg [dreg:$0xf];
	s18 =	simm.s32 $0x0  }
0x106: {  	[tilespmem:s12], [sflag:$0x2] =	stream.linear.gather [hbm4b:s26+s29], $0x80, $0x38;
	[tilespmem:$0x1E800] =	vst v63  }
.LBB2_19:
0x107: {  	s7 =	sshll.u32 s26, $0x7  }
0x108: {  	s7 =	sand.u32 $0x180, s7  }
0x109: {  	[tilespmem:s10], [sflag:$0x4] =	stream.indirect.gather [hbm4b:s22+s24], $0x80, s7, s24, $0xb8;
	[tilespmem:$0x1E800] =	vst v63  }
.LBB2_20:
0x10a: {  	s7 =	sadd.s32 s29, s19  }
0x10b: {  	s8 =	sand.u32 $0x180, s31;
	s7 =	sadd.s32 $0x30, s7  }
0x10c: {  	[tilespmem:s8], [sflag:$0x2] =	stream.linear.gather [hbm4b:s7+s17], $0x80, $0x38;
	[tilespmem:$0x1E800] =	vst v63  }
0x10d: {  	s7 =	sadd.s32 s29, s13  }
0x10e: {  	s20 =	sor.u32 $0x200, s8;
	s7 =	sadd.s32 $0x30, s7  }
0x10f: {  	[tilespmem:s20], [sflag:$0x2] =	stream.linear.gather [hbm4b:s7+s17], $0x80, $0x38;
	[tilespmem:$0x1E800] =	vst v63  }
0x110: {  	s7 =	sadd.s32 @!p1 s29, s16  }
0x111: {  	s8 =	sor.u32 @!p1 $0x400, s8;
	s20 =	simm.s32 @!p1 $0x0;
	s7 =	sadd.s32 @!p1 $0x30, s7  }
0x112: {  	[tilespmem:s8], [sflag:$0x2] =	stream.linear.gather @!p1 [hbm4b:s7+s20], $0x80, $0x38;
	[tilespmem:$0x1E800] =	vst v63  }
.LBB2_21:
0x113: {  	p2 =	sgt.u32 s26, $0xA0  }
0x114: {  	s7 =	simm.s32 @!p2 $0x3  }
0x115: {  	p3 =	sne.s32 @!p2 s6, $0x0;
	_ =	swait.ge @!p2 [sflag:s7], $0x4000  }
0x116: {  	p4 =	por !p3, p2;
	[sflag:s7] =	ssyncset.done @!p2 $0x0  }
0x117: {  	[sflag:s7] =	ssyncadd.s32 @!p2 $0xFFFFC000;
	s7 =	simm.s32 @!p4 $0x3  }
0x118: {  	_ =	swait.ge @!p4 [sflag:s7], $0x80  }
0x119: {  	[sflag:s7] =	ssyncset.done @!p4 $0x0  }
0x11a: {  	[sflag:s7] =	ssyncadd.s32 @!p4 $0xFFFFFF80;
	s7 =	sshll.u32 @!p4 s12, $0x7  }
0x11b: {  	s8 =	simm.s32 @!p4 $0x80;
	s20 =	simm.s32 @!p4 $0x700;
	s7 =	sor.u32 @!p4 $0x200, s7  }
0x11c: {  	[spmem:s2] =	stream.indirect.scatter.add.f32 @!p4 [tilespmem:s20], [sflag:$0x5], $0x80, s7, s8, $0xb8;
	[tilespmem:$0x1E800] =	vst v63  }
0x11d: {  	p2 =	por p3, p2;
	s20 =	simm.s32 @!p4 $0x600  }
0x11e: {  	[spmem:s5] =	stream.indirect.scatter.add.f32 @!p4 [tilespmem:s20], [sflag:$0x5], $0x1, s7, s8, $0xb8;
	[tilespmem:$0x1E800] =	vst v63  }
0x11f: {  	s7 =	sshll.u32 @!p2 s12, $0x7  }
0x120: {  	s12 =	simm.s32 @!p2 $0x80;
	s20 =	simm.s32 @!p2 $0x700;
	s8 =	sor.u32 @!p2 $0x200, s7  }
0x121: {  	[spmem:s2] =	stream.indirect.scatter.add.f32 @!p2 [tilespmem:s20], [sflag:$0x5], $0x80, s8, s12, $0xb8;
	[tilespmem:$0x1E800] =	vst v63  }
0x122: {  	s7 =	sor.u32 @!p2 $0x400, s7  }
0x123: {  	[spmem:s3] =	stream.indirect.scatter.add.f32 @!p2 [tilespmem:s7], [sflag:$0x5], $0x1, s8, s12, $0xb8;
	[tilespmem:$0x1E800] =	vst v63  }
0x124: {  	s29 =	sadd.s32 $0x20, s29;
	s7 =	simm.s32 @!p2 $0x9B00  }
0x125: {  	[spmem:s4] =	stream.indirect.scatter.add.f32 @!p2 [tilespmem:s7], [sflag:$0x5], $0x1, s8, s12, $0xb8;
	[tilespmem:$0x1E800] =	vst v63  }
0x126: {  	p2 =	sne.s32 s29, $0xA20  }
.Ltmp4:
0x127: {  	_ = 	snop;
	(pc) =	sbr.rel @!p2 .LBB2_22-.Ltmp4, $2  }
0x128: {  	_ =	sdelay $0x2  }
0x129: {  	s18 =	sadd.s32 $0x1, s18;
	s30 =	sadd.s32 $0x2, s30;
	s31 =	sadd.s32 $0x100, s31  }
.LBB2_4:
0x12a: {  	p2 =	seq.s32 s29, $0xA00  }
.Ltmp5:
0x12b: {  	_ = 	snop;
	(pc) =	sbr.rel @p2 .LBB2_13-.Ltmp5, $3  }
0x12c: {  	_ =	sdelay $0x1  }
0x12d: {  	s12 =	sadd.s32 $0xFFFFFFFD, s30  }
0x12e: {  	s12 =	sand.u32 $0x2, s12  }
0x12f: {  	_ =	swait.ge [sflag:s11], $0x80  }
.Ltmp6:
0x130: {  	[sflag:s11] =	ssyncset.done $0x0;
	(pc) =	sbr.rel @p1 .LBB2_9-.Ltmp6, $4  }
0x131: {  	[sflag:s11] =	ssyncadd.s32 $0xFFFFFF80  }
0x132: {  	_ =	swait.ge [sflag:s11], $0x80  }
0x133: {  	[sflag:s11] =	ssyncset.done $0x0  }
0x134: {  	p3 =	seq.s32 s29, $0x0;
	[sflag:s11] =	ssyncadd.s32 $0xFFFFFF80  }
.Ltmp7:
0x135: {  	(pc) =	sbr.rel @p3 .LBB2_8-.Ltmp7, $4  }
0x136: {  	_ = 	snop  }
0x137: {  	_ =	swait.ge [sflag:s11], $0x80  }
0x138: {  	[sflag:s11] =	ssyncset.done $0x0  }
0x139: {  	[sflag:s11] =	ssyncadd.s32 $0xFFFFFF80  }
0x13a: {  	_ =	swait.ge [sflag:s0], $0x4000  }
0x13b: {  	[sflag:s0] =	ssyncset.done $0x0  }
0x13c: {  	[sflag:s0] =	ssyncadd.s32 $0xFFFFC000  }
0x13d: {  	_ =	swait.ge [sflag:s0], $0x80  }
0x13e: {  	[sflag:s0] =	ssyncset.done $0x0  }
.Ltmp8:
0x13f: {  	[sflag:s0] =	ssyncadd.s32 $0xFFFFFF80;
	(pc) =	sbr.rel .LBB2_10-.Ltmp8, $4  }
0x140: {  	_ =	swait.ge [sflag:s0], $0x80  }
0x141: {  	[sflag:s0] =	ssyncset.done $0x0  }
0x142: {  	s8 =	sshll.u32 s12, $0x7;
	[sflag:s0] =	ssyncadd.s32 $0xFFFFFF80  }
0x143: {  	[tilespmem:s15], [sflag:$0x3] =	stream.indirect.gather [hbm4b:s22+s24], $0x80, s8, s24, $0xb8;
	[tilespmem:$0x1E800] =	vst v63  }
.LBB2_9:
0x144: {  	s8 =	simm.s32 @!p3 $0x5  }
0x145: {  	_ =	swait.ge @!p3 [sflag:s8], $0x4000  }
0x146: {  	[sflag:s8] =	ssyncset.done @!p3 $0x0  }
0x147: {  	[sflag:s8] =	ssyncadd.s32 @!p3 $0xFFFFC000  }
0x148: {  	_ =	swait.ge @!p3 [sflag:s8], $0x80  }
0x149: {  	s26 =	sshll.u32 @!p3 s12, $0x7;
	[sflag:s8] =	ssyncset.done @!p3 $0x0  }
0x14a: {  	s26 =	simm.s32 @p3 $0x0;
	[sflag:s8] =	ssyncadd.s32 @!p3 $0xFFFFFF80  }
0x14b: {  	[tilespmem:s15], [sflag:$0x3] =	stream.indirect.gather [hbm4b:s22+s24], $0x80, s26, s24, $0xb8;
	[tilespmem:$0x1E800] =	vst v63  }
0x14c: {  	s7 =	simm.s32 $0x600  }
0x14d: {  	[tilespmem:s7], [sflag:$0x3] =	stream.indirect.gather [hbm4b:s23+s24], $0x1, s26, s24, $0xb8;
	[tilespmem:$0x1E800] =	vst v63  }
.LBB2_10:
0x14e: {  	p3 =	sgt.u32 s18, $0x4E  }
.Ltmp9:
0x14f: {  	_ = 	snop;
	(pc) =	sbr.rel @p3 .LBB2_12-.Ltmp9, $4  }
.Ltmp10:
0x150: {  	_ = 	snop;
	(pc) =	sbr.rel @!p3 .LBB2_11-.Ltmp10, $4  }
0x151: {  	_ = 	snop  }
0x152: {  	_ = 	snop  }
0x153: {  	_ = 	snop  }
0x154: {  	_ = 	snop  }
.LBB2_8:
0x155: {  	[tilespmem:s15], [sflag:$0x3] =	stream.indirect.gather [hbm4b:s22+s24], $0x80, s17, s24, $0xb8;
	[tilespmem:$0x1E800] =	vst v63  }
.LBB2_11:
0x156: {  	s8 =	sadd.s32 $0xFFFFFF80, s31;
	s26 =	sadd.s32 s29, s19  }
0x157: {  	s20 =	sadd.s32 s29, s13;
	s8 =	sand.u32 $0x100, s8;
	s26 =	sadd.s32 $0x20, s26  }
0x158: {  	[tilespmem:s8], [sflag:$0x1] =	stream.linear.gather [hbm4b:s26+s17], $0x80, $0x38;
	[tilespmem:$0x1E800] =	vst v63  }
0x159: {  	s7 =	sor.u32 $0x200, s8;
	s26 =	sadd.s32 $0x20, s20  }
0x15a: {  	[tilespmem:s7], [sflag:$0x1] =	stream.linear.gather [hbm4b:s26+s17], $0x80, $0x38;
	[tilespmem:$0x1E800] =	vst v63  }
0x15b: {  	s7 =	sadd.s32 @!p1 s29, s16  }
0x15c: {  	s8 =	sor.u32 @!p1 $0x400, s8;
	s26 =	simm.s32 @!p1 $0x0;
	s7 =	sadd.s32 @!p1 $0x20, s7  }
0x15d: {  	[tilespmem:s8], [sflag:$0x1] =	stream.linear.gather @!p1 [hbm4b:s7+s26], $0x80, $0x38;
	[tilespmem:$0x1E800] =	vst v63  }
.LBB2_12:
0x15e: {  	s7 =	sadd.s32 $0xFFFFFFFB, s30  }
0x15f: {  	p3 =	sgt.u32 s7, $0x9F  }
.Ltmp11:
0x160: {  	_ = 	snop;
	(pc) =	sbr.rel @p3 .LBB2_14-.Ltmp11, $2  }
0x161: {  	_ =	sdelay $0x2  }
0x162: {  	s26 =	simm.s32 $0x1  }
.LBB2_13:
0x163: {  	_ =	swait.ge [sflag:s25], $0x4000  }
0x164: {  	[sflag:s25] =	ssyncset.done $0x0  }
0x165: {  	s7 =	simm.s32 @p1 $0x4;
	[sflag:s25] =	ssyncadd.s32 $0xFFFFC000  }
0x166: {  	_ =	swait.ge @p1 [sflag:s7], $0x80  }
0x167: {  	s8 =	sand.u32 $0x3, s30;
	[sflag:s7] =	ssyncset.done @p1 $0x0  }
0x168: {  	[sflag:s7] =	ssyncadd.s32 @p1 $0xFFFFFF80;
	s7 =	sshll.u32 @p1 s8, $0x7  }
0x169: {  	s26 =	simm.s32 @p1 $0x80;
	s20 =	simm.s32 @p1 $0x4700;
	s7 =	sor.u32 @p1 $0x200, s7  }
0x16a: {  	[spmem:s2] =	stream.indirect.scatter.add.f32 @p1 [tilespmem:s20], [sflag:$0x6], $0x80, s7, s26, $0xb8;
	[tilespmem:$0x1E800] =	vst v63  }
0x16b: {  	s20 =	simm.s32 @p1 $0x680  }
0x16c: {  	[spmem:s5] =	stream.indirect.scatter.add.f32 @p1 [tilespmem:s20], [sflag:$0x6], $0x1, s7, s26, $0xb8;
	[tilespmem:$0x1E800] =	vst v63  }
0x16d: {  	s7 =	sshll.u32 @!p1 s8, $0x7  }
0x16e: {  	s20 =	simm.s32 @!p1 $0x80;
	s26 =	simm.s32 @!p1 $0x4700;
	s8 =	sor.u32 @!p1 $0x200, s7  }
0x16f: {  	[spmem:s2] =	stream.indirect.scatter.add.f32 @!p1 [tilespmem:s26], [sflag:$0x6], $0x80, s8, s20, $0xb8;
	[tilespmem:$0x1E800] =	vst v63  }
.Ltmp12:
0x170: {  	_ = 	snop;
	(pc) =	sbr.rel @p2 .LBB2_21-.Ltmp12, $4  }
0x171: {  	s7 =	sor.u32 @!p1 $0x400, s7  }
0x172: {  	[spmem:s3] =	stream.indirect.scatter.add.f32 @!p1 [tilespmem:s7], [sflag:$0x6], $0x1, s8, s20, $0xb8;
	[tilespmem:$0x1E800] =	vst v63  }
0x173: {  	s26 =	sadd.s32 $0xFFFFFFFE, s30;
	s7 =	simm.s32 @!p1 $0x9B00  }
0x174: {  	[spmem:s4] =	stream.indirect.scatter.add.f32 @!p1 [tilespmem:s7], [sflag:$0x6], $0x1, s8, s20, $0xb8;
	[tilespmem:$0x1E800] =	vst v63  }
.LBB2_14:
0x175: {  	_ =	swait.ge [sflag:s9], $0x80  }
.Ltmp13:
0x176: {  	[sflag:s9] =	ssyncset.done $0x0;
	(pc) =	sbr.rel @p1 .LBB2_17-.Ltmp13, $4  }
0x177: {  	[sflag:s9] =	ssyncadd.s32 $0xFFFFFF80  }
0x178: {  	_ =	swait.ge [sflag:s9], $0x80  }
0x179: {  	[sflag:s9] =	ssyncset.done $0x0  }
0x17a: {  	[sflag:s9] =	ssyncadd.s32 $0xFFFFFF80  }
0x17b: {  	p2 =	seq.s32 s29, $0x0  }
.Ltmp14:
0x17c: {  	_ = 	snop;
	(pc) =	sbr.rel @p2 .LBB2_19-.Ltmp14, $4  }
0x17d: {  	_ = 	snop  }
0x17e: {  	_ =	swait.ge [sflag:s9], $0x80  }
0x17f: {  	[sflag:s9] =	ssyncset.done $0x0  }
0x180: {  	[sflag:s9] =	ssyncadd.s32 $0xFFFFFF80  }
0x181: {  	_ =	swait.ge [sflag:s1], $0x4000  }
0x182: {  	[sflag:s1] =	ssyncset.done $0x0  }
0x183: {  	[sflag:s1] =	ssyncadd.s32 $0xFFFFC000  }
0x184: {  	_ =	swait.ge [sflag:s1], $0x80  }
0x185: {  	[sflag:s1] =	ssyncset.done $0x0  }
.Ltmp15:
0x186: {  	[sflag:s1] =	ssyncadd.s32 $0xFFFFFF80;
	(pc) =	sbr.rel .LBB2_18-.Ltmp15, $4  }
0x187: {  	_ =	swait.ge [sflag:s1], $0x80  }
0x188: {  	s7 =	sshll.u32 s26, $0x7;
	[sflag:s1] =	ssyncset.done $0x0  }
0x189: {  	s7 =	sand.u32 $0x180, s7;
	[sflag:s1] =	ssyncadd.s32 $0xFFFFFF80  }
0x18a: {  	[tilespmem:s10], [sflag:$0x4] =	stream.indirect.gather [hbm4b:s22+s24], $0x80, s7, s24, $0xb8;
	[tilespmem:$0x1E800] =	vst v63  }
.LBB2_17:
0x18b: {  	p2 =	seq.s32 s29, $0x0  }
0x18c: {  	s7 =	simm.s32 @!p2 $0x6  }
0x18d: {  	_ =	swait.ge @!p2 [sflag:s7], $0x4000  }
0x18e: {  	[sflag:s7] =	ssyncset.done @!p2 $0x0  }
0x18f: {  	[sflag:s7] =	ssyncadd.s32 @!p2 $0xFFFFC000  }
0x190: {  	_ =	swait.ge @!p2 [sflag:s7], $0x80  }
0x191: {  	s20 =	sshll.u32 s26, $0x7;
	[sflag:s7] =	ssyncset.done @!p2 $0x0  }
0x192: {  	[sflag:s7] =	ssyncadd.s32 @!p2 $0xFFFFFF80;
	s7 =	sand.u32 $0x180, s20  }
0x193: {  	[tilespmem:s10], [sflag:$0x4] =	stream.indirect.gather [hbm4b:s22+s24], $0x80, s7, s24, $0xb8;
	[tilespmem:$0x1E800] =	vst v63  }
0x194: {  	s8 =	simm.s32 $0x680  }
0x195: {  	[tilespmem:s8], [sflag:$0x4] =	stream.indirect.gather [hbm4b:s23+s24], $0x1, s7, s24, $0xb8;
	[tilespmem:$0x1E800] =	vst v63  }
.LBB2_18:
0x196: {  	p2 =	sgt.u32 s18, $0x4E  }
.Ltmp16:
0x197: {  	_ = 	snop;
	(pc) =	sbr.rel @!p2 .LBB2_20-.Ltmp16, $4  }
.Ltmp17:
0x198: {  	_ = 	snop;
	(pc) =	sbr.rel @p2 .LBB2_21-.Ltmp17, $4  }
0x199: {  	_ = 	snop  }
0x19a: {  	_ = 	snop  }
0x19b: {  	_ = 	snop  }
0x19c: {  	_ = 	snop  }
.LBB2_23:
0x19d: {  	_ =	sfence.sel $0x180000  }
0x19e: {  	[bflag:$0x0] =	sbarrier.arrive $0xFFFF  }
0x19f: {  	_ =	strace $0x90000047  }
0x1a0: {  	s0 =	stileid.u32;
	[bflag:$0x2] =	sbarrier.arrive $0xFFFF  }
0x1a1: {  	p0 =	sne.s32 s0, $0x0;
	s0 =	rddreg [dreg:$0x7]  }
0x1a2: {  	s0 =	sadd.s32 @!p0 $0x100000, s0  }
0x1a3: {  	[sflag:s0] =	ssyncadd.tile.s32 @!p0 $0x1;
	_ =	shalt  }
.Lfunc_end2:
_tile_overlayer_lowered:
.L_overlay_start_2:
0x1a4: {  	(tag) =	ssettag $0x2  }
0x1a5: {  	s0 =	rddreg [dreg:$0x0];
	s2 =	stileid.u32  }
0x1a6: {  	s1 =	rddreg [dreg:$0x1];
	p0 =	sne.s32 s2, $0x0  }
0x1a7: {  	s3 =	rddreg [dreg:$0x2];
	[bflag:$0x3] =	sbarrier.arrive $0xFFFF;
	s2 =	simm.s32 @!p0 $0x1C08  }
0x1a8: {  	[timem:s3], [sflag:s2] =	dma.local @!p0 [hbm:s0], s1  }
0x1a9: {  	s0 =	simm.s32 @!p0 $0x8  }
0x1aa: {  	_ =	swait.ge @!p0 [sflag:s0], s1  }
0x1ab: {  	s1 =	ssub.s32 @!p0 $0x0, s1;
	[sflag:s0] =	ssyncset.done @!p0 $0x0  }
0x1ac: {  	[sflag:s0] =	ssyncadd.s32 @!p0 s1  }
0x1ad: {  	[bflag:$0x3] =	sbarrier.arrive $0xFFFF  }
0x1ae: {  	_ =	shalt  }

</sc_bundles>
